<compile_context>
chip_gen: v7x
topology: tpu7x:2x2x1
jax: 0.10.2.dev20260603
libtpu: 0.0.44.dev20260713+nightly
codegen_flags: <defaults>
</compile_context>

<pallas_src>
import functools

import jax
import jax.numpy as jnp
from jax import lax
from jax.experimental import pallas as pl
from jax.experimental.pallas import tpu as pltpu
from jax.experimental.pallas import tpu_sc as plsc

N_IDX = 16384
NUM_CLASSES = 128
EMB_DIM = 9
N_TILES = 16
PER_TILE = N_IDX // N_TILES
LANES = 16
CHUNKS = NUM_CLASSES // LANES
TAB = NUM_CLASSES * EMB_DIM
LN2 = 0.6931471805599453


def _perm(x, idx):
    return x.at[idx].get(mode="promise_in_bounds")


def _bf_sum(x):
    lanes = jnp.arange(LANES, dtype=jnp.int32)
    for k in (1, 2, 4, 8):
        x = x + _perm(x, lanes ^ k)
    return x


def _bf_max(x):
    lanes = jnp.arange(LANES, dtype=jnp.int32)
    for k in (1, 2, 4, 8):
        x = jnp.maximum(x, _perm(x, lanes ^ k))
    return x


def _vlog(x):
    bits = lax.bitcast_convert_type(x, jnp.int32)
    e = ((bits >> 23) & 0xFF) - 127
    m = lax.bitcast_convert_type(
        (bits & 0x007FFFFF) | 0x3F800000, jnp.float32)
    t = m - 1.0
    y = e.astype(jnp.float32) * LN2 + t * (1.0 - t * (0.5 - t * (1.0 / 3.0)))
    for _ in range(3):
        y = y - 1.0 + x * jnp.exp(-y)
    return y


def _crow_body(idx_hbm, embf_hbm, wf_hbm, b_hbm, out_hbm,
               idx_v, loc_v, allh_v, tab_v, out_v, shared_h,
               idx_sem, tab_sem):
    wid = lax.axis_index("s")
    base = wid * PER_TILE

    idx_cp = pltpu.async_copy(idx_hbm.at[pl.ds(base, PER_TILE)], idx_v,
                              idx_sem)

    @pl.when(wid == 0)
    def _prefetch_tables():
        pltpu.async_copy(embf_hbm, tab_v.at[pl.ds(0, TAB)], tab_sem)
        pltpu.async_copy(wf_hbm, tab_v.at[pl.ds(TAB, TAB)], tab_sem)
        pltpu.async_copy(b_hbm, tab_v.at[pl.ds(2 * TAB, NUM_CLASSES)],
                         tab_sem)

    zeros16 = jnp.zeros((LANES,), jnp.float32)
    for c in range(CHUNKS):
        loc_v[pl.ds(c * LANES, LANES)] = zeros16

    idx_cp.wait()

    ones16 = jnp.ones((LANES,), jnp.float32)
    for g in range(PER_TILE // LANES // 8):
        ivs = [idx_v[pl.ds((g * 8 + i) * LANES, LANES)] for i in range(8)]
        for iv in ivs:
            plsc.addupdate_scatter(loc_v, [iv], ones16)

    pltpu.sync_copy(loc_v, shared_h.at[wid])
    plsc.subcore_barrier()

    @pl.when(wid == 0)
    def _tail():
        pltpu.sync_copy(shared_h, allh_v)
        pltpu.make_async_copy(embf_hbm, tab_v.at[pl.ds(0, TAB)],
                              tab_sem).wait()
        pltpu.make_async_copy(wf_hbm, tab_v.at[pl.ds(TAB, TAB)],
                              tab_sem).wait()
        pltpu.make_async_copy(b_hbm, tab_v.at[pl.ds(2 * TAB, NUM_CLASSES)],
                              tab_sem).wait()

        hist = []
        for c in range(CHUNKS):
            acc = zeros16
            for w in range(N_TILES):
                acc = acc + allh_v[w, pl.ds(c * LANES, LANES)]
            hist.append(acc)

        stride9 = jnp.arange(LANES, dtype=jnp.int32) * EMB_DIM
        mean = []
        for d in range(EMB_DIM):
            acc = zeros16
            for c in range(CHUNKS):
                col = plsc.load_gather(
                    tab_v, [stride9 + (c * LANES * EMB_DIM + d)])
                acc = acc + hist[c] * col
            mean.append(_bf_sum(acc) * (1.0 / N_IDX))

        logits = []
        for c in range(CHUNKS):
            acc = tab_v[pl.ds(2 * TAB + c * LANES, LANES)]
            for d in range(EMB_DIM):
                wcol = plsc.load_gather(
                    tab_v, [stride9 + (TAB + c * LANES * EMB_DIM + d)])
                acc = acc + mean[d] * wcol
            logits.append(acc)

        m16 = logits[0]
        for c in range(1, CHUNKS):
            m16 = jnp.maximum(m16, logits[c])
        mx = _bf_max(m16)

        es = zeros16
        for c in range(CHUNKS):
            es = es + jnp.exp(logits[c] - mx)
        lse = _vlog(_bf_sum(es))

        for c in range(CHUNKS):
            out_v[pl.ds(c * LANES, LANES)] = logits[c] - mx - lse
        pltpu.sync_copy(out_v, out_hbm.at[0])


@jax.jit
def _crow(idx, emb_flat, w_flat, b):
    mesh = plsc.VectorSubcoreMesh(
        core_axis_name="c", subcore_axis_name="s", num_cores=1)
    f = functools.partial(
        pl.kernel,
        mesh=mesh,
        out_type=jax.ShapeDtypeStruct((1, NUM_CLASSES), jnp.float32),
        scratch_types=[
            pltpu.VMEM((PER_TILE,), jnp.int32),
            pltpu.VMEM((NUM_CLASSES,), jnp.float32),
            pltpu.VMEM((N_TILES, NUM_CLASSES), jnp.float32),
            pltpu.VMEM((2 * TAB + NUM_CLASSES,), jnp.float32),
            pltpu.VMEM((NUM_CLASSES,), jnp.float32),
            pltpu.VMEM_SHARED((N_TILES, NUM_CLASSES), jnp.float32),
            pltpu.SemaphoreType.DMA,
            pltpu.SemaphoreType.DMA,
        ],
        compiler_params=pltpu.CompilerParams(needs_layout_passes=False),
    )(_crow_body)
    return f(idx, emb_flat, w_flat, b)


def kernel(inputs, emb_table, W, b):
    idx = inputs.astype(jnp.int32)
    emb_flat = emb_table.reshape(-1)
    w_flat = W.reshape(-1)
    return _crow(idx, emb_flat, w_flat, b)

# --- scband reference (transcript-rebuilt; emitter-appended) ---
"""Pipeline reference for scband-crow-51883204936065 (READ-ONLY COPY).

The authoritative reference and input builder live on the scoring server;
editing this copy changes nothing except your own understanding.
"""

import jax, jax.numpy as jnp
import numpy as np


def setup_inputs(seed: int = 0) -> dict:
    key = jax.random.key(seed)
    k1, k2, k3, k4 = jax.random.split(key, 4)
    inputs = jax.random.randint(k1, (16384,), 0, 128, dtype=jnp.int64)
    # Embedding table: num_embeddings=128, embedding_dim=9 (torch default init: N(0,1))
    emb_table = jax.random.normal(k2, (128, 9), dtype=jnp.float32)
    # Linear(9, 128): weight [out=128, in=9], bias [128] (uniform(-1/sqrt(9), 1/sqrt(9)))
    bound = 1.0 / np.sqrt(9.0)
    W = jax.random.uniform(k3, (128, 9), dtype=jnp.float32, minval=-bound, maxval=bound)
    b = jax.random.uniform(k4, (128,), dtype=jnp.float32, minval=-bound, maxval=bound)
    return {"inputs": inputs, "emb_table": emb_table, "W": W, "b": b}


def reference(inputs, emb_table, W, b):
    # embedding lookup (gather)
    embs = jnp.take(emb_table, inputs, axis=0)          # [B, 9]
    embs = jnp.mean(embs, axis=0, keepdims=True)        # [1, 9]
    out = embs @ W.T + b                                 # [1, 128]
    probs = jax.nn.log_softmax(out, axis=1)
    return probs

if __name__ == "__main__":
    import jax
    _d = setup_inputs()
    print(jax.jit(kernel)(*tuple(_d.values())))

</pallas_src>

<mosaic_0001>
#map = affine_map<(d0, d1) -> (0)>
#map1 = affine_map<(d0, d1) -> (0, 0)>
module attributes {stable_mosaic.version = 14 : i64} {
  func.func @_crow_body(%arg0: i32, %arg1: i32, %arg2: memref<16384xi32, #tpu.memory_space<hbm>>, %arg3: memref<1152xf32, #tpu.memory_space<hbm>>, %arg4: memref<1152xf32, #tpu.memory_space<hbm>>, %arg5: memref<128xf32, #tpu.memory_space<hbm>>, %arg6: memref<1x128xf32, #tpu.memory_space<hbm>>, %arg7: memref<1024xi32, #tpu.memory_space<vmem>>, %arg8: memref<128xf32, #tpu.memory_space<vmem>>, %arg9: memref<16x128xf32, #tpu.memory_space<vmem>>, %arg10: memref<2432xf32, #tpu.memory_space<vmem>>, %arg11: memref<128xf32, #tpu.memory_space<vmem>>, %arg12: memref<16x128xf32, #tpu.memory_space<vmem_shared>>, %arg13: memref<!tpu.dma_semaphore, #tpu.memory_space<semaphore_mem>>, %arg14: memref<!tpu.dma_semaphore, #tpu.memory_space<semaphore_mem>>) attributes {dimension_semantics = [#tpu.dimension_semantics<core_parallel>, #tpu.dimension_semantics<subcore_parallel>], iteration_bounds = array<i64: 1, 16>, scalar_prefetch = 0 : i64, scratch_operands = 8 : i64, tpu.core_type = #tpu.core_type<sc_vector_subcore>, window_params = [{transform_indices = #map}, {transform_indices = #map}, {transform_indices = #map}, {transform_indices = #map}, {transform_indices = #map1}]} {
    %mul3A = arith.constant 1024 : i32
    %mul3A_0 = arith.muli %arg1, %mul3A : i32
    %dma_start3A = tpu.memref_slice %arg2[%mul3A_0] : memref<16384xi32, #tpu.memory_space<hbm>> -> memref<1024xi32, #tpu.memory_space<hbm>>
    %dma_start3A_1 = tpu.memref_slice %arg2[%mul3A_0] : memref<16384xi32, #tpu.memory_space<hbm>> -> memref<1024xi32, #tpu.memory_space<hbm>>
    tpu.enqueue_dma source(%dma_start3A_1 : memref<1024xi32, #tpu.memory_space<hbm>>) target(%arg7 : memref<1024xi32, #tpu.memory_space<vmem>>) target_semaphore(%arg13 : memref<!tpu.dma_semaphore, #tpu.memory_space<semaphore_mem>>)
    %eq3A = arith.constant 0 : i32
    %eq3A_2 = arith.cmpi eq, %arg1, %eq3A : i32
    %convert_element_type3A = arith.extui %eq3A_2 : i1 to i32
    %cond3A = arith.constant 0 : i32
    %cond3A_3 = arith.cmpi ne, %convert_element_type3A, %cond3A : i32
    scf.if %cond3A_3 {
      %dma_start3A_155 = arith.constant 0 : i32
      %dma_start3A_156 = tpu.memref_slice %arg10[%dma_start3A_155] : memref<2432xf32, #tpu.memory_space<vmem>> -> memref<1152xf32, #tpu.memory_space<vmem>>
      %dma_start3A_157 = arith.constant 0 : i32
      %dma_start3A_158 = tpu.memref_slice %arg10[%dma_start3A_157] : memref<2432xf32, #tpu.memory_space<vmem>> -> memref<1152xf32, #tpu.memory_space<vmem>>
      tpu.enqueue_dma source(%arg3 : memref<1152xf32, #tpu.memory_space<hbm>>) target(%dma_start3A_158 : memref<1152xf32, #tpu.memory_space<vmem>>) target_semaphore(%arg14 : memref<!tpu.dma_semaphore, #tpu.memory_space<semaphore_mem>>)
      %dma_start3A_159 = arith.constant 1152 : i32
      %dma_start3A_160 = tpu.memref_slice %arg10[%dma_start3A_159] : memref<2432xf32, #tpu.memory_space<vmem>> -> memref<1152xf32, #tpu.memory_space<vmem>>
      %dma_start3A_161 = arith.constant 1152 : i32
      %dma_start3A_162 = tpu.memref_slice %arg10[%dma_start3A_161] : memref<2432xf32, #tpu.memory_space<vmem>> -> memref<1152xf32, #tpu.memory_space<vmem>>
      tpu.enqueue_dma source(%arg4 : memref<1152xf32, #tpu.memory_space<hbm>>) target(%dma_start3A_162 : memref<1152xf32, #tpu.memory_space<vmem>>) target_semaphore(%arg14 : memref<!tpu.dma_semaphore, #tpu.memory_space<semaphore_mem>>)
      %dma_start3A_163 = arith.constant 2304 : i32
      %dma_start3A_164 = tpu.memref_slice %arg10[%dma_start3A_163] : memref<2432xf32, #tpu.memory_space<vmem>> -> memref<128xf32, #tpu.memory_space<vmem>>
      %dma_start3A_165 = arith.constant 2304 : i32
      %dma_start3A_166 = tpu.memref_slice %arg10[%dma_start3A_165] : memref<2432xf32, #tpu.memory_space<vmem>> -> memref<128xf32, #tpu.memory_space<vmem>>
      tpu.enqueue_dma source(%arg5 : memref<128xf32, #tpu.memory_space<hbm>>) target(%dma_start3A_166 : memref<128xf32, #tpu.memory_space<vmem>>) target_semaphore(%arg14 : memref<!tpu.dma_semaphore, #tpu.memory_space<semaphore_mem>>)
    } else {
    }
    %broadcast_in_dim3A = arith.constant 0.000000e+00 : f32
    %broadcast_in_dim3A_4 = vector.broadcast %broadcast_in_dim3A : f32 to vector<16xf32>
    %swap3A = arith.constant 0 : index
    %swap3A_5 = tpu.vector_load %arg8[%swap3A] {strides = array<i32>} : memref<128xf32, #tpu.memory_space<vmem>>, vector<16xf32>,
    tpu.vector_store %arg8[%swap3A], %broadcast_in_dim3A_4 {strides = array<i32>} : memref<128xf32, #tpu.memory_space<vmem>>, vector<16xf32>,
    %swap3A_6 = arith.constant 16 : index
    %swap3A_7 = tpu.vector_load %arg8[%swap3A_6] {strides = array<i32>} : memref<128xf32, #tpu.memory_space<vmem>>, vector<16xf32>,
    tpu.vector_store %arg8[%swap3A_6], %broadcast_in_dim3A_4 {strides = array<i32>} : memref<128xf32, #tpu.memory_space<vmem>>, vector<16xf32>,
    %swap3A_8 = arith.constant 32 : index
    %swap3A_9 = tpu.vector_load %arg8[%swap3A_8] {strides = array<i32>} : memref<128xf32, #tpu.memory_space<vmem>>, vector<16xf32>,
    tpu.vector_store %arg8[%swap3A_8], %broadcast_in_dim3A_4 {strides = array<i32>} : memref<128xf32, #tpu.memory_space<vmem>>, vector<16xf32>,
    %swap3A_10 = arith.constant 48 : index
    %swap3A_11 = tpu.vector_load %arg8[%swap3A_10] {strides = array<i32>} : memref<128xf32, #tpu.memory_space<vmem>>, vector<16xf32>,
    tpu.vector_store %arg8[%swap3A_10], %broadcast_in_dim3A_4 {strides = array<i32>} : memref<128xf32, #tpu.memory_space<vmem>>, vector<16xf32>,
    %swap3A_12 = arith.constant 64 : index
    %swap3A_13 = tpu.vector_load %arg8[%swap3A_12] {strides = array<i32>} : memref<128xf32, #tpu.memory_space<vmem>>, vector<16xf32>,
    tpu.vector_store %arg8[%swap3A_12], %broadcast_in_dim3A_4 {strides = array<i32>} : memref<128xf32, #tpu.memory_space<vmem>>, vector<16xf32>,
    %swap3A_14 = arith.constant 80 : index
    %swap3A_15 = tpu.vector_load %arg8[%swap3A_14] {strides = array<i32>} : memref<128xf32, #tpu.memory_space<vmem>>, vector<16xf32>,
    tpu.vector_store %arg8[%swap3A_14], %broadcast_in_dim3A_4 {strides = array<i32>} : memref<128xf32, #tpu.memory_space<vmem>>, vector<16xf32>,
    %swap3A_16 = arith.constant 96 : index
    %swap3A_17 = tpu.vector_load %arg8[%swap3A_16] {strides = array<i32>} : memref<128xf32, #tpu.memory_space<vmem>>, vector<16xf32>,
    tpu.vector_store %arg8[%swap3A_16], %broadcast_in_dim3A_4 {strides = array<i32>} : memref<128xf32, #tpu.memory_space<vmem>>, vector<16xf32>,
    %swap3A_18 = arith.constant 112 : index
    %swap3A_19 = tpu.vector_load %arg8[%swap3A_18] {strides = array<i32>} : memref<128xf32, #tpu.memory_space<vmem>>, vector<16xf32>,
    tpu.vector_store %arg8[%swap3A_18], %broadcast_in_dim3A_4 {strides = array<i32>} : memref<128xf32, #tpu.memory_space<vmem>>, vector<16xf32>,
    %dma_wait3A = tpu.memref_slice %arg2[%mul3A_0] : memref<16384xi32, #tpu.memory_space<hbm>> -> memref<1024xi32, #tpu.memory_space<hbm>>
    %dma_wait3A_20 = tpu.memref_slice %arg2[%mul3A_0] : memref<16384xi32, #tpu.memory_space<hbm>> -> memref<1024xi32, #tpu.memory_space<hbm>>
    tpu.wait_dma2 semaphore(%arg13 : memref<!tpu.dma_semaphore, #tpu.memory_space<semaphore_mem>>) src(%dma_wait3A_20 : memref<1024xi32, #tpu.memory_space<hbm>>) dst(%arg7 : memref<1024xi32, #tpu.memory_space<vmem>>)
    %broadcast_in_dim3A_21 = arith.constant 1.000000e+00 : f32
    %broadcast_in_dim3A_22 = vector.broadcast %broadcast_in_dim3A_21 : f32 to vector<16xf32>
    %get3A = arith.constant 0 : index
    %get3A_23 = tpu.vector_load %arg7[%get3A] {strides = array<i32>} : memref<1024xi32, #tpu.memory_space<vmem>>, vector<16xi32>,
    %get3A_24 = arith.constant 16 : index
    %get3A_25 = tpu.vector_load %arg7[%get3A_24] {strides = array<i32>} : memref<1024xi32, #tpu.memory_space<vmem>>, vector<16xi32>,
    %get3A_26 = arith.constant 32 : index
    %get3A_27 = tpu.vector_load %arg7[%get3A_26] {strides = array<i32>} : memref<1024xi32, #tpu.memory_space<vmem>>, vector<16xi32>,
    %get3A_28 = arith.constant 48 : index
    %get3A_29 = tpu.vector_load %arg7[%get3A_28] {strides = array<i32>} : memref<1024xi32, #tpu.memory_space<vmem>>, vector<16xi32>,
    %get3A_30 = arith.constant 64 : index
    %get3A_31 = tpu.vector_load %arg7[%get3A_30] {strides = array<i32>} : memref<1024xi32, #tpu.memory_space<vmem>>, vector<16xi32>,
    %get3A_32 = arith.constant 80 : index
    %get3A_33 = tpu.vector_load %arg7[%get3A_32] {strides = array<i32>} : memref<1024xi32, #tpu.memory_space<vmem>>, vector<16xi32>,
    %get3A_34 = arith.constant 96 : index
    %get3A_35 = tpu.vector_load %arg7[%get3A_34] {strides = array<i32>} : memref<1024xi32, #tpu.memory_space<vmem>>, vector<16xi32>,
    %get3A_36 = arith.constant 112 : index
    %get3A_37 = tpu.vector_load %arg7[%get3A_36] {strides = array<i32>} : memref<1024xi32, #tpu.memory_space<vmem>>, vector<16xi32>,
    tpu.vector_store_idx %arg8[%get3A_23], %broadcast_in_dim3A_22 {add = true} : memref<128xf32, #tpu.memory_space<vmem>>[vector<16xi32>], vector<16xf32>,
    tpu.vector_store_idx %arg8[%get3A_25], %broadcast_in_dim3A_22 {add = true} : memref<128xf32, #tpu.memory_space<vmem>>[vector<16xi32>], vector<16xf32>,
    tpu.vector_store_idx %arg8[%get3A_27], %broadcast_in_dim3A_22 {add = true} : memref<128xf32, #tpu.memory_space<vmem>>[vector<16xi32>], vector<16xf32>,
    tpu.vector_store_idx %arg8[%get3A_29], %broadcast_in_dim3A_22 {add = true} : memref<128xf32, #tpu.memory_space<vmem>>[vector<16xi32>], vector<16xf32>,
    tpu.vector_store_idx %arg8[%get3A_31], %broadcast_in_dim3A_22 {add = true} : memref<128xf32, #tpu.memory_space<vmem>>[vector<16xi32>], vector<16xf32>,
    tpu.vector_store_idx %arg8[%get3A_33], %broadcast_in_dim3A_22 {add = true} : memref<128xf32, #tpu.memory_space<vmem>>[vector<16xi32>], vector<16xf32>,
    tpu.vector_store_idx %arg8[%get3A_35], %broadcast_in_dim3A_22 {add = true} : memref<128xf32, #tpu.memory_space<vmem>>[vector<16xi32>], vector<16xf32>,
    tpu.vector_store_idx %arg8[%get3A_37], %broadcast_in_dim3A_22 {add = true} : memref<128xf32, #tpu.memory_space<vmem>>[vector<16xi32>], vector<16xf32>,
    %get3A_38 = arith.constant 128 : index
    %get3A_39 = tpu.vector_load %arg7[%get3A_38] {strides = array<i32>} : memref<1024xi32, #tpu.memory_space<vmem>>, vector<16xi32>,
    %get3A_40 = arith.constant 144 : index
    %get3A_41 = tpu.vector_load %arg7[%get3A_40] {strides = array<i32>} : memref<1024xi32, #tpu.memory_space<vmem>>, vector<16xi32>,
    %get3A_42 = arith.constant 160 : index
    %get3A_43 = tpu.vector_load %arg7[%get3A_42] {strides = array<i32>} : memref<1024xi32, #tpu.memory_space<vmem>>, vector<16xi32>,
    %get3A_44 = arith.constant 176 : index
    %get3A_45 = tpu.vector_load %arg7[%get3A_44] {strides = array<i32>} : memref<1024xi32, #tpu.memory_space<vmem>>, vector<16xi32>,
    %get3A_46 = arith.constant 192 : index
    %get3A_47 = tpu.vector_load %arg7[%get3A_46] {strides = array<i32>} : memref<1024xi32, #tpu.memory_space<vmem>>, vector<16xi32>,
    %get3A_48 = arith.constant 208 : index
    %get3A_49 = tpu.vector_load %arg7[%get3A_48] {strides = array<i32>} : memref<1024xi32, #tpu.memory_space<vmem>>, vector<16xi32>,
    %get3A_50 = arith.constant 224 : index
    %get3A_51 = tpu.vector_load %arg7[%get3A_50] {strides = array<i32>} : memref<1024xi32, #tpu.memory_space<vmem>>, vector<16xi32>,
    %get3A_52 = arith.constant 240 : index
    %get3A_53 = tpu.vector_load %arg7[%get3A_52] {strides = array<i32>} : memref<1024xi32, #tpu.memory_space<vmem>>, vector<16xi32>,
    tpu.vector_store_idx %arg8[%get3A_39], %broadcast_in_dim3A_22 {add = true} : memref<128xf32, #tpu.memory_space<vmem>>[vector<16xi32>], vector<16xf32>,
    tpu.vector_store_idx %arg8[%get3A_41], %broadcast_in_dim3A_22 {add = true} : memref<128xf32, #tpu.memory_space<vmem>>[vector<16xi32>], vector<16xf32>,
    tpu.vector_store_idx %arg8[%get3A_43], %broadcast_in_dim3A_22 {add = true} : memref<128xf32, #tpu.memory_space<vmem>>[vector<16xi32>], vector<16xf32>,
    tpu.vector_store_idx %arg8[%get3A_45], %broadcast_in_dim3A_22 {add = true} : memref<128xf32, #tpu.memory_space<vmem>>[vector<16xi32>], vector<16xf32>,
    tpu.vector_store_idx %arg8[%get3A_47], %broadcast_in_dim3A_22 {add = true} : memref<128xf32, #tpu.memory_space<vmem>>[vector<16xi32>], vector<16xf32>,
    tpu.vector_store_idx %arg8[%get3A_49], %broadcast_in_dim3A_22 {add = true} : memref<128xf32, #tpu.memory_space<vmem>>[vector<16xi32>], vector<16xf32>,
    tpu.vector_store_idx %arg8[%get3A_51], %broadcast_in_dim3A_22 {add = true} : memref<128xf32, #tpu.memory_space<vmem>>[vector<16xi32>], vector<16xf32>,
    tpu.vector_store_idx %arg8[%get3A_53], %broadcast_in_dim3A_22 {add = true} : memref<128xf32, #tpu.memory_space<vmem>>[vector<16xi32>], vector<16xf32>,
    %get3A_54 = arith.constant 256 : index
    %get3A_55 = tpu.vector_load %arg7[%get3A_54] {strides = array<i32>} : memref<1024xi32, #tpu.memory_space<vmem>>, vector<16xi32>,
    %get3A_56 = arith.constant 272 : index
    %get3A_57 = tpu.vector_load %arg7[%get3A_56] {strides = array<i32>} : memref<1024xi32, #tpu.memory_space<vmem>>, vector<16xi32>,
    %get3A_58 = arith.constant 288 : index
    %get3A_59 = tpu.vector_load %arg7[%get3A_58] {strides = array<i32>} : memref<1024xi32, #tpu.memory_space<vmem>>, vector<16xi32>,
    %get3A_60 = arith.constant 304 : index
    %get3A_61 = tpu.vector_load %arg7[%get3A_60] {strides = array<i32>} : memref<1024xi32, #tpu.memory_space<vmem>>, vector<16xi32>,
    %get3A_62 = arith.constant 320 : index
    %get3A_63 = tpu.vector_load %arg7[%get3A_62] {strides = array<i32>} : memref<1024xi32, #tpu.memory_space<vmem>>, vector<16xi32>,
    %get3A_64 = arith.constant 336 : index
    %get3A_65 = tpu.vector_load %arg7[%get3A_64] {strides = array<i32>} : memref<1024xi32, #tpu.memory_space<vmem>>, vector<16xi32>,
    %get3A_66 = arith.constant 352 : index
    %get3A_67 = tpu.vector_load %arg7[%get3A_66] {strides = array<i32>} : memref<1024xi32, #tpu.memory_space<vmem>>, vector<16xi32>,
    %get3A_68 = arith.constant 368 : index
    %get3A_69 = tpu.vector_load %arg7[%get3A_68] {strides = array<i32>} : memref<1024xi32, #tpu.memory_space<vmem>>, vector<16xi32>,
    tpu.vector_store_idx %arg8[%get3A_55], %broadcast_in_dim3A_22 {add = true} : memref<128xf32, #tpu.memory_space<vmem>>[vector<16xi32>], vector<16xf32>,
    tpu.vector_store_idx %arg8[%get3A_57], %broadcast_in_dim3A_22 {add = true} : memref<128xf32, #tpu.memory_space<vmem>>[vector<16xi32>], vector<16xf32>,
    tpu.vector_store_idx %arg8[%get3A_59], %broadcast_in_dim3A_22 {add = true} : memref<128xf32, #tpu.memory_space<vmem>>[vector<16xi32>], vector<16xf32>,
    tpu.vector_store_idx %arg8[%get3A_61], %broadcast_in_dim3A_22 {add = true} : memref<128xf32, #tpu.memory_space<vmem>>[vector<16xi32>], vector<16xf32>,
    tpu.vector_store_idx %arg8[%get3A_63], %broadcast_in_dim3A_22 {add = true} : memref<128xf32, #tpu.memory_space<vmem>>[vector<16xi32>], vector<16xf32>,
    tpu.vector_store_idx %arg8[%get3A_65], %broadcast_in_dim3A_22 {add = true} : memref<128xf32, #tpu.memory_space<vmem>>[vector<16xi32>], vector<16xf32>,
    tpu.vector_store_idx %arg8[%get3A_67], %broadcast_in_dim3A_22 {add = true} : memref<128xf32, #tpu.memory_space<vmem>>[vector<16xi32>], vector<16xf32>,
    tpu.vector_store_idx %arg8[%get3A_69], %broadcast_in_dim3A_22 {add = true} : memref<128xf32, #tpu.memory_space<vmem>>[vector<16xi32>], vector<16xf32>,
    %get3A_70 = arith.constant 384 : index
    %get3A_71 = tpu.vector_load %arg7[%get3A_70] {strides = array<i32>} : memref<1024xi32, #tpu.memory_space<vmem>>, vector<16xi32>,
    %get3A_72 = arith.constant 400 : index
    %get3A_73 = tpu.vector_load %arg7[%get3A_72] {strides = array<i32>} : memref<1024xi32, #tpu.memory_space<vmem>>, vector<16xi32>,
    %get3A_74 = arith.constant 416 : index
    %get3A_75 = tpu.vector_load %arg7[%get3A_74] {strides = array<i32>} : memref<1024xi32, #tpu.memory_space<vmem>>, vector<16xi32>,
    %get3A_76 = arith.constant 432 : index
    %get3A_77 = tpu.vector_load %arg7[%get3A_76] {strides = array<i32>} : memref<1024xi32, #tpu.memory_space<vmem>>, vector<16xi32>,
    %get3A_78 = arith.constant 448 : index
    %get3A_79 = tpu.vector_load %arg7[%get3A_78] {strides = array<i32>} : memref<1024xi32, #tpu.memory_space<vmem>>, vector<16xi32>,
    %get3A_80 = arith.constant 464 : index
    %get3A_81 = tpu.vector_load %arg7[%get3A_80] {strides = array<i32>} : memref<1024xi32, #tpu.memory_space<vmem>>, vector<16xi32>,
    %get3A_82 = arith.constant 480 : index
    %get3A_83 = tpu.vector_load %arg7[%get3A_82] {strides = array<i32>} : memref<1024xi32, #tpu.memory_space<vmem>>, vector<16xi32>,
    %get3A_84 = arith.constant 496 : index
    %get3A_85 = tpu.vector_load %arg7[%get3A_84] {strides = array<i32>} : memref<1024xi32, #tpu.memory_space<vmem>>, vector<16xi32>,
    tpu.vector_store_idx %arg8[%get3A_71], %broadcast_in_dim3A_22 {add = true} : memref<128xf32, #tpu.memory_space<vmem>>[vector<16xi32>], vector<16xf32>,
    tpu.vector_store_idx %arg8[%get3A_73], %broadcast_in_dim3A_22 {add = true} : memref<128xf32, #tpu.memory_space<vmem>>[vector<16xi32>], vector<16xf32>,
    tpu.vector_store_idx %arg8[%get3A_75], %broadcast_in_dim3A_22 {add = true} : memref<128xf32, #tpu.memory_space<vmem>>[vector<16xi32>], vector<16xf32>,
    tpu.vector_store_idx %arg8[%get3A_77], %broadcast_in_dim3A_22 {add = true} : memref<128xf32, #tpu.memory_space<vmem>>[vector<16xi32>], vector<16xf32>,
    tpu.vector_store_idx %arg8[%get3A_79], %broadcast_in_dim3A_22 {add = true} : memref<128xf32, #tpu.memory_space<vmem>>[vector<16xi32>], vector<16xf32>,
    tpu.vector_store_idx %arg8[%get3A_81], %broadcast_in_dim3A_22 {add = true} : memref<128xf32, #tpu.memory_space<vmem>>[vector<16xi32>], vector<16xf32>,
    tpu.vector_store_idx %arg8[%get3A_83], %broadcast_in_dim3A_22 {add = true} : memref<128xf32, #tpu.memory_space<vmem>>[vector<16xi32>], vector<16xf32>,
    tpu.vector_store_idx %arg8[%get3A_85], %broadcast_in_dim3A_22 {add = true} : memref<128xf32, #tpu.memory_space<vmem>>[vector<16xi32>], vector<16xf32>,
    %get3A_86 = arith.constant 512 : index
    %get3A_87 = tpu.vector_load %arg7[%get3A_86] {strides = array<i32>} : memref<1024xi32, #tpu.memory_space<vmem>>, vector<16xi32>,
    %get3A_88 = arith.constant 528 : index
    %get3A_89 = tpu.vector_load %arg7[%get3A_88] {strides = array<i32>} : memref<1024xi32, #tpu.memory_space<vmem>>, vector<16xi32>,
    %get3A_90 = arith.constant 544 : index
    %get3A_91 = tpu.vector_load %arg7[%get3A_90] {strides = array<i32>} : memref<1024xi32, #tpu.memory_space<vmem>>, vector<16xi32>,
    %get3A_92 = arith.constant 560 : index
    %get3A_93 = tpu.vector_load %arg7[%get3A_92] {strides = array<i32>} : memref<1024xi32, #tpu.memory_space<vmem>>, vector<16xi32>,
    %get3A_94 = arith.constant 576 : index
    %get3A_95 = tpu.vector_load %arg7[%get3A_94] {strides = array<i32>} : memref<1024xi32, #tpu.memory_space<vmem>>, vector<16xi32>,
    %get3A_96 = arith.constant 592 : index
    %get3A_97 = tpu.vector_load %arg7[%get3A_96] {strides = array<i32>} : memref<1024xi32, #tpu.memory_space<vmem>>, vector<16xi32>,
    %get3A_98 = arith.constant 608 : index
    %get3A_99 = tpu.vector_load %arg7[%get3A_98] {strides = array<i32>} : memref<1024xi32, #tpu.memory_space<vmem>>, vector<16xi32>,
    %get3A_100 = arith.constant 624 : index
    %get3A_101 = tpu.vector_load %arg7[%get3A_100] {strides = array<i32>} : memref<1024xi32, #tpu.memory_space<vmem>>, vector<16xi32>,
    tpu.vector_store_idx %arg8[%get3A_87], %broadcast_in_dim3A_22 {add = true} : memref<128xf32, #tpu.memory_space<vmem>>[vector<16xi32>], vector<16xf32>,
    tpu.vector_store_idx %arg8[%get3A_89], %broadcast_in_dim3A_22 {add = true} : memref<128xf32, #tpu.memory_space<vmem>>[vector<16xi32>], vector<16xf32>,
    tpu.vector_store_idx %arg8[%get3A_91], %broadcast_in_dim3A_22 {add = true} : memref<128xf32, #tpu.memory_space<vmem>>[vector<16xi32>], vector<16xf32>,
    tpu.vector_store_idx %arg8[%get3A_93], %broadcast_in_dim3A_22 {add = true} : memref<128xf32, #tpu.memory_space<vmem>>[vector<16xi32>], vector<16xf32>,
    tpu.vector_store_idx %arg8[%get3A_95], %broadcast_in_dim3A_22 {add = true} : memref<128xf32, #tpu.memory_space<vmem>>[vector<16xi32>], vector<16xf32>,
    tpu.vector_store_idx %arg8[%get3A_97], %broadcast_in_dim3A_22 {add = true} : memref<128xf32, #tpu.memory_space<vmem>>[vector<16xi32>], vector<16xf32>,
    tpu.vector_store_idx %arg8[%get3A_99], %broadcast_in_dim3A_22 {add = true} : memref<128xf32, #tpu.memory_space<vmem>>[vector<16xi32>], vector<16xf32>,
    tpu.vector_store_idx %arg8[%get3A_101], %broadcast_in_dim3A_22 {add = true} : memref<128xf32, #tpu.memory_space<vmem>>[vector<16xi32>], vector<16xf32>,
    %get3A_102 = arith.constant 640 : index
    %get3A_103 = tpu.vector_load %arg7[%get3A_102] {strides = array<i32>} : memref<1024xi32, #tpu.memory_space<vmem>>, vector<16xi32>,
    %get3A_104 = arith.constant 656 : index
    %get3A_105 = tpu.vector_load %arg7[%get3A_104] {strides = array<i32>} : memref<1024xi32, #tpu.memory_space<vmem>>, vector<16xi32>,
    %get3A_106 = arith.constant 672 : index
    %get3A_107 = tpu.vector_load %arg7[%get3A_106] {strides = array<i32>} : memref<1024xi32, #tpu.memory_space<vmem>>, vector<16xi32>,
    %get3A_108 = arith.constant 688 : index
    %get3A_109 = tpu.vector_load %arg7[%get3A_108] {strides = array<i32>} : memref<1024xi32, #tpu.memory_space<vmem>>, vector<16xi32>,
    %get3A_110 = arith.constant 704 : index
    %get3A_111 = tpu.vector_load %arg7[%get3A_110] {strides = array<i32>} : memref<1024xi32, #tpu.memory_space<vmem>>, vector<16xi32>,
    %get3A_112 = arith.constant 720 : index
    %get3A_113 = tpu.vector_load %arg7[%get3A_112] {strides = array<i32>} : memref<1024xi32, #tpu.memory_space<vmem>>, vector<16xi32>,
    %get3A_114 = arith.constant 736 : index
    %get3A_115 = tpu.vector_load %arg7[%get3A_114] {strides = array<i32>} : memref<1024xi32, #tpu.memory_space<vmem>>, vector<16xi32>,
    %get3A_116 = arith.constant 752 : index
    %get3A_117 = tpu.vector_load %arg7[%get3A_116] {strides = array<i32>} : memref<1024xi32, #tpu.memory_space<vmem>>, vector<16xi32>,
    tpu.vector_store_idx %arg8[%get3A_103], %broadcast_in_dim3A_22 {add = true} : memref<128xf32, #tpu.memory_space<vmem>>[vector<16xi32>], vector<16xf32>,
    tpu.vector_store_idx %arg8[%get3A_105], %broadcast_in_dim3A_22 {add = true} : memref<128xf32, #tpu.memory_space<vmem>>[vector<16xi32>], vector<16xf32>,
    tpu.vector_store_idx %arg8[%get3A_107], %broadcast_in_dim3A_22 {add = true} : memref<128xf32, #tpu.memory_space<vmem>>[vector<16xi32>], vector<16xf32>,
    tpu.vector_store_idx %arg8[%get3A_109], %broadcast_in_dim3A_22 {add = true} : memref<128xf32, #tpu.memory_space<vmem>>[vector<16xi32>], vector<16xf32>,
    tpu.vector_store_idx %arg8[%get3A_111], %broadcast_in_dim3A_22 {add = true} : memref<128xf32, #tpu.memory_space<vmem>>[vector<16xi32>], vector<16xf32>,
    tpu.vector_store_idx %arg8[%get3A_113], %broadcast_in_dim3A_22 {add = true} : memref<128xf32, #tpu.memory_space<vmem>>[vector<16xi32>], vector<16xf32>,
    tpu.vector_store_idx %arg8[%get3A_115], %broadcast_in_dim3A_22 {add = true} : memref<128xf32, #tpu.memory_space<vmem>>[vector<16xi32>], vector<16xf32>,
    tpu.vector_store_idx %arg8[%get3A_117], %broadcast_in_dim3A_22 {add = true} : memref<128xf32, #tpu.memory_space<vmem>>[vector<16xi32>], vector<16xf32>,
    %get3A_118 = arith.constant 768 : index
    %get3A_119 = tpu.vector_load %arg7[%get3A_118] {strides = array<i32>} : memref<1024xi32, #tpu.memory_space<vmem>>, vector<16xi32>,
    %get3A_120 = arith.constant 784 : index
    %get3A_121 = tpu.vector_load %arg7[%get3A_120] {strides = array<i32>} : memref<1024xi32, #tpu.memory_space<vmem>>, vector<16xi32>,
    %get3A_122 = arith.constant 800 : index
    %get3A_123 = tpu.vector_load %arg7[%get3A_122] {strides = array<i32>} : memref<1024xi32, #tpu.memory_space<vmem>>, vector<16xi32>,
    %get3A_124 = arith.constant 816 : index
    %get3A_125 = tpu.vector_load %arg7[%get3A_124] {strides = array<i32>} : memref<1024xi32, #tpu.memory_space<vmem>>, vector<16xi32>,
    %get3A_126 = arith.constant 832 : index
    %get3A_127 = tpu.vector_load %arg7[%get3A_126] {strides = array<i32>} : memref<1024xi32, #tpu.memory_space<vmem>>, vector<16xi32>,
    %get3A_128 = arith.constant 848 : index
    %get3A_129 = tpu.vector_load %arg7[%get3A_128] {strides = array<i32>} : memref<1024xi32, #tpu.memory_space<vmem>>, vector<16xi32>,
    %get3A_130 = arith.constant 864 : index
    %get3A_131 = tpu.vector_load %arg7[%get3A_130] {strides = array<i32>} : memref<1024xi32, #tpu.memory_space<vmem>>, vector<16xi32>,
    %get3A_132 = arith.constant 880 : index
    %get3A_133 = tpu.vector_load %arg7[%get3A_132] {strides = array<i32>} : memref<1024xi32, #tpu.memory_space<vmem>>, vector<16xi32>,
    tpu.vector_store_idx %arg8[%get3A_119], %broadcast_in_dim3A_22 {add = true} : memref<128xf32, #tpu.memory_space<vmem>>[vector<16xi32>], vector<16xf32>,
    tpu.vector_store_idx %arg8[%get3A_121], %broadcast_in_dim3A_22 {add = true} : memref<128xf32, #tpu.memory_space<vmem>>[vector<16xi32>], vector<16xf32>,
    tpu.vector_store_idx %arg8[%get3A_123], %broadcast_in_dim3A_22 {add = true} : memref<128xf32, #tpu.memory_space<vmem>>[vector<16xi32>], vector<16xf32>,
    tpu.vector_store_idx %arg8[%get3A_125], %broadcast_in_dim3A_22 {add = true} : memref<128xf32, #tpu.memory_space<vmem>>[vector<16xi32>], vector<16xf32>,
    tpu.vector_store_idx %arg8[%get3A_127], %broadcast_in_dim3A_22 {add = true} : memref<128xf32, #tpu.memory_space<vmem>>[vector<16xi32>], vector<16xf32>,
    tpu.vector_store_idx %arg8[%get3A_129], %broadcast_in_dim3A_22 {add = true} : memref<128xf32, #tpu.memory_space<vmem>>[vector<16xi32>], vector<16xf32>,
    tpu.vector_store_idx %arg8[%get3A_131], %broadcast_in_dim3A_22 {add = true} : memref<128xf32, #tpu.memory_space<vmem>>[vector<16xi32>], vector<16xf32>,
    tpu.vector_store_idx %arg8[%get3A_133], %broadcast_in_dim3A_22 {add = true} : memref<128xf32, #tpu.memory_space<vmem>>[vector<16xi32>], vector<16xf32>,
    %get3A_134 = arith.constant 896 : index
    %get3A_135 = tpu.vector_load %arg7[%get3A_134] {strides = array<i32>} : memref<1024xi32, #tpu.memory_space<vmem>>, vector<16xi32>,
    %get3A_136 = arith.constant 912 : index
    %get3A_137 = tpu.vector_load %arg7[%get3A_136] {strides = array<i32>} : memref<1024xi32, #tpu.memory_space<vmem>>, vector<16xi32>,
    %get3A_138 = arith.constant 928 : index
    %get3A_139 = tpu.vector_load %arg7[%get3A_138] {strides = array<i32>} : memref<1024xi32, #tpu.memory_space<vmem>>, vector<16xi32>,
    %get3A_140 = arith.constant 944 : index
    %get3A_141 = tpu.vector_load %arg7[%get3A_140] {strides = array<i32>} : memref<1024xi32, #tpu.memory_space<vmem>>, vector<16xi32>,
    %get3A_142 = arith.constant 960 : index
    %get3A_143 = tpu.vector_load %arg7[%get3A_142] {strides = array<i32>} : memref<1024xi32, #tpu.memory_space<vmem>>, vector<16xi32>,
    %get3A_144 = arith.constant 976 : index
    %get3A_145 = tpu.vector_load %arg7[%get3A_144] {strides = array<i32>} : memref<1024xi32, #tpu.memory_space<vmem>>, vector<16xi32>,
    %get3A_146 = arith.constant 992 : index
    %get3A_147 = tpu.vector_load %arg7[%get3A_146] {strides = array<i32>} : memref<1024xi32, #tpu.memory_space<vmem>>, vector<16xi32>,
    %get3A_148 = arith.constant 1008 : index
    %get3A_149 = tpu.vector_load %arg7[%get3A_148] {strides = array<i32>} : memref<1024xi32, #tpu.memory_space<vmem>>, vector<16xi32>,
    tpu.vector_store_idx %arg8[%get3A_135], %broadcast_in_dim3A_22 {add = true} : memref<128xf32, #tpu.memory_space<vmem>>[vector<16xi32>], vector<16xf32>,
    tpu.vector_store_idx %arg8[%get3A_137], %broadcast_in_dim3A_22 {add = true} : memref<128xf32, #tpu.memory_space<vmem>>[vector<16xi32>], vector<16xf32>,
    tpu.vector_store_idx %arg8[%get3A_139], %broadcast_in_dim3A_22 {add = true} : memref<128xf32, #tpu.memory_space<vmem>>[vector<16xi32>], vector<16xf32>,
    tpu.vector_store_idx %arg8[%get3A_141], %broadcast_in_dim3A_22 {add = true} : memref<128xf32, #tpu.memory_space<vmem>>[vector<16xi32>], vector<16xf32>,
    tpu.vector_store_idx %arg8[%get3A_143], %broadcast_in_dim3A_22 {add = true} : memref<128xf32, #tpu.memory_space<vmem>>[vector<16xi32>], vector<16xf32>,
    tpu.vector_store_idx %arg8[%get3A_145], %broadcast_in_dim3A_22 {add = true} : memref<128xf32, #tpu.memory_space<vmem>>[vector<16xi32>], vector<16xf32>,
    tpu.vector_store_idx %arg8[%get3A_147], %broadcast_in_dim3A_22 {add = true} : memref<128xf32, #tpu.memory_space<vmem>>[vector<16xi32>], vector<16xf32>,
    tpu.vector_store_idx %arg8[%get3A_149], %broadcast_in_dim3A_22 {add = true} : memref<128xf32, #tpu.memory_space<vmem>>[vector<16xi32>], vector<16xf32>,
    "tpu.region"() ({
      %run_scoped3A = tpu.sem_alloc : memref<!tpu.dma_semaphore, #tpu.memory_space<semaphore_mem>>
      %dma_start3A_155 = arith.constant 0 : i32
      %dma_start3A_156 = tpu.memref_slice %arg12[%arg1, %dma_start3A_155] : memref<16x128xf32, #tpu.memory_space<vmem_shared>> -> memref<1x128xf32, #tpu.memory_space<vmem_shared>>
      %dma_start3A_157 = tpu.memref_squeeze %dma_start3A_156 : memref<1x128xf32, #tpu.memory_space<vmem_shared>> -> memref<128xf32, #tpu.memory_space<vmem_shared>>
      %dma_start3A_158 = arith.constant 0 : i32
      %dma_start3A_159 = tpu.memref_slice %arg12[%arg1, %dma_start3A_158] : memref<16x128xf32, #tpu.memory_space<vmem_shared>> -> memref<1x128xf32, #tpu.memory_space<vmem_shared>>
      %dma_start3A_160 = tpu.memref_squeeze %dma_start3A_159 : memref<1x128xf32, #tpu.memory_space<vmem_shared>> -> memref<128xf32, #tpu.memory_space<vmem_shared>>
      tpu.enqueue_dma source(%arg8 : memref<128xf32, #tpu.memory_space<vmem>>) target(%dma_start3A_160 : memref<128xf32, #tpu.memory_space<vmem_shared>>) target_semaphore(%run_scoped3A : memref<!tpu.dma_semaphore, #tpu.memory_space<semaphore_mem>>)
      %dma_wait3A_161 = arith.constant 0 : i32
      %dma_wait3A_162 = tpu.memref_slice %arg12[%arg1, %dma_wait3A_161] : memref<16x128xf32, #tpu.memory_space<vmem_shared>> -> memref<1x128xf32, #tpu.memory_space<vmem_shared>>
      %dma_wait3A_163 = tpu.memref_squeeze %dma_wait3A_162 : memref<1x128xf32, #tpu.memory_space<vmem_shared>> -> memref<128xf32, #tpu.memory_space<vmem_shared>>
      %dma_wait3A_164 = arith.constant 0 : i32
      %dma_wait3A_165 = tpu.memref_slice %arg12[%arg1, %dma_wait3A_164] : memref<16x128xf32, #tpu.memory_space<vmem_shared>> -> memref<1x128xf32, #tpu.memory_space<vmem_shared>>
      %dma_wait3A_166 = tpu.memref_squeeze %dma_wait3A_165 : memref<1x128xf32, #tpu.memory_space<vmem_shared>> -> memref<128xf32, #tpu.memory_space<vmem_shared>>
      tpu.wait_dma2 semaphore(%run_scoped3A : memref<!tpu.dma_semaphore, #tpu.memory_space<semaphore_mem>>) src(%arg8 : memref<128xf32, #tpu.memory_space<vmem>>) dst(%dma_wait3A_166 : memref<128xf32, #tpu.memory_space<vmem_shared>>)
      tpu.yield
    }) : () -> ()
    %barrier3A = arith.constant 0 : index
    tpu.barrier barrier_id(%barrier3A)
    %eq3A_150 = arith.constant 0 : i32
    %eq3A_151 = arith.cmpi eq, %arg1, %eq3A_150 : i32
    %convert_element_type3A_152 = arith.extui %eq3A_151 : i1 to i32
    %cond3A_153 = arith.constant 0 : i32
    %cond3A_154 = arith.cmpi ne, %convert_element_type3A_152, %cond3A_153 : i32
    scf.if %cond3A_154 {
      "tpu.region"() ({
        %run_scoped3A_2457 = tpu.sem_alloc : memref<!tpu.dma_semaphore, #tpu.memory_space<semaphore_mem>>
        tpu.enqueue_dma source(%arg12 : memref<16x128xf32, #tpu.memory_space<vmem_shared>>) target(%arg9 : memref<16x128xf32, #tpu.memory_space<vmem>>) target_semaphore(%run_scoped3A_2457 : memref<!tpu.dma_semaphore, #tpu.memory_space<semaphore_mem>>)
        tpu.wait_dma2 semaphore(%run_scoped3A_2457 : memref<!tpu.dma_semaphore, #tpu.memory_space<semaphore_mem>>) src(%arg12 : memref<16x128xf32, #tpu.memory_space<vmem_shared>>) dst(%arg9 : memref<16x128xf32, #tpu.memory_space<vmem>>)
        tpu.yield
      }) : () -> ()
      %dma_wait3A_155 = arith.constant 0 : i32
      %dma_wait3A_156 = tpu.memref_slice %arg10[%dma_wait3A_155] : memref<2432xf32, #tpu.memory_space<vmem>> -> memref<1152xf32, #tpu.memory_space<vmem>>
      %dma_wait3A_157 = arith.constant 0 : i32
      %dma_wait3A_158 = tpu.memref_slice %arg10[%dma_wait3A_157] : memref<2432xf32, #tpu.memory_space<vmem>> -> memref<1152xf32, #tpu.memory_space<vmem>>
      tpu.wait_dma2 semaphore(%arg14 : memref<!tpu.dma_semaphore, #tpu.memory_space<semaphore_mem>>) src(%arg3 : memref<1152xf32, #tpu.memory_space<hbm>>) dst(%dma_wait3A_158 : memref<1152xf32, #tpu.memory_space<vmem>>)
      %dma_wait3A_159 = arith.constant 1152 : i32
      %dma_wait3A_160 = tpu.memref_slice %arg10[%dma_wait3A_159] : memref<2432xf32, #tpu.memory_space<vmem>> -> memref<1152xf32, #tpu.memory_space<vmem>>
      %dma_wait3A_161 = arith.constant 1152 : i32
      %dma_wait3A_162 = tpu.memref_slice %arg10[%dma_wait3A_161] : memref<2432xf32, #tpu.memory_space<vmem>> -> memref<1152xf32, #tpu.memory_space<vmem>>
      tpu.wait_dma2 semaphore(%arg14 : memref<!tpu.dma_semaphore, #tpu.memory_space<semaphore_mem>>) src(%arg4 : memref<1152xf32, #tpu.memory_space<hbm>>) dst(%dma_wait3A_162 : memref<1152xf32, #tpu.memory_space<vmem>>)
      %dma_wait3A_163 = arith.constant 2304 : i32
      %dma_wait3A_164 = tpu.memref_slice %arg10[%dma_wait3A_163] : memref<2432xf32, #tpu.memory_space<vmem>> -> memref<128xf32, #tpu.memory_space<vmem>>
      %dma_wait3A_165 = arith.constant 2304 : i32
      %dma_wait3A_166 = tpu.memref_slice %arg10[%dma_wait3A_165] : memref<2432xf32, #tpu.memory_space<vmem>> -> memref<128xf32, #tpu.memory_space<vmem>>
      tpu.wait_dma2 semaphore(%arg14 : memref<!tpu.dma_semaphore, #tpu.memory_space<semaphore_mem>>) src(%arg5 : memref<128xf32, #tpu.memory_space<hbm>>) dst(%dma_wait3A_166 : memref<128xf32, #tpu.memory_space<vmem>>)
      %get3A_167 = arith.constant 0 : i32
      %get3A_168 = arith.index_cast %get3A_167 : i32 to index
      %get3A_169 = arith.constant 0 : index
      %get3A_170 = tpu.vector_load %arg9[%get3A_168, %get3A_169] {strides = array<i32>} : memref<16x128xf32, #tpu.memory_space<vmem>>, vector<16xf32>,
      %add3A = arith.addf %broadcast_in_dim3A_4, %get3A_170 : vector<16xf32>
      %get3A_171 = arith.constant 1 : i32
      %get3A_172 = arith.index_cast %get3A_171 : i32 to index
      %get3A_173 = arith.constant 0 : index
      %get3A_174 = tpu.vector_load %arg9[%get3A_172, %get3A_173] {strides = array<i32>} : memref<16x128xf32, #tpu.memory_space<vmem>>, vector<16xf32>,
      %add3A_175 = arith.addf %add3A, %get3A_174 : vector<16xf32>
      %get3A_176 = arith.constant 2 : i32
      %get3A_177 = arith.index_cast %get3A_176 : i32 to index
      %get3A_178 = arith.constant 0 : index
      %get3A_179 = tpu.vector_load %arg9[%get3A_177, %get3A_178] {strides = array<i32>} : memref<16x128xf32, #tpu.memory_space<vmem>>, vector<16xf32>,
      %add3A_180 = arith.addf %add3A_175, %get3A_179 : vector<16xf32>
      %get3A_181 = arith.constant 3 : i32
      %get3A_182 = arith.index_cast %get3A_181 : i32 to index
      %get3A_183 = arith.constant 0 : index
      %get3A_184 = tpu.vector_load %arg9[%get3A_182, %get3A_183] {strides = array<i32>} : memref<16x128xf32, #tpu.memory_space<vmem>>, vector<16xf32>,
      %add3A_185 = arith.addf %add3A_180, %get3A_184 : vector<16xf32>
      %get3A_186 = arith.constant 4 : i32
      %get3A_187 = arith.index_cast %get3A_186 : i32 to index
      %get3A_188 = arith.constant 0 : index
      %get3A_189 = tpu.vector_load %arg9[%get3A_187, %get3A_188] {strides = array<i32>} : memref<16x128xf32, #tpu.memory_space<vmem>>, vector<16xf32>,
      %add3A_190 = arith.addf %add3A_185, %get3A_189 : vector<16xf32>
      %get3A_191 = arith.constant 5 : i32
      %get3A_192 = arith.index_cast %get3A_191 : i32 to index
      %get3A_193 = arith.constant 0 : index
      %get3A_194 = tpu.vector_load %arg9[%get3A_192, %get3A_193] {strides = array<i32>} : memref<16x128xf32, #tpu.memory_space<vmem>>, vector<16xf32>,
      %add3A_195 = arith.addf %add3A_190, %get3A_194 : vector<16xf32>
      %get3A_196 = arith.constant 6 : i32
      %get3A_197 = arith.index_cast %get3A_196 : i32 to index
      %get3A_198 = arith.constant 0 : index
      %get3A_199 = tpu.vector_load %arg9[%get3A_197, %get3A_198] {strides = array<i32>} : memref<16x128xf32, #tpu.memory_space<vmem>>, vector<16xf32>,
      %add3A_200 = arith.addf %add3A_195, %get3A_199 : vector<16xf32>
      %get3A_201 = arith.constant 7 : i32
      %get3A_202 = arith.index_cast %get3A_201 : i32 to index
      %get3A_203 = arith.constant 0 : index
      %get3A_204 = tpu.vector_load %arg9[%get3A_202, %get3A_203] {strides = array<i32>} : memref<16x128xf32, #tpu.memory_space<vmem>>, vector<16xf32>,
      %add3A_205 = arith.addf %add3A_200, %get3A_204 : vector<16xf32>
      %get3A_206 = arith.constant 8 : i32
      %get3A_207 = arith.index_cast %get3A_206 : i32 to index
      %get3A_208 = arith.constant 0 : index
      %get3A_209 = tpu.vector_load %arg9[%get3A_207, %get3A_208] {strides = array<i32>} : memref<16x128xf32, #tpu.memory_space<vmem>>, vector<16xf32>,
      %add3A_210 = arith.addf %add3A_205, %get3A_209 : vector<16xf32>
      %get3A_211 = arith.constant 9 : i32
      %get3A_212 = arith.index_cast %get3A_211 : i32 to index
      %get3A_213 = arith.constant 0 : index
      %get3A_214 = tpu.vector_load %arg9[%get3A_212, %get3A_213] {strides = array<i32>} : memref<16x128xf32, #tpu.memory_space<vmem>>, vector<16xf32>,
      %add3A_215 = arith.addf %add3A_210, %get3A_214 : vector<16xf32>
      %get3A_216 = arith.constant 10 : i32
      %get3A_217 = arith.index_cast %get3A_216 : i32 to index
      %get3A_218 = arith.constant 0 : index
      %get3A_219 = tpu.vector_load %arg9[%get3A_217, %get3A_218] {strides = array<i32>} : memref<16x128xf32, #tpu.memory_space<vmem>>, vector<16xf32>,
      %add3A_220 = arith.addf %add3A_215, %get3A_219 : vector<16xf32>
      %get3A_221 = arith.constant 11 : i32
      %get3A_222 = arith.index_cast %get3A_221 : i32 to index
      %get3A_223 = arith.constant 0 : index
      %get3A_224 = tpu.vector_load %arg9[%get3A_222, %get3A_223] {strides = array<i32>} : memref<16x128xf32, #tpu.memory_space<vmem>>, vector<16xf32>,
      %add3A_225 = arith.addf %add3A_220, %get3A_224 : vector<16xf32>
      %get3A_226 = arith.constant 12 : i32
      %get3A_227 = arith.index_cast %get3A_226 : i32 to index
      %get3A_228 = arith.constant 0 : index
      %get3A_229 = tpu.vector_load %arg9[%get3A_227, %get3A_228] {strides = array<i32>} : memref<16x128xf32, #tpu.memory_space<vmem>>, vector<16xf32>,
      %add3A_230 = arith.addf %add3A_225, %get3A_229 : vector<16xf32>
      %get3A_231 = arith.constant 13 : i32
      %get3A_232 = arith.index_cast %get3A_231 : i32 to index
      %get3A_233 = arith.constant 0 : index
      %get3A_234 = tpu.vector_load %arg9[%get3A_232, %get3A_233] {strides = array<i32>} : memref<16x128xf32, #tpu.memory_space<vmem>>, vector<16xf32>,
      %add3A_235 = arith.addf %add3A_230, %get3A_234 : vector<16xf32>
      %get3A_236 = arith.constant 14 : i32
      %get3A_237 = arith.index_cast %get3A_236 : i32 to index
      %get3A_238 = arith.constant 0 : index
      %get3A_239 = tpu.vector_load %arg9[%get3A_237, %get3A_238] {strides = array<i32>} : memref<16x128xf32, #tpu.memory_space<vmem>>, vector<16xf32>,
      %add3A_240 = arith.addf %add3A_235, %get3A_239 : vector<16xf32>
      %get3A_241 = arith.constant 15 : i32
      %get3A_242 = arith.index_cast %get3A_241 : i32 to index
      %get3A_243 = arith.constant 0 : index
      %get3A_244 = tpu.vector_load %arg9[%get3A_242, %get3A_243] {strides = array<i32>} : memref<16x128xf32, #tpu.memory_space<vmem>>, vector<16xf32>,
      %add3A_245 = arith.addf %add3A_240, %get3A_244 : vector<16xf32>
      %get3A_246 = arith.constant 0 : i32
      %get3A_247 = arith.index_cast %get3A_246 : i32 to index
      %get3A_248 = arith.constant 16 : index
      %get3A_249 = tpu.vector_load %arg9[%get3A_247, %get3A_248] {strides = array<i32>} : memref<16x128xf32, #tpu.memory_space<vmem>>, vector<16xf32>,
      %add3A_250 = arith.addf %broadcast_in_dim3A_4, %get3A_249 : vector<16xf32>
      %get3A_251 = arith.constant 1 : i32
      %get3A_252 = arith.index_cast %get3A_251 : i32 to index
      %get3A_253 = arith.constant 16 : index
      %get3A_254 = tpu.vector_load %arg9[%get3A_252, %get3A_253] {strides = array<i32>} : memref<16x128xf32, #tpu.memory_space<vmem>>, vector<16xf32>,
      %add3A_255 = arith.addf %add3A_250, %get3A_254 : vector<16xf32>
      %get3A_256 = arith.constant 2 : i32
      %get3A_257 = arith.index_cast %get3A_256 : i32 to index
      %get3A_258 = arith.constant 16 : index
      %get3A_259 = tpu.vector_load %arg9[%get3A_257, %get3A_258] {strides = array<i32>} : memref<16x128xf32, #tpu.memory_space<vmem>>, vector<16xf32>,
      %add3A_260 = arith.addf %add3A_255, %get3A_259 : vector<16xf32>
      %get3A_261 = arith.constant 3 : i32
      %get3A_262 = arith.index_cast %get3A_261 : i32 to index
      %get3A_263 = arith.constant 16 : index
      %get3A_264 = tpu.vector_load %arg9[%get3A_262, %get3A_263] {strides = array<i32>} : memref<16x128xf32, #tpu.memory_space<vmem>>, vector<16xf32>,
      %add3A_265 = arith.addf %add3A_260, %get3A_264 : vector<16xf32>
      %get3A_266 = arith.constant 4 : i32
      %get3A_267 = arith.index_cast %get3A_266 : i32 to index
      %get3A_268 = arith.constant 16 : index
      %get3A_269 = tpu.vector_load %arg9[%get3A_267, %get3A_268] {strides = array<i32>} : memref<16x128xf32, #tpu.memory_space<vmem>>, vector<16xf32>,
      %add3A_270 = arith.addf %add3A_265, %get3A_269 : vector<16xf32>
      %get3A_271 = arith.constant 5 : i32
      %get3A_272 = arith.index_cast %get3A_271 : i32 to index
      %get3A_273 = arith.constant 16 : index
      %get3A_274 = tpu.vector_load %arg9[%get3A_272, %get3A_273] {strides = array<i32>} : memref<16x128xf32, #tpu.memory_space<vmem>>, vector<16xf32>,
      %add3A_275 = arith.addf %add3A_270, %get3A_274 : vector<16xf32>
      %get3A_276 = arith.constant 6 : i32
      %get3A_277 = arith.index_cast %get3A_276 : i32 to index
      %get3A_278 = arith.constant 16 : index
      %get3A_279 = tpu.vector_load %arg9[%get3A_277, %get3A_278] {strides = array<i32>} : memref<16x128xf32, #tpu.memory_space<vmem>>, vector<16xf32>,
      %add3A_280 = arith.addf %add3A_275, %get3A_279 : vector<16xf32>
      %get3A_281 = arith.constant 7 : i32
      %get3A_282 = arith.index_cast %get3A_281 : i32 to index
      %get3A_283 = arith.constant 16 : index
      %get3A_284 = tpu.vector_load %arg9[%get3A_282, %get3A_283] {strides = array<i32>} : memref<16x128xf32, #tpu.memory_space<vmem>>, vector<16xf32>,
      %add3A_285 = arith.addf %add3A_280, %get3A_284 : vector<16xf32>
      %get3A_286 = arith.constant 8 : i32
      %get3A_287 = arith.index_cast %get3A_286 : i32 to index
      %get3A_288 = arith.constant 16 : index
      %get3A_289 = tpu.vector_load %arg9[%get3A_287, %get3A_288] {strides = array<i32>} : memref<16x128xf32, #tpu.memory_space<vmem>>, vector<16xf32>,
      %add3A_290 = arith.addf %add3A_285, %get3A_289 : vector<16xf32>
      %get3A_291 = arith.constant 9 : i32
      %get3A_292 = arith.index_cast %get3A_291 : i32 to index
      %get3A_293 = arith.constant 16 : index
      %get3A_294 = tpu.vector_load %arg9[%get3A_292, %get3A_293] {strides = array<i32>} : memref<16x128xf32, #tpu.memory_space<vmem>>, vector<16xf32>,
      %add3A_295 = arith.addf %add3A_290, %get3A_294 : vector<16xf32>
      %get3A_296 = arith.constant 10 : i32
      %get3A_297 = arith.index_cast %get3A_296 : i32 to index
      %get3A_298 = arith.constant 16 : index
      %get3A_299 = tpu.vector_load %arg9[%get3A_297, %get3A_298] {strides = array<i32>} : memref<16x128xf32, #tpu.memory_space<vmem>>, vector<16xf32>,
      %add3A_300 = arith.addf %add3A_295, %get3A_299 : vector<16xf32>
      %get3A_301 = arith.constant 11 : i32
      %get3A_302 = arith.index_cast %get3A_301 : i32 to index
      %get3A_303 = arith.constant 16 : index
      %get3A_304 = tpu.vector_load %arg9[%get3A_302, %get3A_303] {strides = array<i32>} : memref<16x128xf32, #tpu.memory_space<vmem>>, vector<16xf32>,
      %add3A_305 = arith.addf %add3A_300, %get3A_304 : vector<16xf32>
      %get3A_306 = arith.constant 12 : i32
      %get3A_307 = arith.index_cast %get3A_306 : i32 to index
      %get3A_308 = arith.constant 16 : index
      %get3A_309 = tpu.vector_load %arg9[%get3A_307, %get3A_308] {strides = array<i32>} : memref<16x128xf32, #tpu.memory_space<vmem>>, vector<16xf32>,
      %add3A_310 = arith.addf %add3A_305, %get3A_309 : vector<16xf32>
      %get3A_311 = arith.constant 13 : i32
      %get3A_312 = arith.index_cast %get3A_311 : i32 to index
      %get3A_313 = arith.constant 16 : index
      %get3A_314 = tpu.vector_load %arg9[%get3A_312, %get3A_313] {strides = array<i32>} : memref<16x128xf32, #tpu.memory_space<vmem>>, vector<16xf32>,
      %add3A_315 = arith.addf %add3A_310, %get3A_314 : vector<16xf32>
      %get3A_316 = arith.constant 14 : i32
      %get3A_317 = arith.index_cast %get3A_316 : i32 to index
      %get3A_318 = arith.constant 16 : index
      %get3A_319 = tpu.vector_load %arg9[%get3A_317, %get3A_318] {strides = array<i32>} : memref<16x128xf32, #tpu.memory_space<vmem>>, vector<16xf32>,
      %add3A_320 = arith.addf %add3A_315, %get3A_319 : vector<16xf32>
      %get3A_321 = arith.constant 15 : i32
      %get3A_322 = arith.index_cast %get3A_321 : i32 to index
      %get3A_323 = arith.constant 16 : index
      %get3A_324 = tpu.vector_load %arg9[%get3A_322, %get3A_323] {strides = array<i32>} : memref<16x128xf32, #tpu.memory_space<vmem>>, vector<16xf32>,
      %add3A_325 = arith.addf %add3A_320, %get3A_324 : vector<16xf32>
      %get3A_326 = arith.constant 0 : i32
      %get3A_327 = arith.index_cast %get3A_326 : i32 to index
      %get3A_328 = arith.constant 32 : index
      %get3A_329 = tpu.vector_load %arg9[%get3A_327, %get3A_328] {strides = array<i32>} : memref<16x128xf32, #tpu.memory_space<vmem>>, vector<16xf32>,
      %add3A_330 = arith.addf %broadcast_in_dim3A_4, %get3A_329 : vector<16xf32>
      %get3A_331 = arith.constant 1 : i32
      %get3A_332 = arith.index_cast %get3A_331 : i32 to index
      %get3A_333 = arith.constant 32 : index
      %get3A_334 = tpu.vector_load %arg9[%get3A_332, %get3A_333] {strides = array<i32>} : memref<16x128xf32, #tpu.memory_space<vmem>>, vector<16xf32>,
      %add3A_335 = arith.addf %add3A_330, %get3A_334 : vector<16xf32>
      %get3A_336 = arith.constant 2 : i32
      %get3A_337 = arith.index_cast %get3A_336 : i32 to index
      %get3A_338 = arith.constant 32 : index
      %get3A_339 = tpu.vector_load %arg9[%get3A_337, %get3A_338] {strides = array<i32>} : memref<16x128xf32, #tpu.memory_space<vmem>>, vector<16xf32>,
      %add3A_340 = arith.addf %add3A_335, %get3A_339 : vector<16xf32>
      %get3A_341 = arith.constant 3 : i32
      %get3A_342 = arith.index_cast %get3A_341 : i32 to index
      %get3A_343 = arith.constant 32 : index
      %get3A_344 = tpu.vector_load %arg9[%get3A_342, %get3A_343] {strides = array<i32>} : memref<16x128xf32, #tpu.memory_space<vmem>>, vector<16xf32>,
      %add3A_345 = arith.addf %add3A_340, %get3A_344 : vector<16xf32>
      %get3A_346 = arith.constant 4 : i32
      %get3A_347 = arith.index_cast %get3A_346 : i32 to index
      %get3A_348 = arith.constant 32 : index
      %get3A_349 = tpu.vector_load %arg9[%get3A_347, %get3A_348] {strides = array<i32>} : memref<16x128xf32, #tpu.memory_space<vmem>>, vector<16xf32>,
      %add3A_350 = arith.addf %add3A_345, %get3A_349 : vector<16xf32>
      %get3A_351 = arith.constant 5 : i32
      %get3A_352 = arith.index_cast %get3A_351 : i32 to index
      %get3A_353 = arith.constant 32 : index
      %get3A_354 = tpu.vector_load %arg9[%get3A_352, %get3A_353] {strides = array<i32>} : memref<16x128xf32, #tpu.memory_space<vmem>>, vector<16xf32>,
      %add3A_355 = arith.addf %add3A_350, %get3A_354 : vector<16xf32>
      %get3A_356 = arith.constant 6 : i32
      %get3A_357 = arith.index_cast %get3A_356 : i32 to index
      %get3A_358 = arith.constant 32 : index
      %get3A_359 = tpu.vector_load %arg9[%get3A_357, %get3A_358] {strides = array<i32>} : memref<16x128xf32, #tpu.memory_space<vmem>>, vector<16xf32>,
      %add3A_360 = arith.addf %add3A_355, %get3A_359 : vector<16xf32>
      %get3A_361 = arith.constant 7 : i32
      %get3A_362 = arith.index_cast %get3A_361 : i32 to index
      %get3A_363 = arith.constant 32 : index
      %get3A_364 = tpu.vector_load %arg9[%get3A_362, %get3A_363] {strides = array<i32>} : memref<16x128xf32, #tpu.memory_space<vmem>>, vector<16xf32>,
      %add3A_365 = arith.addf %add3A_360, %get3A_364 : vector<16xf32>
      %get3A_366 = arith.constant 8 : i32
      %get3A_367 = arith.index_cast %get3A_366 : i32 to index
      %get3A_368 = arith.constant 32 : index
      %get3A_369 = tpu.vector_load %arg9[%get3A_367, %get3A_368] {strides = array<i32>} : memref<16x128xf32, #tpu.memory_space<vmem>>, vector<16xf32>,
      %add3A_370 = arith.addf %add3A_365, %get3A_369 : vector<16xf32>
      %get3A_371 = arith.constant 9 : i32
      %get3A_372 = arith.index_cast %get3A_371 : i32 to index
      %get3A_373 = arith.constant 32 : index
      %get3A_374 = tpu.vector_load %arg9[%get3A_372, %get3A_373] {strides = array<i32>} : memref<16x128xf32, #tpu.memory_space<vmem>>, vector<16xf32>,
      %add3A_375 = arith.addf %add3A_370, %get3A_374 : vector<16xf32>
      %get3A_376 = arith.constant 10 : i32
      %get3A_377 = arith.index_cast %get3A_376 : i32 to index
      %get3A_378 = arith.constant 32 : index
      %get3A_379 = tpu.vector_load %arg9[%get3A_377, %get3A_378] {strides = array<i32>} : memref<16x128xf32, #tpu.memory_space<vmem>>, vector<16xf32>,
      %add3A_380 = arith.addf %add3A_375, %get3A_379 : vector<16xf32>
      %get3A_381 = arith.constant 11 : i32
      %get3A_382 = arith.index_cast %get3A_381 : i32 to index
      %get3A_383 = arith.constant 32 : index
      %get3A_384 = tpu.vector_load %arg9[%get3A_382, %get3A_383] {strides = array<i32>} : memref<16x128xf32, #tpu.memory_space<vmem>>, vector<16xf32>,
      %add3A_385 = arith.addf %add3A_380, %get3A_384 : vector<16xf32>
      %get3A_386 = arith.constant 12 : i32
      %get3A_387 = arith.index_cast %get3A_386 : i32 to index
      %get3A_388 = arith.constant 32 : index
      %get3A_389 = tpu.vector_load %arg9[%get3A_387, %get3A_388] {strides = array<i32>} : memref<16x128xf32, #tpu.memory_space<vmem>>, vector<16xf32>,
      %add3A_390 = arith.addf %add3A_385, %get3A_389 : vector<16xf32>
      %get3A_391 = arith.constant 13 : i32
      %get3A_392 = arith.index_cast %get3A_391 : i32 to index
      %get3A_393 = arith.constant 32 : index
      %get3A_394 = tpu.vector_load %arg9[%get3A_392, %get3A_393] {strides = array<i32>} : memref<16x128xf32, #tpu.memory_space<vmem>>, vector<16xf32>,
      %add3A_395 = arith.addf %add3A_390, %get3A_394 : vector<16xf32>
      %get3A_396 = arith.constant 14 : i32
      %get3A_397 = arith.index_cast %get3A_396 : i32 to index
      %get3A_398 = arith.constant 32 : index
      %get3A_399 = tpu.vector_load %arg9[%get3A_397, %get3A_398] {strides = array<i32>} : memref<16x128xf32, #tpu.memory_space<vmem>>, vector<16xf32>,
      %add3A_400 = arith.addf %add3A_395, %get3A_399 : vector<16xf32>
      %get3A_401 = arith.constant 15 : i32
      %get3A_402 = arith.index_cast %get3A_401 : i32 to index
      %get3A_403 = arith.constant 32 : index
      %get3A_404 = tpu.vector_load %arg9[%get3A_402, %get3A_403] {strides = array<i32>} : memref<16x128xf32, #tpu.memory_space<vmem>>, vector<16xf32>,
      %add3A_405 = arith.addf %add3A_400, %get3A_404 : vector<16xf32>
      %get3A_406 = arith.constant 0 : i32
      %get3A_407 = arith.index_cast %get3A_406 : i32 to index
      %get3A_408 = arith.constant 48 : index
      %get3A_409 = tpu.vector_load %arg9[%get3A_407, %get3A_408] {strides = array<i32>} : memref<16x128xf32, #tpu.memory_space<vmem>>, vector<16xf32>,
      %add3A_410 = arith.addf %broadcast_in_dim3A_4, %get3A_409 : vector<16xf32>
      %get3A_411 = arith.constant 1 : i32
      %get3A_412 = arith.index_cast %get3A_411 : i32 to index
      %get3A_413 = arith.constant 48 : index
      %get3A_414 = tpu.vector_load %arg9[%get3A_412, %get3A_413] {strides = array<i32>} : memref<16x128xf32, #tpu.memory_space<vmem>>, vector<16xf32>,
      %add3A_415 = arith.addf %add3A_410, %get3A_414 : vector<16xf32>
      %get3A_416 = arith.constant 2 : i32
      %get3A_417 = arith.index_cast %get3A_416 : i32 to index
      %get3A_418 = arith.constant 48 : index
      %get3A_419 = tpu.vector_load %arg9[%get3A_417, %get3A_418] {strides = array<i32>} : memref<16x128xf32, #tpu.memory_space<vmem>>, vector<16xf32>,
      %add3A_420 = arith.addf %add3A_415, %get3A_419 : vector<16xf32>
      %get3A_421 = arith.constant 3 : i32
      %get3A_422 = arith.index_cast %get3A_421 : i32 to index
      %get3A_423 = arith.constant 48 : index
      %get3A_424 = tpu.vector_load %arg9[%get3A_422, %get3A_423] {strides = array<i32>} : memref<16x128xf32, #tpu.memory_space<vmem>>, vector<16xf32>,
      %add3A_425 = arith.addf %add3A_420, %get3A_424 : vector<16xf32>
      %get3A_426 = arith.constant 4 : i32
      %get3A_427 = arith.index_cast %get3A_426 : i32 to index
      %get3A_428 = arith.constant 48 : index
      %get3A_429 = tpu.vector_load %arg9[%get3A_427, %get3A_428] {strides = array<i32>} : memref<16x128xf32, #tpu.memory_space<vmem>>, vector<16xf32>,
      %add3A_430 = arith.addf %add3A_425, %get3A_429 : vector<16xf32>
      %get3A_431 = arith.constant 5 : i32
      %get3A_432 = arith.index_cast %get3A_431 : i32 to index
      %get3A_433 = arith.constant 48 : index
      %get3A_434 = tpu.vector_load %arg9[%get3A_432, %get3A_433] {strides = array<i32>} : memref<16x128xf32, #tpu.memory_space<vmem>>, vector<16xf32>,
      %add3A_435 = arith.addf %add3A_430, %get3A_434 : vector<16xf32>
      %get3A_436 = arith.constant 6 : i32
      %get3A_437 = arith.index_cast %get3A_436 : i32 to index
      %get3A_438 = arith.constant 48 : index
      %get3A_439 = tpu.vector_load %arg9[%get3A_437, %get3A_438] {strides = array<i32>} : memref<16x128xf32, #tpu.memory_space<vmem>>, vector<16xf32>,
      %add3A_440 = arith.addf %add3A_435, %get3A_439 : vector<16xf32>
      %get3A_441 = arith.constant 7 : i32
      %get3A_442 = arith.index_cast %get3A_441 : i32 to index
      %get3A_443 = arith.constant 48 : index
      %get3A_444 = tpu.vector_load %arg9[%get3A_442, %get3A_443] {strides = array<i32>} : memref<16x128xf32, #tpu.memory_space<vmem>>, vector<16xf32>,
      %add3A_445 = arith.addf %add3A_440, %get3A_444 : vector<16xf32>
      %get3A_446 = arith.constant 8 : i32
      %get3A_447 = arith.index_cast %get3A_446 : i32 to index
      %get3A_448 = arith.constant 48 : index
      %get3A_449 = tpu.vector_load %arg9[%get3A_447, %get3A_448] {strides = array<i32>} : memref<16x128xf32, #tpu.memory_space<vmem>>, vector<16xf32>,
      %add3A_450 = arith.addf %add3A_445, %get3A_449 : vector<16xf32>
      %get3A_451 = arith.constant 9 : i32
      %get3A_452 = arith.index_cast %get3A_451 : i32 to index
      %get3A_453 = arith.constant 48 : index
      %get3A_454 = tpu.vector_load %arg9[%get3A_452, %get3A_453] {strides = array<i32>} : memref<16x128xf32, #tpu.memory_space<vmem>>, vector<16xf32>,
      %add3A_455 = arith.addf %add3A_450, %get3A_454 : vector<16xf32>
      %get3A_456 = arith.constant 10 : i32
      %get3A_457 = arith.index_cast %get3A_456 : i32 to index
      %get3A_458 = arith.constant 48 : index
      %get3A_459 = tpu.vector_load %arg9[%get3A_457, %get3A_458] {strides = array<i32>} : memref<16x128xf32, #tpu.memory_space<vmem>>, vector<16xf32>,
      %add3A_460 = arith.addf %add3A_455, %get3A_459 : vector<16xf32>
      %get3A_461 = arith.constant 11 : i32
      %get3A_462 = arith.index_cast %get3A_461 : i32 to index
      %get3A_463 = arith.constant 48 : index
      %get3A_464 = tpu.vector_load %arg9[%get3A_462, %get3A_463] {strides = array<i32>} : memref<16x128xf32, #tpu.memory_space<vmem>>, vector<16xf32>,
      %add3A_465 = arith.addf %add3A_460, %get3A_464 : vector<16xf32>
      %get3A_466 = arith.constant 12 : i32
      %get3A_467 = arith.index_cast %get3A_466 : i32 to index
      %get3A_468 = arith.constant 48 : index
      %get3A_469 = tpu.vector_load %arg9[%get3A_467, %get3A_468] {strides = array<i32>} : memref<16x128xf32, #tpu.memory_space<vmem>>, vector<16xf32>,
      %add3A_470 = arith.addf %add3A_465, %get3A_469 : vector<16xf32>
      %get3A_471 = arith.constant 13 : i32
      %get3A_472 = arith.index_cast %get3A_471 : i32 to index
      %get3A_473 = arith.constant 48 : index
      %get3A_474 = tpu.vector_load %arg9[%get3A_472, %get3A_473] {strides = array<i32>} : memref<16x128xf32, #tpu.memory_space<vmem>>, vector<16xf32>,
      %add3A_475 = arith.addf %add3A_470, %get3A_474 : vector<16xf32>
      %get3A_476 = arith.constant 14 : i32
      %get3A_477 = arith.index_cast %get3A_476 : i32 to index
      %get3A_478 = arith.constant 48 : index
      %get3A_479 = tpu.vector_load %arg9[%get3A_477, %get3A_478] {strides = array<i32>} : memref<16x128xf32, #tpu.memory_space<vmem>>, vector<16xf32>,
      %add3A_480 = arith.addf %add3A_475, %get3A_479 : vector<16xf32>
      %get3A_481 = arith.constant 15 : i32
      %get3A_482 = arith.index_cast %get3A_481 : i32 to index
      %get3A_483 = arith.constant 48 : index
      %get3A_484 = tpu.vector_load %arg9[%get3A_482, %get3A_483] {strides = array<i32>} : memref<16x128xf32, #tpu.memory_space<vmem>>, vector<16xf32>,
      %add3A_485 = arith.addf %add3A_480, %get3A_484 : vector<16xf32>
      %get3A_486 = arith.constant 0 : i32
      %get3A_487 = arith.index_cast %get3A_486 : i32 to index
      %get3A_488 = arith.constant 64 : index
      %get3A_489 = tpu.vector_load %arg9[%get3A_487, %get3A_488] {strides = array<i32>} : memref<16x128xf32, #tpu.memory_space<vmem>>, vector<16xf32>,
      %add3A_490 = arith.addf %broadcast_in_dim3A_4, %get3A_489 : vector<16xf32>
      %get3A_491 = arith.constant 1 : i32
      %get3A_492 = arith.index_cast %get3A_491 : i32 to index
      %get3A_493 = arith.constant 64 : index
      %get3A_494 = tpu.vector_load %arg9[%get3A_492, %get3A_493] {strides = array<i32>} : memref<16x128xf32, #tpu.memory_space<vmem>>, vector<16xf32>,
      %add3A_495 = arith.addf %add3A_490, %get3A_494 : vector<16xf32>
      %get3A_496 = arith.constant 2 : i32
      %get3A_497 = arith.index_cast %get3A_496 : i32 to index
      %get3A_498 = arith.constant 64 : index
      %get3A_499 = tpu.vector_load %arg9[%get3A_497, %get3A_498] {strides = array<i32>} : memref<16x128xf32, #tpu.memory_space<vmem>>, vector<16xf32>,
      %add3A_500 = arith.addf %add3A_495, %get3A_499 : vector<16xf32>
      %get3A_501 = arith.constant 3 : i32
      %get3A_502 = arith.index_cast %get3A_501 : i32 to index
      %get3A_503 = arith.constant 64 : index
      %get3A_504 = tpu.vector_load %arg9[%get3A_502, %get3A_503] {strides = array<i32>} : memref<16x128xf32, #tpu.memory_space<vmem>>, vector<16xf32>,
      %add3A_505 = arith.addf %add3A_500, %get3A_504 : vector<16xf32>
      %get3A_506 = arith.constant 4 : i32
      %get3A_507 = arith.index_cast %get3A_506 : i32 to index
      %get3A_508 = arith.constant 64 : index
      %get3A_509 = tpu.vector_load %arg9[%get3A_507, %get3A_508] {strides = array<i32>} : memref<16x128xf32, #tpu.memory_space<vmem>>, vector<16xf32>,
      %add3A_510 = arith.addf %add3A_505, %get3A_509 : vector<16xf32>
      %get3A_511 = arith.constant 5 : i32
      %get3A_512 = arith.index_cast %get3A_511 : i32 to index
      %get3A_513 = arith.constant 64 : index
      %get3A_514 = tpu.vector_load %arg9[%get3A_512, %get3A_513] {strides = array<i32>} : memref<16x128xf32, #tpu.memory_space<vmem>>, vector<16xf32>,
      %add3A_515 = arith.addf %add3A_510, %get3A_514 : vector<16xf32>
      %get3A_516 = arith.constant 6 : i32
      %get3A_517 = arith.index_cast %get3A_516 : i32 to index
      %get3A_518 = arith.constant 64 : index
      %get3A_519 = tpu.vector_load %arg9[%get3A_517, %get3A_518] {strides = array<i32>} : memref<16x128xf32, #tpu.memory_space<vmem>>, vector<16xf32>,
      %add3A_520 = arith.addf %add3A_515, %get3A_519 : vector<16xf32>
      %get3A_521 = arith.constant 7 : i32
      %get3A_522 = arith.index_cast %get3A_521 : i32 to index
      %get3A_523 = arith.constant 64 : index
      %get3A_524 = tpu.vector_load %arg9[%get3A_522, %get3A_523] {strides = array<i32>} : memref<16x128xf32, #tpu.memory_space<vmem>>, vector<16xf32>,
      %add3A_525 = arith.addf %add3A_520, %get3A_524 : vector<16xf32>
      %get3A_526 = arith.constant 8 : i32
      %get3A_527 = arith.index_cast %get3A_526 : i32 to index
      %get3A_528 = arith.constant 64 : index
      %get3A_529 = tpu.vector_load %arg9[%get3A_527, %get3A_528] {strides = array<i32>} : memref<16x128xf32, #tpu.memory_space<vmem>>, vector<16xf32>,
      %add3A_530 = arith.addf %add3A_525, %get3A_529 : vector<16xf32>
      %get3A_531 = arith.constant 9 : i32
      %get3A_532 = arith.index_cast %get3A_531 : i32 to index
      %get3A_533 = arith.constant 64 : index
      %get3A_534 = tpu.vector_load %arg9[%get3A_532, %get3A_533] {strides = array<i32>} : memref<16x128xf32, #tpu.memory_space<vmem>>, vector<16xf32>,
      %add3A_535 = arith.addf %add3A_530, %get3A_534 : vector<16xf32>
      %get3A_536 = arith.constant 10 : i32
      %get3A_537 = arith.index_cast %get3A_536 : i32 to index
      %get3A_538 = arith.constant 64 : index
      %get3A_539 = tpu.vector_load %arg9[%get3A_537, %get3A_538] {strides = array<i32>} : memref<16x128xf32, #tpu.memory_space<vmem>>, vector<16xf32>,
      %add3A_540 = arith.addf %add3A_535, %get3A_539 : vector<16xf32>
      %get3A_541 = arith.constant 11 : i32
      %get3A_542 = arith.index_cast %get3A_541 : i32 to index
      %get3A_543 = arith.constant 64 : index
      %get3A_544 = tpu.vector_load %arg9[%get3A_542, %get3A_543] {strides = array<i32>} : memref<16x128xf32, #tpu.memory_space<vmem>>, vector<16xf32>,
      %add3A_545 = arith.addf %add3A_540, %get3A_544 : vector<16xf32>
      %get3A_546 = arith.constant 12 : i32
      %get3A_547 = arith.index_cast %get3A_546 : i32 to index
      %get3A_548 = arith.constant 64 : index
      %get3A_549 = tpu.vector_load %arg9[%get3A_547, %get3A_548] {strides = array<i32>} : memref<16x128xf32, #tpu.memory_space<vmem>>, vector<16xf32>,
      %add3A_550 = arith.addf %add3A_545, %get3A_549 : vector<16xf32>
      %get3A_551 = arith.constant 13 : i32
      %get3A_552 = arith.index_cast %get3A_551 : i32 to index
      %get3A_553 = arith.constant 64 : index
      %get3A_554 = tpu.vector_load %arg9[%get3A_552, %get3A_553] {strides = array<i32>} : memref<16x128xf32, #tpu.memory_space<vmem>>, vector<16xf32>,
      %add3A_555 = arith.addf %add3A_550, %get3A_554 : vector<16xf32>
      %get3A_556 = arith.constant 14 : i32
      %get3A_557 = arith.index_cast %get3A_556 : i32 to index
      %get3A_558 = arith.constant 64 : index
      %get3A_559 = tpu.vector_load %arg9[%get3A_557, %get3A_558] {strides = array<i32>} : memref<16x128xf32, #tpu.memory_space<vmem>>, vector<16xf32>,
      %add3A_560 = arith.addf %add3A_555, %get3A_559 : vector<16xf32>
      %get3A_561 = arith.constant 15 : i32
      %get3A_562 = arith.index_cast %get3A_561 : i32 to index
      %get3A_563 = arith.constant 64 : index
      %get3A_564 = tpu.vector_load %arg9[%get3A_562, %get3A_563] {strides = array<i32>} : memref<16x128xf32, #tpu.memory_space<vmem>>, vector<16xf32>,
      %add3A_565 = arith.addf %add3A_560, %get3A_564 : vector<16xf32>
      %get3A_566 = arith.constant 0 : i32
      %get3A_567 = arith.index_cast %get3A_566 : i32 to index
      %get3A_568 = arith.constant 80 : index
      %get3A_569 = tpu.vector_load %arg9[%get3A_567, %get3A_568] {strides = array<i32>} : memref<16x128xf32, #tpu.memory_space<vmem>>, vector<16xf32>,
      %add3A_570 = arith.addf %broadcast_in_dim3A_4, %get3A_569 : vector<16xf32>
      %get3A_571 = arith.constant 1 : i32
      %get3A_572 = arith.index_cast %get3A_571 : i32 to index
      %get3A_573 = arith.constant 80 : index
      %get3A_574 = tpu.vector_load %arg9[%get3A_572, %get3A_573] {strides = array<i32>} : memref<16x128xf32, #tpu.memory_space<vmem>>, vector<16xf32>,
      %add3A_575 = arith.addf %add3A_570, %get3A_574 : vector<16xf32>
      %get3A_576 = arith.constant 2 : i32
      %get3A_577 = arith.index_cast %get3A_576 : i32 to index
      %get3A_578 = arith.constant 80 : index
      %get3A_579 = tpu.vector_load %arg9[%get3A_577, %get3A_578] {strides = array<i32>} : memref<16x128xf32, #tpu.memory_space<vmem>>, vector<16xf32>,
      %add3A_580 = arith.addf %add3A_575, %get3A_579 : vector<16xf32>
      %get3A_581 = arith.constant 3 : i32
      %get3A_582 = arith.index_cast %get3A_581 : i32 to index
      %get3A_583 = arith.constant 80 : index
      %get3A_584 = tpu.vector_load %arg9[%get3A_582, %get3A_583] {strides = array<i32>} : memref<16x128xf32, #tpu.memory_space<vmem>>, vector<16xf32>,
      %add3A_585 = arith.addf %add3A_580, %get3A_584 : vector<16xf32>
      %get3A_586 = arith.constant 4 : i32
      %get3A_587 = arith.index_cast %get3A_586 : i32 to index
      %get3A_588 = arith.constant 80 : index
      %get3A_589 = tpu.vector_load %arg9[%get3A_587, %get3A_588] {strides = array<i32>} : memref<16x128xf32, #tpu.memory_space<vmem>>, vector<16xf32>,
      %add3A_590 = arith.addf %add3A_585, %get3A_589 : vector<16xf32>
      %get3A_591 = arith.constant 5 : i32
      %get3A_592 = arith.index_cast %get3A_591 : i32 to index
      %get3A_593 = arith.constant 80 : index
      %get3A_594 = tpu.vector_load %arg9[%get3A_592, %get3A_593] {strides = array<i32>} : memref<16x128xf32, #tpu.memory_space<vmem>>, vector<16xf32>,
      %add3A_595 = arith.addf %add3A_590, %get3A_594 : vector<16xf32>
      %get3A_596 = arith.constant 6 : i32
      %get3A_597 = arith.index_cast %get3A_596 : i32 to index
      %get3A_598 = arith.constant 80 : index
      %get3A_599 = tpu.vector_load %arg9[%get3A_597, %get3A_598] {strides = array<i32>} : memref<16x128xf32, #tpu.memory_space<vmem>>, vector<16xf32>,
      %add3A_600 = arith.addf %add3A_595, %get3A_599 : vector<16xf32>
      %get3A_601 = arith.constant 7 : i32
      %get3A_602 = arith.index_cast %get3A_601 : i32 to index
      %get3A_603 = arith.constant 80 : index
      %get3A_604 = tpu.vector_load %arg9[%get3A_602, %get3A_603] {strides = array<i32>} : memref<16x128xf32, #tpu.memory_space<vmem>>, vector<16xf32>,
      %add3A_605 = arith.addf %add3A_600, %get3A_604 : vector<16xf32>
      %get3A_606 = arith.constant 8 : i32
      %get3A_607 = arith.index_cast %get3A_606 : i32 to index
      %get3A_608 = arith.constant 80 : index
      %get3A_609 = tpu.vector_load %arg9[%get3A_607, %get3A_608] {strides = array<i32>} : memref<16x128xf32, #tpu.memory_space<vmem>>, vector<16xf32>,
      %add3A_610 = arith.addf %add3A_605, %get3A_609 : vector<16xf32>
      %get3A_611 = arith.constant 9 : i32
      %get3A_612 = arith.index_cast %get3A_611 : i32 to index
      %get3A_613 = arith.constant 80 : index
      %get3A_614 = tpu.vector_load %arg9[%get3A_612, %get3A_613] {strides = array<i32>} : memref<16x128xf32, #tpu.memory_space<vmem>>, vector<16xf32>,
      %add3A_615 = arith.addf %add3A_610, %get3A_614 : vector<16xf32>
      %get3A_616 = arith.constant 10 : i32
      %get3A_617 = arith.index_cast %get3A_616 : i32 to index
      %get3A_618 = arith.constant 80 : index
      %get3A_619 = tpu.vector_load %arg9[%get3A_617, %get3A_618] {strides = array<i32>} : memref<16x128xf32, #tpu.memory_space<vmem>>, vector<16xf32>,
      %add3A_620 = arith.addf %add3A_615, %get3A_619 : vector<16xf32>
      %get3A_621 = arith.constant 11 : i32
      %get3A_622 = arith.index_cast %get3A_621 : i32 to index
      %get3A_623 = arith.constant 80 : index
      %get3A_624 = tpu.vector_load %arg9[%get3A_622, %get3A_623] {strides = array<i32>} : memref<16x128xf32, #tpu.memory_space<vmem>>, vector<16xf32>,
      %add3A_625 = arith.addf %add3A_620, %get3A_624 : vector<16xf32>
      %get3A_626 = arith.constant 12 : i32
      %get3A_627 = arith.index_cast %get3A_626 : i32 to index
      %get3A_628 = arith.constant 80 : index
      %get3A_629 = tpu.vector_load %arg9[%get3A_627, %get3A_628] {strides = array<i32>} : memref<16x128xf32, #tpu.memory_space<vmem>>, vector<16xf32>,
      %add3A_630 = arith.addf %add3A_625, %get3A_629 : vector<16xf32>
      %get3A_631 = arith.constant 13 : i32
      %get3A_632 = arith.index_cast %get3A_631 : i32 to index
      %get3A_633 = arith.constant 80 : index
      %get3A_634 = tpu.vector_load %arg9[%get3A_632, %get3A_633] {strides = array<i32>} : memref<16x128xf32, #tpu.memory_space<vmem>>, vector<16xf32>,
      %add3A_635 = arith.addf %add3A_630, %get3A_634 : vector<16xf32>
      %get3A_636 = arith.constant 14 : i32
      %get3A_637 = arith.index_cast %get3A_636 : i32 to index
      %get3A_638 = arith.constant 80 : index
      %get3A_639 = tpu.vector_load %arg9[%get3A_637, %get3A_638] {strides = array<i32>} : memref<16x128xf32, #tpu.memory_space<vmem>>, vector<16xf32>,
      %add3A_640 = arith.addf %add3A_635, %get3A_639 : vector<16xf32>
      %get3A_641 = arith.constant 15 : i32
      %get3A_642 = arith.index_cast %get3A_641 : i32 to index
      %get3A_643 = arith.constant 80 : index
      %get3A_644 = tpu.vector_load %arg9[%get3A_642, %get3A_643] {strides = array<i32>} : memref<16x128xf32, #tpu.memory_space<vmem>>, vector<16xf32>,
      %add3A_645 = arith.addf %add3A_640, %get3A_644 : vector<16xf32>
      %get3A_646 = arith.constant 0 : i32
      %get3A_647 = arith.index_cast %get3A_646 : i32 to index
      %get3A_648 = arith.constant 96 : index
      %get3A_649 = tpu.vector_load %arg9[%get3A_647, %get3A_648] {strides = array<i32>} : memref<16x128xf32, #tpu.memory_space<vmem>>, vector<16xf32>,
      %add3A_650 = arith.addf %broadcast_in_dim3A_4, %get3A_649 : vector<16xf32>
      %get3A_651 = arith.constant 1 : i32
      %get3A_652 = arith.index_cast %get3A_651 : i32 to index
      %get3A_653 = arith.constant 96 : index
      %get3A_654 = tpu.vector_load %arg9[%get3A_652, %get3A_653] {strides = array<i32>} : memref<16x128xf32, #tpu.memory_space<vmem>>, vector<16xf32>,
      %add3A_655 = arith.addf %add3A_650, %get3A_654 : vector<16xf32>
      %get3A_656 = arith.constant 2 : i32
      %get3A_657 = arith.index_cast %get3A_656 : i32 to index
      %get3A_658 = arith.constant 96 : index
      %get3A_659 = tpu.vector_load %arg9[%get3A_657, %get3A_658] {strides = array<i32>} : memref<16x128xf32, #tpu.memory_space<vmem>>, vector<16xf32>,
      %add3A_660 = arith.addf %add3A_655, %get3A_659 : vector<16xf32>
      %get3A_661 = arith.constant 3 : i32
      %get3A_662 = arith.index_cast %get3A_661 : i32 to index
      %get3A_663 = arith.constant 96 : index
      %get3A_664 = tpu.vector_load %arg9[%get3A_662, %get3A_663] {strides = array<i32>} : memref<16x128xf32, #tpu.memory_space<vmem>>, vector<16xf32>,
      %add3A_665 = arith.addf %add3A_660, %get3A_664 : vector<16xf32>
      %get3A_666 = arith.constant 4 : i32
      %get3A_667 = arith.index_cast %get3A_666 : i32 to index
      %get3A_668 = arith.constant 96 : index
      %get3A_669 = tpu.vector_load %arg9[%get3A_667, %get3A_668] {strides = array<i32>} : memref<16x128xf32, #tpu.memory_space<vmem>>, vector<16xf32>,
      %add3A_670 = arith.addf %add3A_665, %get3A_669 : vector<16xf32>
      %get3A_671 = arith.constant 5 : i32
      %get3A_672 = arith.index_cast %get3A_671 : i32 to index
      %get3A_673 = arith.constant 96 : index
      %get3A_674 = tpu.vector_load %arg9[%get3A_672, %get3A_673] {strides = array<i32>} : memref<16x128xf32, #tpu.memory_space<vmem>>, vector<16xf32>,
      %add3A_675 = arith.addf %add3A_670, %get3A_674 : vector<16xf32>
      %get3A_676 = arith.constant 6 : i32
      %get3A_677 = arith.index_cast %get3A_676 : i32 to index
      %get3A_678 = arith.constant 96 : index
      %get3A_679 = tpu.vector_load %arg9[%get3A_677, %get3A_678] {strides = array<i32>} : memref<16x128xf32, #tpu.memory_space<vmem>>, vector<16xf32>,
      %add3A_680 = arith.addf %add3A_675, %get3A_679 : vector<16xf32>
      %get3A_681 = arith.constant 7 : i32
      %get3A_682 = arith.index_cast %get3A_681 : i32 to index
      %get3A_683 = arith.constant 96 : index
      %get3A_684 = tpu.vector_load %arg9[%get3A_682, %get3A_683] {strides = array<i32>} : memref<16x128xf32, #tpu.memory_space<vmem>>, vector<16xf32>,
      %add3A_685 = arith.addf %add3A_680, %get3A_684 : vector<16xf32>
      %get3A_686 = arith.constant 8 : i32
      %get3A_687 = arith.index_cast %get3A_686 : i32 to index
      %get3A_688 = arith.constant 96 : index
      %get3A_689 = tpu.vector_load %arg9[%get3A_687, %get3A_688] {strides = array<i32>} : memref<16x128xf32, #tpu.memory_space<vmem>>, vector<16xf32>,
      %add3A_690 = arith.addf %add3A_685, %get3A_689 : vector<16xf32>
      %get3A_691 = arith.constant 9 : i32
      %get3A_692 = arith.index_cast %get3A_691 : i32 to index
      %get3A_693 = arith.constant 96 : index
      %get3A_694 = tpu.vector_load %arg9[%get3A_692, %get3A_693] {strides = array<i32>} : memref<16x128xf32, #tpu.memory_space<vmem>>, vector<16xf32>,
      %add3A_695 = arith.addf %add3A_690, %get3A_694 : vector<16xf32>
      %get3A_696 = arith.constant 10 : i32
      %get3A_697 = arith.index_cast %get3A_696 : i32 to index
      %get3A_698 = arith.constant 96 : index
      %get3A_699 = tpu.vector_load %arg9[%get3A_697, %get3A_698] {strides = array<i32>} : memref<16x128xf32, #tpu.memory_space<vmem>>, vector<16xf32>,
      %add3A_700 = arith.addf %add3A_695, %get3A_699 : vector<16xf32>
      %get3A_701 = arith.constant 11 : i32
      %get3A_702 = arith.index_cast %get3A_701 : i32 to index
      %get3A_703 = arith.constant 96 : index
      %get3A_704 = tpu.vector_load %arg9[%get3A_702, %get3A_703] {strides = array<i32>} : memref<16x128xf32, #tpu.memory_space<vmem>>, vector<16xf32>,
      %add3A_705 = arith.addf %add3A_700, %get3A_704 : vector<16xf32>
      %get3A_706 = arith.constant 12 : i32
      %get3A_707 = arith.index_cast %get3A_706 : i32 to index
      %get3A_708 = arith.constant 96 : index
      %get3A_709 = tpu.vector_load %arg9[%get3A_707, %get3A_708] {strides = array<i32>} : memref<16x128xf32, #tpu.memory_space<vmem>>, vector<16xf32>,
      %add3A_710 = arith.addf %add3A_705, %get3A_709 : vector<16xf32>
      %get3A_711 = arith.constant 13 : i32
      %get3A_712 = arith.index_cast %get3A_711 : i32 to index
      %get3A_713 = arith.constant 96 : index
      %get3A_714 = tpu.vector_load %arg9[%get3A_712, %get3A_713] {strides = array<i32>} : memref<16x128xf32, #tpu.memory_space<vmem>>, vector<16xf32>,
      %add3A_715 = arith.addf %add3A_710, %get3A_714 : vector<16xf32>
      %get3A_716 = arith.constant 14 : i32
      %get3A_717 = arith.index_cast %get3A_716 : i32 to index
      %get3A_718 = arith.constant 96 : index
      %get3A_719 = tpu.vector_load %arg9[%get3A_717, %get3A_718] {strides = array<i32>} : memref<16x128xf32, #tpu.memory_space<vmem>>, vector<16xf32>,
      %add3A_720 = arith.addf %add3A_715, %get3A_719 : vector<16xf32>
      %get3A_721 = arith.constant 15 : i32
      %get3A_722 = arith.index_cast %get3A_721 : i32 to index
      %get3A_723 = arith.constant 96 : index
      %get3A_724 = tpu.vector_load %arg9[%get3A_722, %get3A_723] {strides = array<i32>} : memref<16x128xf32, #tpu.memory_space<vmem>>, vector<16xf32>,
      %add3A_725 = arith.addf %add3A_720, %get3A_724 : vector<16xf32>
      %get3A_726 = arith.constant 0 : i32
      %get3A_727 = arith.index_cast %get3A_726 : i32 to index
      %get3A_728 = arith.constant 112 : index
      %get3A_729 = tpu.vector_load %arg9[%get3A_727, %get3A_728] {strides = array<i32>} : memref<16x128xf32, #tpu.memory_space<vmem>>, vector<16xf32>,
      %add3A_730 = arith.addf %broadcast_in_dim3A_4, %get3A_729 : vector<16xf32>
      %get3A_731 = arith.constant 1 : i32
      %get3A_732 = arith.index_cast %get3A_731 : i32 to index
      %get3A_733 = arith.constant 112 : index
      %get3A_734 = tpu.vector_load %arg9[%get3A_732, %get3A_733] {strides = array<i32>} : memref<16x128xf32, #tpu.memory_space<vmem>>, vector<16xf32>,
      %add3A_735 = arith.addf %add3A_730, %get3A_734 : vector<16xf32>
      %get3A_736 = arith.constant 2 : i32
      %get3A_737 = arith.index_cast %get3A_736 : i32 to index
      %get3A_738 = arith.constant 112 : index
      %get3A_739 = tpu.vector_load %arg9[%get3A_737, %get3A_738] {strides = array<i32>} : memref<16x128xf32, #tpu.memory_space<vmem>>, vector<16xf32>,
      %add3A_740 = arith.addf %add3A_735, %get3A_739 : vector<16xf32>
      %get3A_741 = arith.constant 3 : i32
      %get3A_742 = arith.index_cast %get3A_741 : i32 to index
      %get3A_743 = arith.constant 112 : index
      %get3A_744 = tpu.vector_load %arg9[%get3A_742, %get3A_743] {strides = array<i32>} : memref<16x128xf32, #tpu.memory_space<vmem>>, vector<16xf32>,
      %add3A_745 = arith.addf %add3A_740, %get3A_744 : vector<16xf32>
      %get3A_746 = arith.constant 4 : i32
      %get3A_747 = arith.index_cast %get3A_746 : i32 to index
      %get3A_748 = arith.constant 112 : index
      %get3A_749 = tpu.vector_load %arg9[%get3A_747, %get3A_748] {strides = array<i32>} : memref<16x128xf32, #tpu.memory_space<vmem>>, vector<16xf32>,
      %add3A_750 = arith.addf %add3A_745, %get3A_749 : vector<16xf32>
      %get3A_751 = arith.constant 5 : i32
      %get3A_752 = arith.index_cast %get3A_751 : i32 to index
      %get3A_753 = arith.constant 112 : index
      %get3A_754 = tpu.vector_load %arg9[%get3A_752, %get3A_753] {strides = array<i32>} : memref<16x128xf32, #tpu.memory_space<vmem>>, vector<16xf32>,
      %add3A_755 = arith.addf %add3A_750, %get3A_754 : vector<16xf32>
      %get3A_756 = arith.constant 6 : i32
      %get3A_757 = arith.index_cast %get3A_756 : i32 to index
      %get3A_758 = arith.constant 112 : index
      %get3A_759 = tpu.vector_load %arg9[%get3A_757, %get3A_758] {strides = array<i32>} : memref<16x128xf32, #tpu.memory_space<vmem>>, vector<16xf32>,
      %add3A_760 = arith.addf %add3A_755, %get3A_759 : vector<16xf32>
      %get3A_761 = arith.constant 7 : i32
      %get3A_762 = arith.index_cast %get3A_761 : i32 to index
      %get3A_763 = arith.constant 112 : index
      %get3A_764 = tpu.vector_load %arg9[%get3A_762, %get3A_763] {strides = array<i32>} : memref<16x128xf32, #tpu.memory_space<vmem>>, vector<16xf32>,
      %add3A_765 = arith.addf %add3A_760, %get3A_764 : vector<16xf32>
      %get3A_766 = arith.constant 8 : i32
      %get3A_767 = arith.index_cast %get3A_766 : i32 to index
      %get3A_768 = arith.constant 112 : index
      %get3A_769 = tpu.vector_load %arg9[%get3A_767, %get3A_768] {strides = array<i32>} : memref<16x128xf32, #tpu.memory_space<vmem>>, vector<16xf32>,
      %add3A_770 = arith.addf %add3A_765, %get3A_769 : vector<16xf32>
      %get3A_771 = arith.constant 9 : i32
      %get3A_772 = arith.index_cast %get3A_771 : i32 to index
      %get3A_773 = arith.constant 112 : index
      %get3A_774 = tpu.vector_load %arg9[%get3A_772, %get3A_773] {strides = array<i32>} : memref<16x128xf32, #tpu.memory_space<vmem>>, vector<16xf32>,
      %add3A_775 = arith.addf %add3A_770, %get3A_774 : vector<16xf32>
      %get3A_776 = arith.constant 10 : i32
      %get3A_777 = arith.index_cast %get3A_776 : i32 to index
      %get3A_778 = arith.constant 112 : index
      %get3A_779 = tpu.vector_load %arg9[%get3A_777, %get3A_778] {strides = array<i32>} : memref<16x128xf32, #tpu.memory_space<vmem>>, vector<16xf32>,
      %add3A_780 = arith.addf %add3A_775, %get3A_779 : vector<16xf32>
      %get3A_781 = arith.constant 11 : i32
      %get3A_782 = arith.index_cast %get3A_781 : i32 to index
      %get3A_783 = arith.constant 112 : index
      %get3A_784 = tpu.vector_load %arg9[%get3A_782, %get3A_783] {strides = array<i32>} : memref<16x128xf32, #tpu.memory_space<vmem>>, vector<16xf32>,
      %add3A_785 = arith.addf %add3A_780, %get3A_784 : vector<16xf32>
      %get3A_786 = arith.constant 12 : i32
      %get3A_787 = arith.index_cast %get3A_786 : i32 to index
      %get3A_788 = arith.constant 112 : index
      %get3A_789 = tpu.vector_load %arg9[%get3A_787, %get3A_788] {strides = array<i32>} : memref<16x128xf32, #tpu.memory_space<vmem>>, vector<16xf32>,
      %add3A_790 = arith.addf %add3A_785, %get3A_789 : vector<16xf32>
      %get3A_791 = arith.constant 13 : i32
      %get3A_792 = arith.index_cast %get3A_791 : i32 to index
      %get3A_793 = arith.constant 112 : index
      %get3A_794 = tpu.vector_load %arg9[%get3A_792, %get3A_793] {strides = array<i32>} : memref<16x128xf32, #tpu.memory_space<vmem>>, vector<16xf32>,
      %add3A_795 = arith.addf %add3A_790, %get3A_794 : vector<16xf32>
      %get3A_796 = arith.constant 14 : i32
      %get3A_797 = arith.index_cast %get3A_796 : i32 to index
      %get3A_798 = arith.constant 112 : index
      %get3A_799 = tpu.vector_load %arg9[%get3A_797, %get3A_798] {strides = array<i32>} : memref<16x128xf32, #tpu.memory_space<vmem>>, vector<16xf32>,
      %add3A_800 = arith.addf %add3A_795, %get3A_799 : vector<16xf32>
      %get3A_801 = arith.constant 15 : i32
      %get3A_802 = arith.index_cast %get3A_801 : i32 to index
      %get3A_803 = arith.constant 112 : index
      %get3A_804 = tpu.vector_load %arg9[%get3A_802, %get3A_803] {strides = array<i32>} : memref<16x128xf32, #tpu.memory_space<vmem>>, vector<16xf32>,
      %add3A_805 = arith.addf %add3A_800, %get3A_804 : vector<16xf32>
      %iota3A = tpu.iota {dimensions = array<i32: 0>} : vector<16xi32>
      %mul3A_806 = arith.constant 9 : i32
      %mul3A_807 = vector.broadcast %mul3A_806 : i32 to vector<16xi32>
      %mul3A_808 = arith.muli %iota3A, %mul3A_807 : vector<16xi32>
      %add3A_809 = arith.constant 0 : i32
      %add3A_810 = vector.broadcast %add3A_809 : i32 to vector<16xi32>
      %add3A_811 = arith.addi %mul3A_808, %add3A_810 : vector<16xi32>
      %gather3A = tpu.vector_load_idx %arg10[%add3A_811] : memref<2432xf32, #tpu.memory_space<vmem>>[vector<16xi32>], vector<16xf32>,
      %mul3A_812 = arith.mulf %add3A_245, %gather3A : vector<16xf32>
      %add3A_813 = arith.addf %broadcast_in_dim3A_4, %mul3A_812 : vector<16xf32>
      %add3A_814 = arith.constant 144 : i32
      %add3A_815 = vector.broadcast %add3A_814 : i32 to vector<16xi32>
      %add3A_816 = arith.addi %mul3A_808, %add3A_815 : vector<16xi32>
      %gather3A_817 = tpu.vector_load_idx %arg10[%add3A_816] : memref<2432xf32, #tpu.memory_space<vmem>>[vector<16xi32>], vector<16xf32>,
      %mul3A_818 = arith.mulf %add3A_325, %gather3A_817 : vector<16xf32>
      %add3A_819 = arith.addf %add3A_813, %mul3A_818 : vector<16xf32>
      %add3A_820 = arith.constant 288 : i32
      %add3A_821 = vector.broadcast %add3A_820 : i32 to vector<16xi32>
      %add3A_822 = arith.addi %mul3A_808, %add3A_821 : vector<16xi32>
      %gather3A_823 = tpu.vector_load_idx %arg10[%add3A_822] : memref<2432xf32, #tpu.memory_space<vmem>>[vector<16xi32>], vector<16xf32>,
      %mul3A_824 = arith.mulf %add3A_405, %gather3A_823 : vector<16xf32>
      %add3A_825 = arith.addf %add3A_819, %mul3A_824 : vector<16xf32>
      %add3A_826 = arith.constant 432 : i32
      %add3A_827 = vector.broadcast %add3A_826 : i32 to vector<16xi32>
      %add3A_828 = arith.addi %mul3A_808, %add3A_827 : vector<16xi32>
      %gather3A_829 = tpu.vector_load_idx %arg10[%add3A_828] : memref<2432xf32, #tpu.memory_space<vmem>>[vector<16xi32>], vector<16xf32>,
      %mul3A_830 = arith.mulf %add3A_485, %gather3A_829 : vector<16xf32>
      %add3A_831 = arith.addf %add3A_825, %mul3A_830 : vector<16xf32>
      %add3A_832 = arith.constant 576 : i32
      %add3A_833 = vector.broadcast %add3A_832 : i32 to vector<16xi32>
      %add3A_834 = arith.addi %mul3A_808, %add3A_833 : vector<16xi32>
      %gather3A_835 = tpu.vector_load_idx %arg10[%add3A_834] : memref<2432xf32, #tpu.memory_space<vmem>>[vector<16xi32>], vector<16xf32>,
      %mul3A_836 = arith.mulf %add3A_565, %gather3A_835 : vector<16xf32>
      %add3A_837 = arith.addf %add3A_831, %mul3A_836 : vector<16xf32>
      %add3A_838 = arith.constant 720 : i32
      %add3A_839 = vector.broadcast %add3A_838 : i32 to vector<16xi32>
      %add3A_840 = arith.addi %mul3A_808, %add3A_839 : vector<16xi32>
      %gather3A_841 = tpu.vector_load_idx %arg10[%add3A_840] : memref<2432xf32, #tpu.memory_space<vmem>>[vector<16xi32>], vector<16xf32>,
      %mul3A_842 = arith.mulf %add3A_645, %gather3A_841 : vector<16xf32>
      %add3A_843 = arith.addf %add3A_837, %mul3A_842 : vector<16xf32>
      %add3A_844 = arith.constant 864 : i32
      %add3A_845 = vector.broadcast %add3A_844 : i32 to vector<16xi32>
      %add3A_846 = arith.addi %mul3A_808, %add3A_845 : vector<16xi32>
      %gather3A_847 = tpu.vector_load_idx %arg10[%add3A_846] : memref<2432xf32, #tpu.memory_space<vmem>>[vector<16xi32>], vector<16xf32>,
      %mul3A_848 = arith.mulf %add3A_725, %gather3A_847 : vector<16xf32>
      %add3A_849 = arith.addf %add3A_843, %mul3A_848 : vector<16xf32>
      %add3A_850 = arith.constant 1008 : i32
      %add3A_851 = vector.broadcast %add3A_850 : i32 to vector<16xi32>
      %add3A_852 = arith.addi %mul3A_808, %add3A_851 : vector<16xi32>
      %gather3A_853 = tpu.vector_load_idx %arg10[%add3A_852] : memref<2432xf32, #tpu.memory_space<vmem>>[vector<16xi32>], vector<16xf32>,
      %mul3A_854 = arith.mulf %add3A_805, %gather3A_853 : vector<16xf32>
      %add3A_855 = arith.addf %add3A_849, %mul3A_854 : vector<16xf32>
      %iota3A_856 = tpu.iota {dimensions = array<i32: 0>} : vector<16xi32>
      %xor3A = arith.constant 1 : i32
      %xor3A_857 = vector.broadcast %xor3A : i32 to vector<16xi32>
      %xor3A_858 = arith.xori %iota3A_856, %xor3A_857 : vector<16xi32>
      %lt3A = arith.constant 0 : i32
      %lt3A_859 = vector.broadcast %lt3A : i32 to vector<16xi32>
      %lt3A_860 = arith.cmpi slt, %xor3A_858, %lt3A_859 : vector<16xi32>
      %add3A_861 = arith.constant 16 : i32
      %add3A_862 = vector.broadcast %add3A_861 : i32 to vector<16xi32>
      %add3A_863 = arith.addi %xor3A_858, %add3A_862 : vector<16xi32>
      %select_n3A = arith.select %lt3A_860, %add3A_863, %xor3A_858 : vector<16xi1>, vector<16xi32>
      %broadcast_in_dim3A_864 = vector.shape_cast %select_n3A : vector<16xi32> to vector<16x1xi32>
      %gather3A_865 = vector.shape_cast %broadcast_in_dim3A_864 : vector<16x1xi32> to vector<16xi32>
      %gather3A_866 = tpu.dynamic_gather %add3A_855[%gather3A_865] in [0] : vector<16xf32>, vector<16xi32> -> vector<16xf32>
      %add3A_867 = arith.addf %add3A_855, %gather3A_866 : vector<16xf32>
      %xor3A_868 = arith.constant 2 : i32
      %xor3A_869 = vector.broadcast %xor3A_868 : i32 to vector<16xi32>
      %xor3A_870 = arith.xori %iota3A_856, %xor3A_869 : vector<16xi32>
      %lt3A_871 = arith.constant 0 : i32
      %lt3A_872 = vector.broadcast %lt3A_871 : i32 to vector<16xi32>
      %lt3A_873 = arith.cmpi slt, %xor3A_870, %lt3A_872 : vector<16xi32>
      %add3A_874 = arith.constant 16 : i32
      %add3A_875 = vector.broadcast %add3A_874 : i32 to vector<16xi32>
      %add3A_876 = arith.addi %xor3A_870, %add3A_875 : vector<16xi32>
      %select_n3A_877 = arith.select %lt3A_873, %add3A_876, %xor3A_870 : vector<16xi1>, vector<16xi32>
      %broadcast_in_dim3A_878 = vector.shape_cast %select_n3A_877 : vector<16xi32> to vector<16x1xi32>
      %gather3A_879 = vector.shape_cast %broadcast_in_dim3A_878 : vector<16x1xi32> to vector<16xi32>
      %gather3A_880 = tpu.dynamic_gather %add3A_867[%gather3A_879] in [0] : vector<16xf32>, vector<16xi32> -> vector<16xf32>
      %add3A_881 = arith.addf %add3A_867, %gather3A_880 : vector<16xf32>
      %xor3A_882 = arith.constant 4 : i32
      %xor3A_883 = vector.broadcast %xor3A_882 : i32 to vector<16xi32>
      %xor3A_884 = arith.xori %iota3A_856, %xor3A_883 : vector<16xi32>
      %lt3A_885 = arith.constant 0 : i32
      %lt3A_886 = vector.broadcast %lt3A_885 : i32 to vector<16xi32>
      %lt3A_887 = arith.cmpi slt, %xor3A_884, %lt3A_886 : vector<16xi32>
      %add3A_888 = arith.constant 16 : i32
      %add3A_889 = vector.broadcast %add3A_888 : i32 to vector<16xi32>
      %add3A_890 = arith.addi %xor3A_884, %add3A_889 : vector<16xi32>
      %select_n3A_891 = arith.select %lt3A_887, %add3A_890, %xor3A_884 : vector<16xi1>, vector<16xi32>
      %broadcast_in_dim3A_892 = vector.shape_cast %select_n3A_891 : vector<16xi32> to vector<16x1xi32>
      %gather3A_893 = vector.shape_cast %broadcast_in_dim3A_892 : vector<16x1xi32> to vector<16xi32>
      %gather3A_894 = tpu.dynamic_gather %add3A_881[%gather3A_893] in [0] : vector<16xf32>, vector<16xi32> -> vector<16xf32>
      %add3A_895 = arith.addf %add3A_881, %gather3A_894 : vector<16xf32>
      %xor3A_896 = arith.constant 8 : i32
      %xor3A_897 = vector.broadcast %xor3A_896 : i32 to vector<16xi32>
      %xor3A_898 = arith.xori %iota3A_856, %xor3A_897 : vector<16xi32>
      %lt3A_899 = arith.constant 0 : i32
      %lt3A_900 = vector.broadcast %lt3A_899 : i32 to vector<16xi32>
      %lt3A_901 = arith.cmpi slt, %xor3A_898, %lt3A_900 : vector<16xi32>
      %add3A_902 = arith.constant 16 : i32
      %add3A_903 = vector.broadcast %add3A_902 : i32 to vector<16xi32>
      %add3A_904 = arith.addi %xor3A_898, %add3A_903 : vector<16xi32>
      %select_n3A_905 = arith.select %lt3A_901, %add3A_904, %xor3A_898 : vector<16xi1>, vector<16xi32>
      %broadcast_in_dim3A_906 = vector.shape_cast %select_n3A_905 : vector<16xi32> to vector<16x1xi32>
      %gather3A_907 = vector.shape_cast %broadcast_in_dim3A_906 : vector<16x1xi32> to vector<16xi32>
      %gather3A_908 = tpu.dynamic_gather %add3A_895[%gather3A_907] in [0] : vector<16xf32>, vector<16xi32> -> vector<16xf32>
      %add3A_909 = arith.addf %add3A_895, %gather3A_908 : vector<16xf32>
      %mul3A_910 = arith.constant 6.10351563E-5 : f32
      %mul3A_911 = vector.broadcast %mul3A_910 : f32 to vector<16xf32>
      %mul3A_912 = arith.mulf %add3A_909, %mul3A_911 : vector<16xf32>
      %add3A_913 = arith.constant 1 : i32
      %add3A_914 = vector.broadcast %add3A_913 : i32 to vector<16xi32>
      %add3A_915 = arith.addi %mul3A_808, %add3A_914 : vector<16xi32>
      %gather3A_916 = tpu.vector_load_idx %arg10[%add3A_915] : memref<2432xf32, #tpu.memory_space<vmem>>[vector<16xi32>], vector<16xf32>,
      %mul3A_917 = arith.mulf %add3A_245, %gather3A_916 : vector<16xf32>
      %add3A_918 = arith.addf %broadcast_in_dim3A_4, %mul3A_917 : vector<16xf32>
      %add3A_919 = arith.constant 145 : i32
      %add3A_920 = vector.broadcast %add3A_919 : i32 to vector<16xi32>
      %add3A_921 = arith.addi %mul3A_808, %add3A_920 : vector<16xi32>
      %gather3A_922 = tpu.vector_load_idx %arg10[%add3A_921] : memref<2432xf32, #tpu.memory_space<vmem>>[vector<16xi32>], vector<16xf32>,
      %mul3A_923 = arith.mulf %add3A_325, %gather3A_922 : vector<16xf32>
      %add3A_924 = arith.addf %add3A_918, %mul3A_923 : vector<16xf32>
      %add3A_925 = arith.constant 289 : i32
      %add3A_926 = vector.broadcast %add3A_925 : i32 to vector<16xi32>
      %add3A_927 = arith.addi %mul3A_808, %add3A_926 : vector<16xi32>
      %gather3A_928 = tpu.vector_load_idx %arg10[%add3A_927] : memref<2432xf32, #tpu.memory_space<vmem>>[vector<16xi32>], vector<16xf32>,
      %mul3A_929 = arith.mulf %add3A_405, %gather3A_928 : vector<16xf32>
      %add3A_930 = arith.addf %add3A_924, %mul3A_929 : vector<16xf32>
      %add3A_931 = arith.constant 433 : i32
      %add3A_932 = vector.broadcast %add3A_931 : i32 to vector<16xi32>
      %add3A_933 = arith.addi %mul3A_808, %add3A_932 : vector<16xi32>
      %gather3A_934 = tpu.vector_load_idx %arg10[%add3A_933] : memref<2432xf32, #tpu.memory_space<vmem>>[vector<16xi32>], vector<16xf32>,
      %mul3A_935 = arith.mulf %add3A_485, %gather3A_934 : vector<16xf32>
      %add3A_936 = arith.addf %add3A_930, %mul3A_935 : vector<16xf32>
      %add3A_937 = arith.constant 577 : i32
      %add3A_938 = vector.broadcast %add3A_937 : i32 to vector<16xi32>
      %add3A_939 = arith.addi %mul3A_808, %add3A_938 : vector<16xi32>
      %gather3A_940 = tpu.vector_load_idx %arg10[%add3A_939] : memref<2432xf32, #tpu.memory_space<vmem>>[vector<16xi32>], vector<16xf32>,
      %mul3A_941 = arith.mulf %add3A_565, %gather3A_940 : vector<16xf32>
      %add3A_942 = arith.addf %add3A_936, %mul3A_941 : vector<16xf32>
      %add3A_943 = arith.constant 721 : i32
      %add3A_944 = vector.broadcast %add3A_943 : i32 to vector<16xi32>
      %add3A_945 = arith.addi %mul3A_808, %add3A_944 : vector<16xi32>
      %gather3A_946 = tpu.vector_load_idx %arg10[%add3A_945] : memref<2432xf32, #tpu.memory_space<vmem>>[vector<16xi32>], vector<16xf32>,
      %mul3A_947 = arith.mulf %add3A_645, %gather3A_946 : vector<16xf32>
      %add3A_948 = arith.addf %add3A_942, %mul3A_947 : vector<16xf32>
      %add3A_949 = arith.constant 865 : i32
      %add3A_950 = vector.broadcast %add3A_949 : i32 to vector<16xi32>
      %add3A_951 = arith.addi %mul3A_808, %add3A_950 : vector<16xi32>
      %gather3A_952 = tpu.vector_load_idx %arg10[%add3A_951] : memref<2432xf32, #tpu.memory_space<vmem>>[vector<16xi32>], vector<16xf32>,
      %mul3A_953 = arith.mulf %add3A_725, %gather3A_952 : vector<16xf32>
      %add3A_954 = arith.addf %add3A_948, %mul3A_953 : vector<16xf32>
      %add3A_955 = arith.constant 1009 : i32
      %add3A_956 = vector.broadcast %add3A_955 : i32 to vector<16xi32>
      %add3A_957 = arith.addi %mul3A_808, %add3A_956 : vector<16xi32>
      %gather3A_958 = tpu.vector_load_idx %arg10[%add3A_957] : memref<2432xf32, #tpu.memory_space<vmem>>[vector<16xi32>], vector<16xf32>,
      %mul3A_959 = arith.mulf %add3A_805, %gather3A_958 : vector<16xf32>
      %add3A_960 = arith.addf %add3A_954, %mul3A_959 : vector<16xf32>
      %iota3A_961 = tpu.iota {dimensions = array<i32: 0>} : vector<16xi32>
      %xor3A_962 = arith.constant 1 : i32
      %xor3A_963 = vector.broadcast %xor3A_962 : i32 to vector<16xi32>
      %xor3A_964 = arith.xori %iota3A_961, %xor3A_963 : vector<16xi32>
      %lt3A_965 = arith.constant 0 : i32
      %lt3A_966 = vector.broadcast %lt3A_965 : i32 to vector<16xi32>
      %lt3A_967 = arith.cmpi slt, %xor3A_964, %lt3A_966 : vector<16xi32>
      %add3A_968 = arith.constant 16 : i32
      %add3A_969 = vector.broadcast %add3A_968 : i32 to vector<16xi32>
      %add3A_970 = arith.addi %xor3A_964, %add3A_969 : vector<16xi32>
      %select_n3A_971 = arith.select %lt3A_967, %add3A_970, %xor3A_964 : vector<16xi1>, vector<16xi32>
      %broadcast_in_dim3A_972 = vector.shape_cast %select_n3A_971 : vector<16xi32> to vector<16x1xi32>
      %gather3A_973 = vector.shape_cast %broadcast_in_dim3A_972 : vector<16x1xi32> to vector<16xi32>
      %gather3A_974 = tpu.dynamic_gather %add3A_960[%gather3A_973] in [0] : vector<16xf32>, vector<16xi32> -> vector<16xf32>
      %add3A_975 = arith.addf %add3A_960, %gather3A_974 : vector<16xf32>
      %xor3A_976 = arith.constant 2 : i32
      %xor3A_977 = vector.broadcast %xor3A_976 : i32 to vector<16xi32>
      %xor3A_978 = arith.xori %iota3A_961, %xor3A_977 : vector<16xi32>
      %lt3A_979 = arith.constant 0 : i32
      %lt3A_980 = vector.broadcast %lt3A_979 : i32 to vector<16xi32>
      %lt3A_981 = arith.cmpi slt, %xor3A_978, %lt3A_980 : vector<16xi32>
      %add3A_982 = arith.constant 16 : i32
      %add3A_983 = vector.broadcast %add3A_982 : i32 to vector<16xi32>
      %add3A_984 = arith.addi %xor3A_978, %add3A_983 : vector<16xi32>
      %select_n3A_985 = arith.select %lt3A_981, %add3A_984, %xor3A_978 : vector<16xi1>, vector<16xi32>
      %broadcast_in_dim3A_986 = vector.shape_cast %select_n3A_985 : vector<16xi32> to vector<16x1xi32>
      %gather3A_987 = vector.shape_cast %broadcast_in_dim3A_986 : vector<16x1xi32> to vector<16xi32>
      %gather3A_988 = tpu.dynamic_gather %add3A_975[%gather3A_987] in [0] : vector<16xf32>, vector<16xi32> -> vector<16xf32>
      %add3A_989 = arith.addf %add3A_975, %gather3A_988 : vector<16xf32>
      %xor3A_990 = arith.constant 4 : i32
      %xor3A_991 = vector.broadcast %xor3A_990 : i32 to vector<16xi32>
      %xor3A_992 = arith.xori %iota3A_961, %xor3A_991 : vector<16xi32>
      %lt3A_993 = arith.constant 0 : i32
      %lt3A_994 = vector.broadcast %lt3A_993 : i32 to vector<16xi32>
      %lt3A_995 = arith.cmpi slt, %xor3A_992, %lt3A_994 : vector<16xi32>
      %add3A_996 = arith.constant 16 : i32
      %add3A_997 = vector.broadcast %add3A_996 : i32 to vector<16xi32>
      %add3A_998 = arith.addi %xor3A_992, %add3A_997 : vector<16xi32>
      %select_n3A_999 = arith.select %lt3A_995, %add3A_998, %xor3A_992 : vector<16xi1>, vector<16xi32>
      %broadcast_in_dim3A_1000 = vector.shape_cast %select_n3A_999 : vector<16xi32> to vector<16x1xi32>
      %gather3A_1001 = vector.shape_cast %broadcast_in_dim3A_1000 : vector<16x1xi32> to vector<16xi32>
      %gather3A_1002 = tpu.dynamic_gather %add3A_989[%gather3A_1001] in [0] : vector<16xf32>, vector<16xi32> -> vector<16xf32>
      %add3A_1003 = arith.addf %add3A_989, %gather3A_1002 : vector<16xf32>
      %xor3A_1004 = arith.constant 8 : i32
      %xor3A_1005 = vector.broadcast %xor3A_1004 : i32 to vector<16xi32>
      %xor3A_1006 = arith.xori %iota3A_961, %xor3A_1005 : vector<16xi32>
      %lt3A_1007 = arith.constant 0 : i32
      %lt3A_1008 = vector.broadcast %lt3A_1007 : i32 to vector<16xi32>
      %lt3A_1009 = arith.cmpi slt, %xor3A_1006, %lt3A_1008 : vector<16xi32>
      %add3A_1010 = arith.constant 16 : i32
      %add3A_1011 = vector.broadcast %add3A_1010 : i32 to vector<16xi32>
      %add3A_1012 = arith.addi %xor3A_1006, %add3A_1011 : vector<16xi32>
      %select_n3A_1013 = arith.select %lt3A_1009, %add3A_1012, %xor3A_1006 : vector<16xi1>, vector<16xi32>
      %broadcast_in_dim3A_1014 = vector.shape_cast %select_n3A_1013 : vector<16xi32> to vector<16x1xi32>
      %gather3A_1015 = vector.shape_cast %broadcast_in_dim3A_1014 : vector<16x1xi32> to vector<16xi32>
      %gather3A_1016 = tpu.dynamic_gather %add3A_1003[%gather3A_1015] in [0] : vector<16xf32>, vector<16xi32> -> vector<16xf32>
      %add3A_1017 = arith.addf %add3A_1003, %gather3A_1016 : vector<16xf32>
      %mul3A_1018 = arith.constant 6.10351563E-5 : f32
      %mul3A_1019 = vector.broadcast %mul3A_1018 : f32 to vector<16xf32>
      %mul3A_1020 = arith.mulf %add3A_1017, %mul3A_1019 : vector<16xf32>
      %add3A_1021 = arith.constant 2 : i32
      %add3A_1022 = vector.broadcast %add3A_1021 : i32 to vector<16xi32>
      %add3A_1023 = arith.addi %mul3A_808, %add3A_1022 : vector<16xi32>
      %gather3A_1024 = tpu.vector_load_idx %arg10[%add3A_1023] : memref<2432xf32, #tpu.memory_space<vmem>>[vector<16xi32>], vector<16xf32>,
      %mul3A_1025 = arith.mulf %add3A_245, %gather3A_1024 : vector<16xf32>
      %add3A_1026 = arith.addf %broadcast_in_dim3A_4, %mul3A_1025 : vector<16xf32>
      %add3A_1027 = arith.constant 146 : i32
      %add3A_1028 = vector.broadcast %add3A_1027 : i32 to vector<16xi32>
      %add3A_1029 = arith.addi %mul3A_808, %add3A_1028 : vector<16xi32>
      %gather3A_1030 = tpu.vector_load_idx %arg10[%add3A_1029] : memref<2432xf32, #tpu.memory_space<vmem>>[vector<16xi32>], vector<16xf32>,
      %mul3A_1031 = arith.mulf %add3A_325, %gather3A_1030 : vector<16xf32>
      %add3A_1032 = arith.addf %add3A_1026, %mul3A_1031 : vector<16xf32>
      %add3A_1033 = arith.constant 290 : i32
      %add3A_1034 = vector.broadcast %add3A_1033 : i32 to vector<16xi32>
      %add3A_1035 = arith.addi %mul3A_808, %add3A_1034 : vector<16xi32>
      %gather3A_1036 = tpu.vector_load_idx %arg10[%add3A_1035] : memref<2432xf32, #tpu.memory_space<vmem>>[vector<16xi32>], vector<16xf32>,
      %mul3A_1037 = arith.mulf %add3A_405, %gather3A_1036 : vector<16xf32>
      %add3A_1038 = arith.addf %add3A_1032, %mul3A_1037 : vector<16xf32>
      %add3A_1039 = arith.constant 434 : i32
      %add3A_1040 = vector.broadcast %add3A_1039 : i32 to vector<16xi32>
      %add3A_1041 = arith.addi %mul3A_808, %add3A_1040 : vector<16xi32>
      %gather3A_1042 = tpu.vector_load_idx %arg10[%add3A_1041] : memref<2432xf32, #tpu.memory_space<vmem>>[vector<16xi32>], vector<16xf32>,
      %mul3A_1043 = arith.mulf %add3A_485, %gather3A_1042 : vector<16xf32>
      %add3A_1044 = arith.addf %add3A_1038, %mul3A_1043 : vector<16xf32>
      %add3A_1045 = arith.constant 578 : i32
      %add3A_1046 = vector.broadcast %add3A_1045 : i32 to vector<16xi32>
      %add3A_1047 = arith.addi %mul3A_808, %add3A_1046 : vector<16xi32>
      %gather3A_1048 = tpu.vector_load_idx %arg10[%add3A_1047] : memref<2432xf32, #tpu.memory_space<vmem>>[vector<16xi32>], vector<16xf32>,
      %mul3A_1049 = arith.mulf %add3A_565, %gather3A_1048 : vector<16xf32>
      %add3A_1050 = arith.addf %add3A_1044, %mul3A_1049 : vector<16xf32>
      %add3A_1051 = arith.constant 722 : i32
      %add3A_1052 = vector.broadcast %add3A_1051 : i32 to vector<16xi32>
      %add3A_1053 = arith.addi %mul3A_808, %add3A_1052 : vector<16xi32>
      %gather3A_1054 = tpu.vector_load_idx %arg10[%add3A_1053] : memref<2432xf32, #tpu.memory_space<vmem>>[vector<16xi32>], vector<16xf32>,
      %mul3A_1055 = arith.mulf %add3A_645, %gather3A_1054 : vector<16xf32>
      %add3A_1056 = arith.addf %add3A_1050, %mul3A_1055 : vector<16xf32>
      %add3A_1057 = arith.constant 866 : i32
      %add3A_1058 = vector.broadcast %add3A_1057 : i32 to vector<16xi32>
      %add3A_1059 = arith.addi %mul3A_808, %add3A_1058 : vector<16xi32>
      %gather3A_1060 = tpu.vector_load_idx %arg10[%add3A_1059] : memref<2432xf32, #tpu.memory_space<vmem>>[vector<16xi32>], vector<16xf32>,
      %mul3A_1061 = arith.mulf %add3A_725, %gather3A_1060 : vector<16xf32>
      %add3A_1062 = arith.addf %add3A_1056, %mul3A_1061 : vector<16xf32>
      %add3A_1063 = arith.constant 1010 : i32
      %add3A_1064 = vector.broadcast %add3A_1063 : i32 to vector<16xi32>
      %add3A_1065 = arith.addi %mul3A_808, %add3A_1064 : vector<16xi32>
      %gather3A_1066 = tpu.vector_load_idx %arg10[%add3A_1065] : memref<2432xf32, #tpu.memory_space<vmem>>[vector<16xi32>], vector<16xf32>,
      %mul3A_1067 = arith.mulf %add3A_805, %gather3A_1066 : vector<16xf32>
      %add3A_1068 = arith.addf %add3A_1062, %mul3A_1067 : vector<16xf32>
      %iota3A_1069 = tpu.iota {dimensions = array<i32: 0>} : vector<16xi32>
      %xor3A_1070 = arith.constant 1 : i32
      %xor3A_1071 = vector.broadcast %xor3A_1070 : i32 to vector<16xi32>
      %xor3A_1072 = arith.xori %iota3A_1069, %xor3A_1071 : vector<16xi32>
      %lt3A_1073 = arith.constant 0 : i32
      %lt3A_1074 = vector.broadcast %lt3A_1073 : i32 to vector<16xi32>
      %lt3A_1075 = arith.cmpi slt, %xor3A_1072, %lt3A_1074 : vector<16xi32>
      %add3A_1076 = arith.constant 16 : i32
      %add3A_1077 = vector.broadcast %add3A_1076 : i32 to vector<16xi32>
      %add3A_1078 = arith.addi %xor3A_1072, %add3A_1077 : vector<16xi32>
      %select_n3A_1079 = arith.select %lt3A_1075, %add3A_1078, %xor3A_1072 : vector<16xi1>, vector<16xi32>
      %broadcast_in_dim3A_1080 = vector.shape_cast %select_n3A_1079 : vector<16xi32> to vector<16x1xi32>
      %gather3A_1081 = vector.shape_cast %broadcast_in_dim3A_1080 : vector<16x1xi32> to vector<16xi32>
      %gather3A_1082 = tpu.dynamic_gather %add3A_1068[%gather3A_1081] in [0] : vector<16xf32>, vector<16xi32> -> vector<16xf32>
      %add3A_1083 = arith.addf %add3A_1068, %gather3A_1082 : vector<16xf32>
      %xor3A_1084 = arith.constant 2 : i32
      %xor3A_1085 = vector.broadcast %xor3A_1084 : i32 to vector<16xi32>
      %xor3A_1086 = arith.xori %iota3A_1069, %xor3A_1085 : vector<16xi32>
      %lt3A_1087 = arith.constant 0 : i32
      %lt3A_1088 = vector.broadcast %lt3A_1087 : i32 to vector<16xi32>
      %lt3A_1089 = arith.cmpi slt, %xor3A_1086, %lt3A_1088 : vector<16xi32>
      %add3A_1090 = arith.constant 16 : i32
      %add3A_1091 = vector.broadcast %add3A_1090 : i32 to vector<16xi32>
      %add3A_1092 = arith.addi %xor3A_1086, %add3A_1091 : vector<16xi32>
      %select_n3A_1093 = arith.select %lt3A_1089, %add3A_1092, %xor3A_1086 : vector<16xi1>, vector<16xi32>
      %broadcast_in_dim3A_1094 = vector.shape_cast %select_n3A_1093 : vector<16xi32> to vector<16x1xi32>
      %gather3A_1095 = vector.shape_cast %broadcast_in_dim3A_1094 : vector<16x1xi32> to vector<16xi32>
      %gather3A_1096 = tpu.dynamic_gather %add3A_1083[%gather3A_1095] in [0] : vector<16xf32>, vector<16xi32> -> vector<16xf32>
      %add3A_1097 = arith.addf %add3A_1083, %gather3A_1096 : vector<16xf32>
      %xor3A_1098 = arith.constant 4 : i32
      %xor3A_1099 = vector.broadcast %xor3A_1098 : i32 to vector<16xi32>
      %xor3A_1100 = arith.xori %iota3A_1069, %xor3A_1099 : vector<16xi32>
      %lt3A_1101 = arith.constant 0 : i32
      %lt3A_1102 = vector.broadcast %lt3A_1101 : i32 to vector<16xi32>
      %lt3A_1103 = arith.cmpi slt, %xor3A_1100, %lt3A_1102 : vector<16xi32>
      %add3A_1104 = arith.constant 16 : i32
      %add3A_1105 = vector.broadcast %add3A_1104 : i32 to vector<16xi32>
      %add3A_1106 = arith.addi %xor3A_1100, %add3A_1105 : vector<16xi32>
      %select_n3A_1107 = arith.select %lt3A_1103, %add3A_1106, %xor3A_1100 : vector<16xi1>, vector<16xi32>
      %broadcast_in_dim3A_1108 = vector.shape_cast %select_n3A_1107 : vector<16xi32> to vector<16x1xi32>
      %gather3A_1109 = vector.shape_cast %broadcast_in_dim3A_1108 : vector<16x1xi32> to vector<16xi32>
      %gather3A_1110 = tpu.dynamic_gather %add3A_1097[%gather3A_1109] in [0] : vector<16xf32>, vector<16xi32> -> vector<16xf32>
      %add3A_1111 = arith.addf %add3A_1097, %gather3A_1110 : vector<16xf32>
      %xor3A_1112 = arith.constant 8 : i32
      %xor3A_1113 = vector.broadcast %xor3A_1112 : i32 to vector<16xi32>
      %xor3A_1114 = arith.xori %iota3A_1069, %xor3A_1113 : vector<16xi32>
      %lt3A_1115 = arith.constant 0 : i32
      %lt3A_1116 = vector.broadcast %lt3A_1115 : i32 to vector<16xi32>
      %lt3A_1117 = arith.cmpi slt, %xor3A_1114, %lt3A_1116 : vector<16xi32>
      %add3A_1118 = arith.constant 16 : i32
      %add3A_1119 = vector.broadcast %add3A_1118 : i32 to vector<16xi32>
      %add3A_1120 = arith.addi %xor3A_1114, %add3A_1119 : vector<16xi32>
      %select_n3A_1121 = arith.select %lt3A_1117, %add3A_1120, %xor3A_1114 : vector<16xi1>, vector<16xi32>
      %broadcast_in_dim3A_1122 = vector.shape_cast %select_n3A_1121 : vector<16xi32> to vector<16x1xi32>
      %gather3A_1123 = vector.shape_cast %broadcast_in_dim3A_1122 : vector<16x1xi32> to vector<16xi32>
      %gather3A_1124 = tpu.dynamic_gather %add3A_1111[%gather3A_1123] in [0] : vector<16xf32>, vector<16xi32> -> vector<16xf32>
      %add3A_1125 = arith.addf %add3A_1111, %gather3A_1124 : vector<16xf32>
      %mul3A_1126 = arith.constant 6.10351563E-5 : f32
      %mul3A_1127 = vector.broadcast %mul3A_1126 : f32 to vector<16xf32>
      %mul3A_1128 = arith.mulf %add3A_1125, %mul3A_1127 : vector<16xf32>
      %add3A_1129 = arith.constant 3 : i32
      %add3A_1130 = vector.broadcast %add3A_1129 : i32 to vector<16xi32>
      %add3A_1131 = arith.addi %mul3A_808, %add3A_1130 : vector<16xi32>
      %gather3A_1132 = tpu.vector_load_idx %arg10[%add3A_1131] : memref<2432xf32, #tpu.memory_space<vmem>>[vector<16xi32>], vector<16xf32>,
      %mul3A_1133 = arith.mulf %add3A_245, %gather3A_1132 : vector<16xf32>
      %add3A_1134 = arith.addf %broadcast_in_dim3A_4, %mul3A_1133 : vector<16xf32>
      %add3A_1135 = arith.constant 147 : i32
      %add3A_1136 = vector.broadcast %add3A_1135 : i32 to vector<16xi32>
      %add3A_1137 = arith.addi %mul3A_808, %add3A_1136 : vector<16xi32>
      %gather3A_1138 = tpu.vector_load_idx %arg10[%add3A_1137] : memref<2432xf32, #tpu.memory_space<vmem>>[vector<16xi32>], vector<16xf32>,
      %mul3A_1139 = arith.mulf %add3A_325, %gather3A_1138 : vector<16xf32>
      %add3A_1140 = arith.addf %add3A_1134, %mul3A_1139 : vector<16xf32>
      %add3A_1141 = arith.constant 291 : i32
      %add3A_1142 = vector.broadcast %add3A_1141 : i32 to vector<16xi32>
      %add3A_1143 = arith.addi %mul3A_808, %add3A_1142 : vector<16xi32>
      %gather3A_1144 = tpu.vector_load_idx %arg10[%add3A_1143] : memref<2432xf32, #tpu.memory_space<vmem>>[vector<16xi32>], vector<16xf32>,
      %mul3A_1145 = arith.mulf %add3A_405, %gather3A_1144 : vector<16xf32>
      %add3A_1146 = arith.addf %add3A_1140, %mul3A_1145 : vector<16xf32>
      %add3A_1147 = arith.constant 435 : i32
      %add3A_1148 = vector.broadcast %add3A_1147 : i32 to vector<16xi32>
      %add3A_1149 = arith.addi %mul3A_808, %add3A_1148 : vector<16xi32>
      %gather3A_1150 = tpu.vector_load_idx %arg10[%add3A_1149] : memref<2432xf32, #tpu.memory_space<vmem>>[vector<16xi32>], vector<16xf32>,
      %mul3A_1151 = arith.mulf %add3A_485, %gather3A_1150 : vector<16xf32>
      %add3A_1152 = arith.addf %add3A_1146, %mul3A_1151 : vector<16xf32>
      %add3A_1153 = arith.constant 579 : i32
      %add3A_1154 = vector.broadcast %add3A_1153 : i32 to vector<16xi32>
      %add3A_1155 = arith.addi %mul3A_808, %add3A_1154 : vector<16xi32>
      %gather3A_1156 = tpu.vector_load_idx %arg10[%add3A_1155] : memref<2432xf32, #tpu.memory_space<vmem>>[vector<16xi32>], vector<16xf32>,
      %mul3A_1157 = arith.mulf %add3A_565, %gather3A_1156 : vector<16xf32>
      %add3A_1158 = arith.addf %add3A_1152, %mul3A_1157 : vector<16xf32>
      %add3A_1159 = arith.constant 723 : i32
      %add3A_1160 = vector.broadcast %add3A_1159 : i32 to vector<16xi32>
      %add3A_1161 = arith.addi %mul3A_808, %add3A_1160 : vector<16xi32>
      %gather3A_1162 = tpu.vector_load_idx %arg10[%add3A_1161] : memref<2432xf32, #tpu.memory_space<vmem>>[vector<16xi32>], vector<16xf32>,
      %mul3A_1163 = arith.mulf %add3A_645, %gather3A_1162 : vector<16xf32>
      %add3A_1164 = arith.addf %add3A_1158, %mul3A_1163 : vector<16xf32>
      %add3A_1165 = arith.constant 867 : i32
      %add3A_1166 = vector.broadcast %add3A_1165 : i32 to vector<16xi32>
      %add3A_1167 = arith.addi %mul3A_808, %add3A_1166 : vector<16xi32>
      %gather3A_1168 = tpu.vector_load_idx %arg10[%add3A_1167] : memref<2432xf32, #tpu.memory_space<vmem>>[vector<16xi32>], vector<16xf32>,
      %mul3A_1169 = arith.mulf %add3A_725, %gather3A_1168 : vector<16xf32>
      %add3A_1170 = arith.addf %add3A_1164, %mul3A_1169 : vector<16xf32>
      %add3A_1171 = arith.constant 1011 : i32
      %add3A_1172 = vector.broadcast %add3A_1171 : i32 to vector<16xi32>
      %add3A_1173 = arith.addi %mul3A_808, %add3A_1172 : vector<16xi32>
      %gather3A_1174 = tpu.vector_load_idx %arg10[%add3A_1173] : memref<2432xf32, #tpu.memory_space<vmem>>[vector<16xi32>], vector<16xf32>,
      %mul3A_1175 = arith.mulf %add3A_805, %gather3A_1174 : vector<16xf32>
      %add3A_1176 = arith.addf %add3A_1170, %mul3A_1175 : vector<16xf32>
      %iota3A_1177 = tpu.iota {dimensions = array<i32: 0>} : vector<16xi32>
      %xor3A_1178 = arith.constant 1 : i32
      %xor3A_1179 = vector.broadcast %xor3A_1178 : i32 to vector<16xi32>
      %xor3A_1180 = arith.xori %iota3A_1177, %xor3A_1179 : vector<16xi32>
      %lt3A_1181 = arith.constant 0 : i32
      %lt3A_1182 = vector.broadcast %lt3A_1181 : i32 to vector<16xi32>
      %lt3A_1183 = arith.cmpi slt, %xor3A_1180, %lt3A_1182 : vector<16xi32>
      %add3A_1184 = arith.constant 16 : i32
      %add3A_1185 = vector.broadcast %add3A_1184 : i32 to vector<16xi32>
      %add3A_1186 = arith.addi %xor3A_1180, %add3A_1185 : vector<16xi32>
      %select_n3A_1187 = arith.select %lt3A_1183, %add3A_1186, %xor3A_1180 : vector<16xi1>, vector<16xi32>
      %broadcast_in_dim3A_1188 = vector.shape_cast %select_n3A_1187 : vector<16xi32> to vector<16x1xi32>
      %gather3A_1189 = vector.shape_cast %broadcast_in_dim3A_1188 : vector<16x1xi32> to vector<16xi32>
      %gather3A_1190 = tpu.dynamic_gather %add3A_1176[%gather3A_1189] in [0] : vector<16xf32>, vector<16xi32> -> vector<16xf32>
      %add3A_1191 = arith.addf %add3A_1176, %gather3A_1190 : vector<16xf32>
      %xor3A_1192 = arith.constant 2 : i32
      %xor3A_1193 = vector.broadcast %xor3A_1192 : i32 to vector<16xi32>
      %xor3A_1194 = arith.xori %iota3A_1177, %xor3A_1193 : vector<16xi32>
      %lt3A_1195 = arith.constant 0 : i32
      %lt3A_1196 = vector.broadcast %lt3A_1195 : i32 to vector<16xi32>
      %lt3A_1197 = arith.cmpi slt, %xor3A_1194, %lt3A_1196 : vector<16xi32>
      %add3A_1198 = arith.constant 16 : i32
      %add3A_1199 = vector.broadcast %add3A_1198 : i32 to vector<16xi32>
      %add3A_1200 = arith.addi %xor3A_1194, %add3A_1199 : vector<16xi32>
      %select_n3A_1201 = arith.select %lt3A_1197, %add3A_1200, %xor3A_1194 : vector<16xi1>, vector<16xi32>
      %broadcast_in_dim3A_1202 = vector.shape_cast %select_n3A_1201 : vector<16xi32> to vector<16x1xi32>
      %gather3A_1203 = vector.shape_cast %broadcast_in_dim3A_1202 : vector<16x1xi32> to vector<16xi32>
      %gather3A_1204 = tpu.dynamic_gather %add3A_1191[%gather3A_1203] in [0] : vector<16xf32>, vector<16xi32> -> vector<16xf32>
      %add3A_1205 = arith.addf %add3A_1191, %gather3A_1204 : vector<16xf32>
      %xor3A_1206 = arith.constant 4 : i32
      %xor3A_1207 = vector.broadcast %xor3A_1206 : i32 to vector<16xi32>
      %xor3A_1208 = arith.xori %iota3A_1177, %xor3A_1207 : vector<16xi32>
      %lt3A_1209 = arith.constant 0 : i32
      %lt3A_1210 = vector.broadcast %lt3A_1209 : i32 to vector<16xi32>
      %lt3A_1211 = arith.cmpi slt, %xor3A_1208, %lt3A_1210 : vector<16xi32>
      %add3A_1212 = arith.constant 16 : i32
      %add3A_1213 = vector.broadcast %add3A_1212 : i32 to vector<16xi32>
      %add3A_1214 = arith.addi %xor3A_1208, %add3A_1213 : vector<16xi32>
      %select_n3A_1215 = arith.select %lt3A_1211, %add3A_1214, %xor3A_1208 : vector<16xi1>, vector<16xi32>
      %broadcast_in_dim3A_1216 = vector.shape_cast %select_n3A_1215 : vector<16xi32> to vector<16x1xi32>
      %gather3A_1217 = vector.shape_cast %broadcast_in_dim3A_1216 : vector<16x1xi32> to vector<16xi32>
      %gather3A_1218 = tpu.dynamic_gather %add3A_1205[%gather3A_1217] in [0] : vector<16xf32>, vector<16xi32> -> vector<16xf32>
      %add3A_1219 = arith.addf %add3A_1205, %gather3A_1218 : vector<16xf32>
      %xor3A_1220 = arith.constant 8 : i32
      %xor3A_1221 = vector.broadcast %xor3A_1220 : i32 to vector<16xi32>
      %xor3A_1222 = arith.xori %iota3A_1177, %xor3A_1221 : vector<16xi32>
      %lt3A_1223 = arith.constant 0 : i32
      %lt3A_1224 = vector.broadcast %lt3A_1223 : i32 to vector<16xi32>
      %lt3A_1225 = arith.cmpi slt, %xor3A_1222, %lt3A_1224 : vector<16xi32>
      %add3A_1226 = arith.constant 16 : i32
      %add3A_1227 = vector.broadcast %add3A_1226 : i32 to vector<16xi32>
      %add3A_1228 = arith.addi %xor3A_1222, %add3A_1227 : vector<16xi32>
      %select_n3A_1229 = arith.select %lt3A_1225, %add3A_1228, %xor3A_1222 : vector<16xi1>, vector<16xi32>
      %broadcast_in_dim3A_1230 = vector.shape_cast %select_n3A_1229 : vector<16xi32> to vector<16x1xi32>
      %gather3A_1231 = vector.shape_cast %broadcast_in_dim3A_1230 : vector<16x1xi32> to vector<16xi32>
      %gather3A_1232 = tpu.dynamic_gather %add3A_1219[%gather3A_1231] in [0] : vector<16xf32>, vector<16xi32> -> vector<16xf32>
      %add3A_1233 = arith.addf %add3A_1219, %gather3A_1232 : vector<16xf32>
      %mul3A_1234 = arith.constant 6.10351563E-5 : f32
      %mul3A_1235 = vector.broadcast %mul3A_1234 : f32 to vector<16xf32>
      %mul3A_1236 = arith.mulf %add3A_1233, %mul3A_1235 : vector<16xf32>
      %add3A_1237 = arith.constant 4 : i32
      %add3A_1238 = vector.broadcast %add3A_1237 : i32 to vector<16xi32>
      %add3A_1239 = arith.addi %mul3A_808, %add3A_1238 : vector<16xi32>
      %gather3A_1240 = tpu.vector_load_idx %arg10[%add3A_1239] : memref<2432xf32, #tpu.memory_space<vmem>>[vector<16xi32>], vector<16xf32>,
      %mul3A_1241 = arith.mulf %add3A_245, %gather3A_1240 : vector<16xf32>
      %add3A_1242 = arith.addf %broadcast_in_dim3A_4, %mul3A_1241 : vector<16xf32>
      %add3A_1243 = arith.constant 148 : i32
      %add3A_1244 = vector.broadcast %add3A_1243 : i32 to vector<16xi32>
      %add3A_1245 = arith.addi %mul3A_808, %add3A_1244 : vector<16xi32>
      %gather3A_1246 = tpu.vector_load_idx %arg10[%add3A_1245] : memref<2432xf32, #tpu.memory_space<vmem>>[vector<16xi32>], vector<16xf32>,
      %mul3A_1247 = arith.mulf %add3A_325, %gather3A_1246 : vector<16xf32>
      %add3A_1248 = arith.addf %add3A_1242, %mul3A_1247 : vector<16xf32>
      %add3A_1249 = arith.constant 292 : i32
      %add3A_1250 = vector.broadcast %add3A_1249 : i32 to vector<16xi32>
      %add3A_1251 = arith.addi %mul3A_808, %add3A_1250 : vector<16xi32>
      %gather3A_1252 = tpu.vector_load_idx %arg10[%add3A_1251] : memref<2432xf32, #tpu.memory_space<vmem>>[vector<16xi32>], vector<16xf32>,
      %mul3A_1253 = arith.mulf %add3A_405, %gather3A_1252 : vector<16xf32>
      %add3A_1254 = arith.addf %add3A_1248, %mul3A_1253 : vector<16xf32>
      %add3A_1255 = arith.constant 436 : i32
      %add3A_1256 = vector.broadcast %add3A_1255 : i32 to vector<16xi32>
      %add3A_1257 = arith.addi %mul3A_808, %add3A_1256 : vector<16xi32>
      %gather3A_1258 = tpu.vector_load_idx %arg10[%add3A_1257] : memref<2432xf32, #tpu.memory_space<vmem>>[vector<16xi32>], vector<16xf32>,
      %mul3A_1259 = arith.mulf %add3A_485, %gather3A_1258 : vector<16xf32>
      %add3A_1260 = arith.addf %add3A_1254, %mul3A_1259 : vector<16xf32>
      %add3A_1261 = arith.constant 580 : i32
      %add3A_1262 = vector.broadcast %add3A_1261 : i32 to vector<16xi32>
      %add3A_1263 = arith.addi %mul3A_808, %add3A_1262 : vector<16xi32>
      %gather3A_1264 = tpu.vector_load_idx %arg10[%add3A_1263] : memref<2432xf32, #tpu.memory_space<vmem>>[vector<16xi32>], vector<16xf32>,
      %mul3A_1265 = arith.mulf %add3A_565, %gather3A_1264 : vector<16xf32>
      %add3A_1266 = arith.addf %add3A_1260, %mul3A_1265 : vector<16xf32>
      %add3A_1267 = arith.constant 724 : i32
      %add3A_1268 = vector.broadcast %add3A_1267 : i32 to vector<16xi32>
      %add3A_1269 = arith.addi %mul3A_808, %add3A_1268 : vector<16xi32>
      %gather3A_1270 = tpu.vector_load_idx %arg10[%add3A_1269] : memref<2432xf32, #tpu.memory_space<vmem>>[vector<16xi32>], vector<16xf32>,
      %mul3A_1271 = arith.mulf %add3A_645, %gather3A_1270 : vector<16xf32>
      %add3A_1272 = arith.addf %add3A_1266, %mul3A_1271 : vector<16xf32>
      %add3A_1273 = arith.constant 868 : i32
      %add3A_1274 = vector.broadcast %add3A_1273 : i32 to vector<16xi32>
      %add3A_1275 = arith.addi %mul3A_808, %add3A_1274 : vector<16xi32>
      %gather3A_1276 = tpu.vector_load_idx %arg10[%add3A_1275] : memref<2432xf32, #tpu.memory_space<vmem>>[vector<16xi32>], vector<16xf32>,
      %mul3A_1277 = arith.mulf %add3A_725, %gather3A_1276 : vector<16xf32>
      %add3A_1278 = arith.addf %add3A_1272, %mul3A_1277 : vector<16xf32>
      %add3A_1279 = arith.constant 1012 : i32
      %add3A_1280 = vector.broadcast %add3A_1279 : i32 to vector<16xi32>
      %add3A_1281 = arith.addi %mul3A_808, %add3A_1280 : vector<16xi32>
      %gather3A_1282 = tpu.vector_load_idx %arg10[%add3A_1281] : memref<2432xf32, #tpu.memory_space<vmem>>[vector<16xi32>], vector<16xf32>,
      %mul3A_1283 = arith.mulf %add3A_805, %gather3A_1282 : vector<16xf32>
      %add3A_1284 = arith.addf %add3A_1278, %mul3A_1283 : vector<16xf32>
      %iota3A_1285 = tpu.iota {dimensions = array<i32: 0>} : vector<16xi32>
      %xor3A_1286 = arith.constant 1 : i32
      %xor3A_1287 = vector.broadcast %xor3A_1286 : i32 to vector<16xi32>
      %xor3A_1288 = arith.xori %iota3A_1285, %xor3A_1287 : vector<16xi32>
      %lt3A_1289 = arith.constant 0 : i32
      %lt3A_1290 = vector.broadcast %lt3A_1289 : i32 to vector<16xi32>
      %lt3A_1291 = arith.cmpi slt, %xor3A_1288, %lt3A_1290 : vector<16xi32>
      %add3A_1292 = arith.constant 16 : i32
      %add3A_1293 = vector.broadcast %add3A_1292 : i32 to vector<16xi32>
      %add3A_1294 = arith.addi %xor3A_1288, %add3A_1293 : vector<16xi32>
      %select_n3A_1295 = arith.select %lt3A_1291, %add3A_1294, %xor3A_1288 : vector<16xi1>, vector<16xi32>
      %broadcast_in_dim3A_1296 = vector.shape_cast %select_n3A_1295 : vector<16xi32> to vector<16x1xi32>
      %gather3A_1297 = vector.shape_cast %broadcast_in_dim3A_1296 : vector<16x1xi32> to vector<16xi32>
      %gather3A_1298 = tpu.dynamic_gather %add3A_1284[%gather3A_1297] in [0] : vector<16xf32>, vector<16xi32> -> vector<16xf32>
      %add3A_1299 = arith.addf %add3A_1284, %gather3A_1298 : vector<16xf32>
      %xor3A_1300 = arith.constant 2 : i32
      %xor3A_1301 = vector.broadcast %xor3A_1300 : i32 to vector<16xi32>
      %xor3A_1302 = arith.xori %iota3A_1285, %xor3A_1301 : vector<16xi32>
      %lt3A_1303 = arith.constant 0 : i32
      %lt3A_1304 = vector.broadcast %lt3A_1303 : i32 to vector<16xi32>
      %lt3A_1305 = arith.cmpi slt, %xor3A_1302, %lt3A_1304 : vector<16xi32>
      %add3A_1306 = arith.constant 16 : i32
      %add3A_1307 = vector.broadcast %add3A_1306 : i32 to vector<16xi32>
      %add3A_1308 = arith.addi %xor3A_1302, %add3A_1307 : vector<16xi32>
      %select_n3A_1309 = arith.select %lt3A_1305, %add3A_1308, %xor3A_1302 : vector<16xi1>, vector<16xi32>
      %broadcast_in_dim3A_1310 = vector.shape_cast %select_n3A_1309 : vector<16xi32> to vector<16x1xi32>
      %gather3A_1311 = vector.shape_cast %broadcast_in_dim3A_1310 : vector<16x1xi32> to vector<16xi32>
      %gather3A_1312 = tpu.dynamic_gather %add3A_1299[%gather3A_1311] in [0] : vector<16xf32>, vector<16xi32> -> vector<16xf32>
      %add3A_1313 = arith.addf %add3A_1299, %gather3A_1312 : vector<16xf32>
      %xor3A_1314 = arith.constant 4 : i32
      %xor3A_1315 = vector.broadcast %xor3A_1314 : i32 to vector<16xi32>
      %xor3A_1316 = arith.xori %iota3A_1285, %xor3A_1315 : vector<16xi32>
      %lt3A_1317 = arith.constant 0 : i32
      %lt3A_1318 = vector.broadcast %lt3A_1317 : i32 to vector<16xi32>
      %lt3A_1319 = arith.cmpi slt, %xor3A_1316, %lt3A_1318 : vector<16xi32>
      %add3A_1320 = arith.constant 16 : i32
      %add3A_1321 = vector.broadcast %add3A_1320 : i32 to vector<16xi32>
      %add3A_1322 = arith.addi %xor3A_1316, %add3A_1321 : vector<16xi32>
      %select_n3A_1323 = arith.select %lt3A_1319, %add3A_1322, %xor3A_1316 : vector<16xi1>, vector<16xi32>
      %broadcast_in_dim3A_1324 = vector.shape_cast %select_n3A_1323 : vector<16xi32> to vector<16x1xi32>
      %gather3A_1325 = vector.shape_cast %broadcast_in_dim3A_1324 : vector<16x1xi32> to vector<16xi32>
      %gather3A_1326 = tpu.dynamic_gather %add3A_1313[%gather3A_1325] in [0] : vector<16xf32>, vector<16xi32> -> vector<16xf32>
      %add3A_1327 = arith.addf %add3A_1313, %gather3A_1326 : vector<16xf32>
      %xor3A_1328 = arith.constant 8 : i32
      %xor3A_1329 = vector.broadcast %xor3A_1328 : i32 to vector<16xi32>
      %xor3A_1330 = arith.xori %iota3A_1285, %xor3A_1329 : vector<16xi32>
      %lt3A_1331 = arith.constant 0 : i32
      %lt3A_1332 = vector.broadcast %lt3A_1331 : i32 to vector<16xi32>
      %lt3A_1333 = arith.cmpi slt, %xor3A_1330, %lt3A_1332 : vector<16xi32>
      %add3A_1334 = arith.constant 16 : i32
      %add3A_1335 = vector.broadcast %add3A_1334 : i32 to vector<16xi32>
      %add3A_1336 = arith.addi %xor3A_1330, %add3A_1335 : vector<16xi32>
      %select_n3A_1337 = arith.select %lt3A_1333, %add3A_1336, %xor3A_1330 : vector<16xi1>, vector<16xi32>
      %broadcast_in_dim3A_1338 = vector.shape_cast %select_n3A_1337 : vector<16xi32> to vector<16x1xi32>
      %gather3A_1339 = vector.shape_cast %broadcast_in_dim3A_1338 : vector<16x1xi32> to vector<16xi32>
      %gather3A_1340 = tpu.dynamic_gather %add3A_1327[%gather3A_1339] in [0] : vector<16xf32>, vector<16xi32> -> vector<16xf32>
      %add3A_1341 = arith.addf %add3A_1327, %gather3A_1340 : vector<16xf32>
      %mul3A_1342 = arith.constant 6.10351563E-5 : f32
      %mul3A_1343 = vector.broadcast %mul3A_1342 : f32 to vector<16xf32>
      %mul3A_1344 = arith.mulf %add3A_1341, %mul3A_1343 : vector<16xf32>
      %add3A_1345 = arith.constant 5 : i32
      %add3A_1346 = vector.broadcast %add3A_1345 : i32 to vector<16xi32>
      %add3A_1347 = arith.addi %mul3A_808, %add3A_1346 : vector<16xi32>
      %gather3A_1348 = tpu.vector_load_idx %arg10[%add3A_1347] : memref<2432xf32, #tpu.memory_space<vmem>>[vector<16xi32>], vector<16xf32>,
      %mul3A_1349 = arith.mulf %add3A_245, %gather3A_1348 : vector<16xf32>
      %add3A_1350 = arith.addf %broadcast_in_dim3A_4, %mul3A_1349 : vector<16xf32>
      %add3A_1351 = arith.constant 149 : i32
      %add3A_1352 = vector.broadcast %add3A_1351 : i32 to vector<16xi32>
      %add3A_1353 = arith.addi %mul3A_808, %add3A_1352 : vector<16xi32>
      %gather3A_1354 = tpu.vector_load_idx %arg10[%add3A_1353] : memref<2432xf32, #tpu.memory_space<vmem>>[vector<16xi32>], vector<16xf32>,
      %mul3A_1355 = arith.mulf %add3A_325, %gather3A_1354 : vector<16xf32>
      %add3A_1356 = arith.addf %add3A_1350, %mul3A_1355 : vector<16xf32>
      %add3A_1357 = arith.constant 293 : i32
      %add3A_1358 = vector.broadcast %add3A_1357 : i32 to vector<16xi32>
      %add3A_1359 = arith.addi %mul3A_808, %add3A_1358 : vector<16xi32>
      %gather3A_1360 = tpu.vector_load_idx %arg10[%add3A_1359] : memref<2432xf32, #tpu.memory_space<vmem>>[vector<16xi32>], vector<16xf32>,
      %mul3A_1361 = arith.mulf %add3A_405, %gather3A_1360 : vector<16xf32>
      %add3A_1362 = arith.addf %add3A_1356, %mul3A_1361 : vector<16xf32>
      %add3A_1363 = arith.constant 437 : i32
      %add3A_1364 = vector.broadcast %add3A_1363 : i32 to vector<16xi32>
      %add3A_1365 = arith.addi %mul3A_808, %add3A_1364 : vector<16xi32>
      %gather3A_1366 = tpu.vector_load_idx %arg10[%add3A_1365] : memref<2432xf32, #tpu.memory_space<vmem>>[vector<16xi32>], vector<16xf32>,
      %mul3A_1367 = arith.mulf %add3A_485, %gather3A_1366 : vector<16xf32>
      %add3A_1368 = arith.addf %add3A_1362, %mul3A_1367 : vector<16xf32>
      %add3A_1369 = arith.constant 581 : i32
      %add3A_1370 = vector.broadcast %add3A_1369 : i32 to vector<16xi32>
      %add3A_1371 = arith.addi %mul3A_808, %add3A_1370 : vector<16xi32>
      %gather3A_1372 = tpu.vector_load_idx %arg10[%add3A_1371] : memref<2432xf32, #tpu.memory_space<vmem>>[vector<16xi32>], vector<16xf32>,
      %mul3A_1373 = arith.mulf %add3A_565, %gather3A_1372 : vector<16xf32>
      %add3A_1374 = arith.addf %add3A_1368, %mul3A_1373 : vector<16xf32>
      %add3A_1375 = arith.constant 725 : i32
      %add3A_1376 = vector.broadcast %add3A_1375 : i32 to vector<16xi32>
      %add3A_1377 = arith.addi %mul3A_808, %add3A_1376 : vector<16xi32>
      %gather3A_1378 = tpu.vector_load_idx %arg10[%add3A_1377] : memref<2432xf32, #tpu.memory_space<vmem>>[vector<16xi32>], vector<16xf32>,
      %mul3A_1379 = arith.mulf %add3A_645, %gather3A_1378 : vector<16xf32>
      %add3A_1380 = arith.addf %add3A_1374, %mul3A_1379 : vector<16xf32>
      %add3A_1381 = arith.constant 869 : i32
      %add3A_1382 = vector.broadcast %add3A_1381 : i32 to vector<16xi32>
      %add3A_1383 = arith.addi %mul3A_808, %add3A_1382 : vector<16xi32>
      %gather3A_1384 = tpu.vector_load_idx %arg10[%add3A_1383] : memref<2432xf32, #tpu.memory_space<vmem>>[vector<16xi32>], vector<16xf32>,
      %mul3A_1385 = arith.mulf %add3A_725, %gather3A_1384 : vector<16xf32>
      %add3A_1386 = arith.addf %add3A_1380, %mul3A_1385 : vector<16xf32>
      %add3A_1387 = arith.constant 1013 : i32
      %add3A_1388 = vector.broadcast %add3A_1387 : i32 to vector<16xi32>
      %add3A_1389 = arith.addi %mul3A_808, %add3A_1388 : vector<16xi32>
      %gather3A_1390 = tpu.vector_load_idx %arg10[%add3A_1389] : memref<2432xf32, #tpu.memory_space<vmem>>[vector<16xi32>], vector<16xf32>,
      %mul3A_1391 = arith.mulf %add3A_805, %gather3A_1390 : vector<16xf32>
      %add3A_1392 = arith.addf %add3A_1386, %mul3A_1391 : vector<16xf32>
      %iota3A_1393 = tpu.iota {dimensions = array<i32: 0>} : vector<16xi32>
      %xor3A_1394 = arith.constant 1 : i32
      %xor3A_1395 = vector.broadcast %xor3A_1394 : i32 to vector<16xi32>
      %xor3A_1396 = arith.xori %iota3A_1393, %xor3A_1395 : vector<16xi32>
      %lt3A_1397 = arith.constant 0 : i32
      %lt3A_1398 = vector.broadcast %lt3A_1397 : i32 to vector<16xi32>
      %lt3A_1399 = arith.cmpi slt, %xor3A_1396, %lt3A_1398 : vector<16xi32>
      %add3A_1400 = arith.constant 16 : i32
      %add3A_1401 = vector.broadcast %add3A_1400 : i32 to vector<16xi32>
      %add3A_1402 = arith.addi %xor3A_1396, %add3A_1401 : vector<16xi32>
      %select_n3A_1403 = arith.select %lt3A_1399, %add3A_1402, %xor3A_1396 : vector<16xi1>, vector<16xi32>
      %broadcast_in_dim3A_1404 = vector.shape_cast %select_n3A_1403 : vector<16xi32> to vector<16x1xi32>
      %gather3A_1405 = vector.shape_cast %broadcast_in_dim3A_1404 : vector<16x1xi32> to vector<16xi32>
      %gather3A_1406 = tpu.dynamic_gather %add3A_1392[%gather3A_1405] in [0] : vector<16xf32>, vector<16xi32> -> vector<16xf32>
      %add3A_1407 = arith.addf %add3A_1392, %gather3A_1406 : vector<16xf32>
      %xor3A_1408 = arith.constant 2 : i32
      %xor3A_1409 = vector.broadcast %xor3A_1408 : i32 to vector<16xi32>
      %xor3A_1410 = arith.xori %iota3A_1393, %xor3A_1409 : vector<16xi32>
      %lt3A_1411 = arith.constant 0 : i32
      %lt3A_1412 = vector.broadcast %lt3A_1411 : i32 to vector<16xi32>
      %lt3A_1413 = arith.cmpi slt, %xor3A_1410, %lt3A_1412 : vector<16xi32>
      %add3A_1414 = arith.constant 16 : i32
      %add3A_1415 = vector.broadcast %add3A_1414 : i32 to vector<16xi32>
      %add3A_1416 = arith.addi %xor3A_1410, %add3A_1415 : vector<16xi32>
      %select_n3A_1417 = arith.select %lt3A_1413, %add3A_1416, %xor3A_1410 : vector<16xi1>, vector<16xi32>
      %broadcast_in_dim3A_1418 = vector.shape_cast %select_n3A_1417 : vector<16xi32> to vector<16x1xi32>
      %gather3A_1419 = vector.shape_cast %broadcast_in_dim3A_1418 : vector<16x1xi32> to vector<16xi32>
      %gather3A_1420 = tpu.dynamic_gather %add3A_1407[%gather3A_1419] in [0] : vector<16xf32>, vector<16xi32> -> vector<16xf32>
      %add3A_1421 = arith.addf %add3A_1407, %gather3A_1420 : vector<16xf32>
      %xor3A_1422 = arith.constant 4 : i32
      %xor3A_1423 = vector.broadcast %xor3A_1422 : i32 to vector<16xi32>
      %xor3A_1424 = arith.xori %iota3A_1393, %xor3A_1423 : vector<16xi32>
      %lt3A_1425 = arith.constant 0 : i32
      %lt3A_1426 = vector.broadcast %lt3A_1425 : i32 to vector<16xi32>
      %lt3A_1427 = arith.cmpi slt, %xor3A_1424, %lt3A_1426 : vector<16xi32>
      %add3A_1428 = arith.constant 16 : i32
      %add3A_1429 = vector.broadcast %add3A_1428 : i32 to vector<16xi32>
      %add3A_1430 = arith.addi %xor3A_1424, %add3A_1429 : vector<16xi32>
      %select_n3A_1431 = arith.select %lt3A_1427, %add3A_1430, %xor3A_1424 : vector<16xi1>, vector<16xi32>
      %broadcast_in_dim3A_1432 = vector.shape_cast %select_n3A_1431 : vector<16xi32> to vector<16x1xi32>
      %gather3A_1433 = vector.shape_cast %broadcast_in_dim3A_1432 : vector<16x1xi32> to vector<16xi32>
      %gather3A_1434 = tpu.dynamic_gather %add3A_1421[%gather3A_1433] in [0] : vector<16xf32>, vector<16xi32> -> vector<16xf32>
      %add3A_1435 = arith.addf %add3A_1421, %gather3A_1434 : vector<16xf32>
      %xor3A_1436 = arith.constant 8 : i32
      %xor3A_1437 = vector.broadcast %xor3A_1436 : i32 to vector<16xi32>
      %xor3A_1438 = arith.xori %iota3A_1393, %xor3A_1437 : vector<16xi32>
      %lt3A_1439 = arith.constant 0 : i32
      %lt3A_1440 = vector.broadcast %lt3A_1439 : i32 to vector<16xi32>
      %lt3A_1441 = arith.cmpi slt, %xor3A_1438, %lt3A_1440 : vector<16xi32>
      %add3A_1442 = arith.constant 16 : i32
      %add3A_1443 = vector.broadcast %add3A_1442 : i32 to vector<16xi32>
      %add3A_1444 = arith.addi %xor3A_1438, %add3A_1443 : vector<16xi32>
      %select_n3A_1445 = arith.select %lt3A_1441, %add3A_1444, %xor3A_1438 : vector<16xi1>, vector<16xi32>
      %broadcast_in_dim3A_1446 = vector.shape_cast %select_n3A_1445 : vector<16xi32> to vector<16x1xi32>
      %gather3A_1447 = vector.shape_cast %broadcast_in_dim3A_1446 : vector<16x1xi32> to vector<16xi32>
      %gather3A_1448 = tpu.dynamic_gather %add3A_1435[%gather3A_1447] in [0] : vector<16xf32>, vector<16xi32> -> vector<16xf32>
      %add3A_1449 = arith.addf %add3A_1435, %gather3A_1448 : vector<16xf32>
      %mul3A_1450 = arith.constant 6.10351563E-5 : f32
      %mul3A_1451 = vector.broadcast %mul3A_1450 : f32 to vector<16xf32>
      %mul3A_1452 = arith.mulf %add3A_1449, %mul3A_1451 : vector<16xf32>
      %add3A_1453 = arith.constant 6 : i32
      %add3A_1454 = vector.broadcast %add3A_1453 : i32 to vector<16xi32>
      %add3A_1455 = arith.addi %mul3A_808, %add3A_1454 : vector<16xi32>
      %gather3A_1456 = tpu.vector_load_idx %arg10[%add3A_1455] : memref<2432xf32, #tpu.memory_space<vmem>>[vector<16xi32>], vector<16xf32>,
      %mul3A_1457 = arith.mulf %add3A_245, %gather3A_1456 : vector<16xf32>
      %add3A_1458 = arith.addf %broadcast_in_dim3A_4, %mul3A_1457 : vector<16xf32>
      %add3A_1459 = arith.constant 150 : i32
      %add3A_1460 = vector.broadcast %add3A_1459 : i32 to vector<16xi32>
      %add3A_1461 = arith.addi %mul3A_808, %add3A_1460 : vector<16xi32>
      %gather3A_1462 = tpu.vector_load_idx %arg10[%add3A_1461] : memref<2432xf32, #tpu.memory_space<vmem>>[vector<16xi32>], vector<16xf32>,
      %mul3A_1463 = arith.mulf %add3A_325, %gather3A_1462 : vector<16xf32>
      %add3A_1464 = arith.addf %add3A_1458, %mul3A_1463 : vector<16xf32>
      %add3A_1465 = arith.constant 294 : i32
      %add3A_1466 = vector.broadcast %add3A_1465 : i32 to vector<16xi32>
      %add3A_1467 = arith.addi %mul3A_808, %add3A_1466 : vector<16xi32>
      %gather3A_1468 = tpu.vector_load_idx %arg10[%add3A_1467] : memref<2432xf32, #tpu.memory_space<vmem>>[vector<16xi32>], vector<16xf32>,
      %mul3A_1469 = arith.mulf %add3A_405, %gather3A_1468 : vector<16xf32>
      %add3A_1470 = arith.addf %add3A_1464, %mul3A_1469 : vector<16xf32>
      %add3A_1471 = arith.constant 438 : i32
      %add3A_1472 = vector.broadcast %add3A_1471 : i32 to vector<16xi32>
      %add3A_1473 = arith.addi %mul3A_808, %add3A_1472 : vector<16xi32>
      %gather3A_1474 = tpu.vector_load_idx %arg10[%add3A_1473] : memref<2432xf32, #tpu.memory_space<vmem>>[vector<16xi32>], vector<16xf32>,
      %mul3A_1475 = arith.mulf %add3A_485, %gather3A_1474 : vector<16xf32>
      %add3A_1476 = arith.addf %add3A_1470, %mul3A_1475 : vector<16xf32>
      %add3A_1477 = arith.constant 582 : i32
      %add3A_1478 = vector.broadcast %add3A_1477 : i32 to vector<16xi32>
      %add3A_1479 = arith.addi %mul3A_808, %add3A_1478 : vector<16xi32>
      %gather3A_1480 = tpu.vector_load_idx %arg10[%add3A_1479] : memref<2432xf32, #tpu.memory_space<vmem>>[vector<16xi32>], vector<16xf32>,
      %mul3A_1481 = arith.mulf %add3A_565, %gather3A_1480 : vector<16xf32>
      %add3A_1482 = arith.addf %add3A_1476, %mul3A_1481 : vector<16xf32>
      %add3A_1483 = arith.constant 726 : i32
      %add3A_1484 = vector.broadcast %add3A_1483 : i32 to vector<16xi32>
      %add3A_1485 = arith.addi %mul3A_808, %add3A_1484 : vector<16xi32>
      %gather3A_1486 = tpu.vector_load_idx %arg10[%add3A_1485] : memref<2432xf32, #tpu.memory_space<vmem>>[vector<16xi32>], vector<16xf32>,
      %mul3A_1487 = arith.mulf %add3A_645, %gather3A_1486 : vector<16xf32>
      %add3A_1488 = arith.addf %add3A_1482, %mul3A_1487 : vector<16xf32>
      %add3A_1489 = arith.constant 870 : i32
      %add3A_1490 = vector.broadcast %add3A_1489 : i32 to vector<16xi32>
      %add3A_1491 = arith.addi %mul3A_808, %add3A_1490 : vector<16xi32>
      %gather3A_1492 = tpu.vector_load_idx %arg10[%add3A_1491] : memref<2432xf32, #tpu.memory_space<vmem>>[vector<16xi32>], vector<16xf32>,
      %mul3A_1493 = arith.mulf %add3A_725, %gather3A_1492 : vector<16xf32>
      %add3A_1494 = arith.addf %add3A_1488, %mul3A_1493 : vector<16xf32>
      %add3A_1495 = arith.constant 1014 : i32
      %add3A_1496 = vector.broadcast %add3A_1495 : i32 to vector<16xi32>
      %add3A_1497 = arith.addi %mul3A_808, %add3A_1496 : vector<16xi32>
      %gather3A_1498 = tpu.vector_load_idx %arg10[%add3A_1497] : memref<2432xf32, #tpu.memory_space<vmem>>[vector<16xi32>], vector<16xf32>,
      %mul3A_1499 = arith.mulf %add3A_805, %gather3A_1498 : vector<16xf32>
      %add3A_1500 = arith.addf %add3A_1494, %mul3A_1499 : vector<16xf32>
      %iota3A_1501 = tpu.iota {dimensions = array<i32: 0>} : vector<16xi32>
      %xor3A_1502 = arith.constant 1 : i32
      %xor3A_1503 = vector.broadcast %xor3A_1502 : i32 to vector<16xi32>
      %xor3A_1504 = arith.xori %iota3A_1501, %xor3A_1503 : vector<16xi32>
      %lt3A_1505 = arith.constant 0 : i32
      %lt3A_1506 = vector.broadcast %lt3A_1505 : i32 to vector<16xi32>
      %lt3A_1507 = arith.cmpi slt, %xor3A_1504, %lt3A_1506 : vector<16xi32>
      %add3A_1508 = arith.constant 16 : i32
      %add3A_1509 = vector.broadcast %add3A_1508 : i32 to vector<16xi32>
      %add3A_1510 = arith.addi %xor3A_1504, %add3A_1509 : vector<16xi32>
      %select_n3A_1511 = arith.select %lt3A_1507, %add3A_1510, %xor3A_1504 : vector<16xi1>, vector<16xi32>
      %broadcast_in_dim3A_1512 = vector.shape_cast %select_n3A_1511 : vector<16xi32> to vector<16x1xi32>
      %gather3A_1513 = vector.shape_cast %broadcast_in_dim3A_1512 : vector<16x1xi32> to vector<16xi32>
      %gather3A_1514 = tpu.dynamic_gather %add3A_1500[%gather3A_1513] in [0] : vector<16xf32>, vector<16xi32> -> vector<16xf32>
      %add3A_1515 = arith.addf %add3A_1500, %gather3A_1514 : vector<16xf32>
      %xor3A_1516 = arith.constant 2 : i32
      %xor3A_1517 = vector.broadcast %xor3A_1516 : i32 to vector<16xi32>
      %xor3A_1518 = arith.xori %iota3A_1501, %xor3A_1517 : vector<16xi32>
      %lt3A_1519 = arith.constant 0 : i32
      %lt3A_1520 = vector.broadcast %lt3A_1519 : i32 to vector<16xi32>
      %lt3A_1521 = arith.cmpi slt, %xor3A_1518, %lt3A_1520 : vector<16xi32>
      %add3A_1522 = arith.constant 16 : i32
      %add3A_1523 = vector.broadcast %add3A_1522 : i32 to vector<16xi32>
      %add3A_1524 = arith.addi %xor3A_1518, %add3A_1523 : vector<16xi32>
      %select_n3A_1525 = arith.select %lt3A_1521, %add3A_1524, %xor3A_1518 : vector<16xi1>, vector<16xi32>
      %broadcast_in_dim3A_1526 = vector.shape_cast %select_n3A_1525 : vector<16xi32> to vector<16x1xi32>
      %gather3A_1527 = vector.shape_cast %broadcast_in_dim3A_1526 : vector<16x1xi32> to vector<16xi32>
      %gather3A_1528 = tpu.dynamic_gather %add3A_1515[%gather3A_1527] in [0] : vector<16xf32>, vector<16xi32> -> vector<16xf32>
      %add3A_1529 = arith.addf %add3A_1515, %gather3A_1528 : vector<16xf32>
      %xor3A_1530 = arith.constant 4 : i32
      %xor3A_1531 = vector.broadcast %xor3A_1530 : i32 to vector<16xi32>
      %xor3A_1532 = arith.xori %iota3A_1501, %xor3A_1531 : vector<16xi32>
      %lt3A_1533 = arith.constant 0 : i32
      %lt3A_1534 = vector.broadcast %lt3A_1533 : i32 to vector<16xi32>
      %lt3A_1535 = arith.cmpi slt, %xor3A_1532, %lt3A_1534 : vector<16xi32>
      %add3A_1536 = arith.constant 16 : i32
      %add3A_1537 = vector.broadcast %add3A_1536 : i32 to vector<16xi32>
      %add3A_1538 = arith.addi %xor3A_1532, %add3A_1537 : vector<16xi32>
      %select_n3A_1539 = arith.select %lt3A_1535, %add3A_1538, %xor3A_1532 : vector<16xi1>, vector<16xi32>
      %broadcast_in_dim3A_1540 = vector.shape_cast %select_n3A_1539 : vector<16xi32> to vector<16x1xi32>
      %gather3A_1541 = vector.shape_cast %broadcast_in_dim3A_1540 : vector<16x1xi32> to vector<16xi32>
      %gather3A_1542 = tpu.dynamic_gather %add3A_1529[%gather3A_1541] in [0] : vector<16xf32>, vector<16xi32> -> vector<16xf32>
      %add3A_1543 = arith.addf %add3A_1529, %gather3A_1542 : vector<16xf32>
      %xor3A_1544 = arith.constant 8 : i32
      %xor3A_1545 = vector.broadcast %xor3A_1544 : i32 to vector<16xi32>
      %xor3A_1546 = arith.xori %iota3A_1501, %xor3A_1545 : vector<16xi32>
      %lt3A_1547 = arith.constant 0 : i32
      %lt3A_1548 = vector.broadcast %lt3A_1547 : i32 to vector<16xi32>
      %lt3A_1549 = arith.cmpi slt, %xor3A_1546, %lt3A_1548 : vector<16xi32>
      %add3A_1550 = arith.constant 16 : i32
      %add3A_1551 = vector.broadcast %add3A_1550 : i32 to vector<16xi32>
      %add3A_1552 = arith.addi %xor3A_1546, %add3A_1551 : vector<16xi32>
      %select_n3A_1553 = arith.select %lt3A_1549, %add3A_1552, %xor3A_1546 : vector<16xi1>, vector<16xi32>
      %broadcast_in_dim3A_1554 = vector.shape_cast %select_n3A_1553 : vector<16xi32> to vector<16x1xi32>
      %gather3A_1555 = vector.shape_cast %broadcast_in_dim3A_1554 : vector<16x1xi32> to vector<16xi32>
      %gather3A_1556 = tpu.dynamic_gather %add3A_1543[%gather3A_1555] in [0] : vector<16xf32>, vector<16xi32> -> vector<16xf32>
      %add3A_1557 = arith.addf %add3A_1543, %gather3A_1556 : vector<16xf32>
      %mul3A_1558 = arith.constant 6.10351563E-5 : f32
      %mul3A_1559 = vector.broadcast %mul3A_1558 : f32 to vector<16xf32>
      %mul3A_1560 = arith.mulf %add3A_1557, %mul3A_1559 : vector<16xf32>
      %add3A_1561 = arith.constant 7 : i32
      %add3A_1562 = vector.broadcast %add3A_1561 : i32 to vector<16xi32>
      %add3A_1563 = arith.addi %mul3A_808, %add3A_1562 : vector<16xi32>
      %gather3A_1564 = tpu.vector_load_idx %arg10[%add3A_1563] : memref<2432xf32, #tpu.memory_space<vmem>>[vector<16xi32>], vector<16xf32>,
      %mul3A_1565 = arith.mulf %add3A_245, %gather3A_1564 : vector<16xf32>
      %add3A_1566 = arith.addf %broadcast_in_dim3A_4, %mul3A_1565 : vector<16xf32>
      %add3A_1567 = arith.constant 151 : i32
      %add3A_1568 = vector.broadcast %add3A_1567 : i32 to vector<16xi32>
      %add3A_1569 = arith.addi %mul3A_808, %add3A_1568 : vector<16xi32>
      %gather3A_1570 = tpu.vector_load_idx %arg10[%add3A_1569] : memref<2432xf32, #tpu.memory_space<vmem>>[vector<16xi32>], vector<16xf32>,
      %mul3A_1571 = arith.mulf %add3A_325, %gather3A_1570 : vector<16xf32>
      %add3A_1572 = arith.addf %add3A_1566, %mul3A_1571 : vector<16xf32>
      %add3A_1573 = arith.constant 295 : i32
      %add3A_1574 = vector.broadcast %add3A_1573 : i32 to vector<16xi32>
      %add3A_1575 = arith.addi %mul3A_808, %add3A_1574 : vector<16xi32>
      %gather3A_1576 = tpu.vector_load_idx %arg10[%add3A_1575] : memref<2432xf32, #tpu.memory_space<vmem>>[vector<16xi32>], vector<16xf32>,
      %mul3A_1577 = arith.mulf %add3A_405, %gather3A_1576 : vector<16xf32>
      %add3A_1578 = arith.addf %add3A_1572, %mul3A_1577 : vector<16xf32>
      %add3A_1579 = arith.constant 439 : i32
      %add3A_1580 = vector.broadcast %add3A_1579 : i32 to vector<16xi32>
      %add3A_1581 = arith.addi %mul3A_808, %add3A_1580 : vector<16xi32>
      %gather3A_1582 = tpu.vector_load_idx %arg10[%add3A_1581] : memref<2432xf32, #tpu.memory_space<vmem>>[vector<16xi32>], vector<16xf32>,
      %mul3A_1583 = arith.mulf %add3A_485, %gather3A_1582 : vector<16xf32>
      %add3A_1584 = arith.addf %add3A_1578, %mul3A_1583 : vector<16xf32>
      %add3A_1585 = arith.constant 583 : i32
      %add3A_1586 = vector.broadcast %add3A_1585 : i32 to vector<16xi32>
      %add3A_1587 = arith.addi %mul3A_808, %add3A_1586 : vector<16xi32>
      %gather3A_1588 = tpu.vector_load_idx %arg10[%add3A_1587] : memref<2432xf32, #tpu.memory_space<vmem>>[vector<16xi32>], vector<16xf32>,
      %mul3A_1589 = arith.mulf %add3A_565, %gather3A_1588 : vector<16xf32>
      %add3A_1590 = arith.addf %add3A_1584, %mul3A_1589 : vector<16xf32>
      %add3A_1591 = arith.constant 727 : i32
      %add3A_1592 = vector.broadcast %add3A_1591 : i32 to vector<16xi32>
      %add3A_1593 = arith.addi %mul3A_808, %add3A_1592 : vector<16xi32>
      %gather3A_1594 = tpu.vector_load_idx %arg10[%add3A_1593] : memref<2432xf32, #tpu.memory_space<vmem>>[vector<16xi32>], vector<16xf32>,
      %mul3A_1595 = arith.mulf %add3A_645, %gather3A_1594 : vector<16xf32>
      %add3A_1596 = arith.addf %add3A_1590, %mul3A_1595 : vector<16xf32>
      %add3A_1597 = arith.constant 871 : i32
      %add3A_1598 = vector.broadcast %add3A_1597 : i32 to vector<16xi32>
      %add3A_1599 = arith.addi %mul3A_808, %add3A_1598 : vector<16xi32>
      %gather3A_1600 = tpu.vector_load_idx %arg10[%add3A_1599] : memref<2432xf32, #tpu.memory_space<vmem>>[vector<16xi32>], vector<16xf32>,
      %mul3A_1601 = arith.mulf %add3A_725, %gather3A_1600 : vector<16xf32>
      %add3A_1602 = arith.addf %add3A_1596, %mul3A_1601 : vector<16xf32>
      %add3A_1603 = arith.constant 1015 : i32
      %add3A_1604 = vector.broadcast %add3A_1603 : i32 to vector<16xi32>
      %add3A_1605 = arith.addi %mul3A_808, %add3A_1604 : vector<16xi32>
      %gather3A_1606 = tpu.vector_load_idx %arg10[%add3A_1605] : memref<2432xf32, #tpu.memory_space<vmem>>[vector<16xi32>], vector<16xf32>,
      %mul3A_1607 = arith.mulf %add3A_805, %gather3A_1606 : vector<16xf32>
      %add3A_1608 = arith.addf %add3A_1602, %mul3A_1607 : vector<16xf32>
      %iota3A_1609 = tpu.iota {dimensions = array<i32: 0>} : vector<16xi32>
      %xor3A_1610 = arith.constant 1 : i32
      %xor3A_1611 = vector.broadcast %xor3A_1610 : i32 to vector<16xi32>
      %xor3A_1612 = arith.xori %iota3A_1609, %xor3A_1611 : vector<16xi32>
      %lt3A_1613 = arith.constant 0 : i32
      %lt3A_1614 = vector.broadcast %lt3A_1613 : i32 to vector<16xi32>
      %lt3A_1615 = arith.cmpi slt, %xor3A_1612, %lt3A_1614 : vector<16xi32>
      %add3A_1616 = arith.constant 16 : i32
      %add3A_1617 = vector.broadcast %add3A_1616 : i32 to vector<16xi32>
      %add3A_1618 = arith.addi %xor3A_1612, %add3A_1617 : vector<16xi32>
      %select_n3A_1619 = arith.select %lt3A_1615, %add3A_1618, %xor3A_1612 : vector<16xi1>, vector<16xi32>
      %broadcast_in_dim3A_1620 = vector.shape_cast %select_n3A_1619 : vector<16xi32> to vector<16x1xi32>
      %gather3A_1621 = vector.shape_cast %broadcast_in_dim3A_1620 : vector<16x1xi32> to vector<16xi32>
      %gather3A_1622 = tpu.dynamic_gather %add3A_1608[%gather3A_1621] in [0] : vector<16xf32>, vector<16xi32> -> vector<16xf32>
      %add3A_1623 = arith.addf %add3A_1608, %gather3A_1622 : vector<16xf32>
      %xor3A_1624 = arith.constant 2 : i32
      %xor3A_1625 = vector.broadcast %xor3A_1624 : i32 to vector<16xi32>
      %xor3A_1626 = arith.xori %iota3A_1609, %xor3A_1625 : vector<16xi32>
      %lt3A_1627 = arith.constant 0 : i32
      %lt3A_1628 = vector.broadcast %lt3A_1627 : i32 to vector<16xi32>
      %lt3A_1629 = arith.cmpi slt, %xor3A_1626, %lt3A_1628 : vector<16xi32>
      %add3A_1630 = arith.constant 16 : i32
      %add3A_1631 = vector.broadcast %add3A_1630 : i32 to vector<16xi32>
      %add3A_1632 = arith.addi %xor3A_1626, %add3A_1631 : vector<16xi32>
      %select_n3A_1633 = arith.select %lt3A_1629, %add3A_1632, %xor3A_1626 : vector<16xi1>, vector<16xi32>
      %broadcast_in_dim3A_1634 = vector.shape_cast %select_n3A_1633 : vector<16xi32> to vector<16x1xi32>
      %gather3A_1635 = vector.shape_cast %broadcast_in_dim3A_1634 : vector<16x1xi32> to vector<16xi32>
      %gather3A_1636 = tpu.dynamic_gather %add3A_1623[%gather3A_1635] in [0] : vector<16xf32>, vector<16xi32> -> vector<16xf32>
      %add3A_1637 = arith.addf %add3A_1623, %gather3A_1636 : vector<16xf32>
      %xor3A_1638 = arith.constant 4 : i32
      %xor3A_1639 = vector.broadcast %xor3A_1638 : i32 to vector<16xi32>
      %xor3A_1640 = arith.xori %iota3A_1609, %xor3A_1639 : vector<16xi32>
      %lt3A_1641 = arith.constant 0 : i32
      %lt3A_1642 = vector.broadcast %lt3A_1641 : i32 to vector<16xi32>
      %lt3A_1643 = arith.cmpi slt, %xor3A_1640, %lt3A_1642 : vector<16xi32>
      %add3A_1644 = arith.constant 16 : i32
      %add3A_1645 = vector.broadcast %add3A_1644 : i32 to vector<16xi32>
      %add3A_1646 = arith.addi %xor3A_1640, %add3A_1645 : vector<16xi32>
      %select_n3A_1647 = arith.select %lt3A_1643, %add3A_1646, %xor3A_1640 : vector<16xi1>, vector<16xi32>
      %broadcast_in_dim3A_1648 = vector.shape_cast %select_n3A_1647 : vector<16xi32> to vector<16x1xi32>
      %gather3A_1649 = vector.shape_cast %broadcast_in_dim3A_1648 : vector<16x1xi32> to vector<16xi32>
      %gather3A_1650 = tpu.dynamic_gather %add3A_1637[%gather3A_1649] in [0] : vector<16xf32>, vector<16xi32> -> vector<16xf32>
      %add3A_1651 = arith.addf %add3A_1637, %gather3A_1650 : vector<16xf32>
      %xor3A_1652 = arith.constant 8 : i32
      %xor3A_1653 = vector.broadcast %xor3A_1652 : i32 to vector<16xi32>
      %xor3A_1654 = arith.xori %iota3A_1609, %xor3A_1653 : vector<16xi32>
      %lt3A_1655 = arith.constant 0 : i32
      %lt3A_1656 = vector.broadcast %lt3A_1655 : i32 to vector<16xi32>
      %lt3A_1657 = arith.cmpi slt, %xor3A_1654, %lt3A_1656 : vector<16xi32>
      %add3A_1658 = arith.constant 16 : i32
      %add3A_1659 = vector.broadcast %add3A_1658 : i32 to vector<16xi32>
      %add3A_1660 = arith.addi %xor3A_1654, %add3A_1659 : vector<16xi32>
      %select_n3A_1661 = arith.select %lt3A_1657, %add3A_1660, %xor3A_1654 : vector<16xi1>, vector<16xi32>
      %broadcast_in_dim3A_1662 = vector.shape_cast %select_n3A_1661 : vector<16xi32> to vector<16x1xi32>
      %gather3A_1663 = vector.shape_cast %broadcast_in_dim3A_1662 : vector<16x1xi32> to vector<16xi32>
      %gather3A_1664 = tpu.dynamic_gather %add3A_1651[%gather3A_1663] in [0] : vector<16xf32>, vector<16xi32> -> vector<16xf32>
      %add3A_1665 = arith.addf %add3A_1651, %gather3A_1664 : vector<16xf32>
      %mul3A_1666 = arith.constant 6.10351563E-5 : f32
      %mul3A_1667 = vector.broadcast %mul3A_1666 : f32 to vector<16xf32>
      %mul3A_1668 = arith.mulf %add3A_1665, %mul3A_1667 : vector<16xf32>
      %add3A_1669 = arith.constant 8 : i32
      %add3A_1670 = vector.broadcast %add3A_1669 : i32 to vector<16xi32>
      %add3A_1671 = arith.addi %mul3A_808, %add3A_1670 : vector<16xi32>
      %gather3A_1672 = tpu.vector_load_idx %arg10[%add3A_1671] : memref<2432xf32, #tpu.memory_space<vmem>>[vector<16xi32>], vector<16xf32>,
      %mul3A_1673 = arith.mulf %add3A_245, %gather3A_1672 : vector<16xf32>
      %add3A_1674 = arith.addf %broadcast_in_dim3A_4, %mul3A_1673 : vector<16xf32>
      %add3A_1675 = arith.constant 152 : i32
      %add3A_1676 = vector.broadcast %add3A_1675 : i32 to vector<16xi32>
      %add3A_1677 = arith.addi %mul3A_808, %add3A_1676 : vector<16xi32>
      %gather3A_1678 = tpu.vector_load_idx %arg10[%add3A_1677] : memref<2432xf32, #tpu.memory_space<vmem>>[vector<16xi32>], vector<16xf32>,
      %mul3A_1679 = arith.mulf %add3A_325, %gather3A_1678 : vector<16xf32>
      %add3A_1680 = arith.addf %add3A_1674, %mul3A_1679 : vector<16xf32>
      %add3A_1681 = arith.constant 296 : i32
      %add3A_1682 = vector.broadcast %add3A_1681 : i32 to vector<16xi32>
      %add3A_1683 = arith.addi %mul3A_808, %add3A_1682 : vector<16xi32>
      %gather3A_1684 = tpu.vector_load_idx %arg10[%add3A_1683] : memref<2432xf32, #tpu.memory_space<vmem>>[vector<16xi32>], vector<16xf32>,
      %mul3A_1685 = arith.mulf %add3A_405, %gather3A_1684 : vector<16xf32>
      %add3A_1686 = arith.addf %add3A_1680, %mul3A_1685 : vector<16xf32>
      %add3A_1687 = arith.constant 440 : i32
      %add3A_1688 = vector.broadcast %add3A_1687 : i32 to vector<16xi32>
      %add3A_1689 = arith.addi %mul3A_808, %add3A_1688 : vector<16xi32>
      %gather3A_1690 = tpu.vector_load_idx %arg10[%add3A_1689] : memref<2432xf32, #tpu.memory_space<vmem>>[vector<16xi32>], vector<16xf32>,
      %mul3A_1691 = arith.mulf %add3A_485, %gather3A_1690 : vector<16xf32>
      %add3A_1692 = arith.addf %add3A_1686, %mul3A_1691 : vector<16xf32>
      %add3A_1693 = arith.constant 584 : i32
      %add3A_1694 = vector.broadcast %add3A_1693 : i32 to vector<16xi32>
      %add3A_1695 = arith.addi %mul3A_808, %add3A_1694 : vector<16xi32>
      %gather3A_1696 = tpu.vector_load_idx %arg10[%add3A_1695] : memref<2432xf32, #tpu.memory_space<vmem>>[vector<16xi32>], vector<16xf32>,
      %mul3A_1697 = arith.mulf %add3A_565, %gather3A_1696 : vector<16xf32>
      %add3A_1698 = arith.addf %add3A_1692, %mul3A_1697 : vector<16xf32>
      %add3A_1699 = arith.constant 728 : i32
      %add3A_1700 = vector.broadcast %add3A_1699 : i32 to vector<16xi32>
      %add3A_1701 = arith.addi %mul3A_808, %add3A_1700 : vector<16xi32>
      %gather3A_1702 = tpu.vector_load_idx %arg10[%add3A_1701] : memref<2432xf32, #tpu.memory_space<vmem>>[vector<16xi32>], vector<16xf32>,
      %mul3A_1703 = arith.mulf %add3A_645, %gather3A_1702 : vector<16xf32>
      %add3A_1704 = arith.addf %add3A_1698, %mul3A_1703 : vector<16xf32>
      %add3A_1705 = arith.constant 872 : i32
      %add3A_1706 = vector.broadcast %add3A_1705 : i32 to vector<16xi32>
      %add3A_1707 = arith.addi %mul3A_808, %add3A_1706 : vector<16xi32>
      %gather3A_1708 = tpu.vector_load_idx %arg10[%add3A_1707] : memref<2432xf32, #tpu.memory_space<vmem>>[vector<16xi32>], vector<16xf32>,
      %mul3A_1709 = arith.mulf %add3A_725, %gather3A_1708 : vector<16xf32>
      %add3A_1710 = arith.addf %add3A_1704, %mul3A_1709 : vector<16xf32>
      %add3A_1711 = arith.constant 1016 : i32
      %add3A_1712 = vector.broadcast %add3A_1711 : i32 to vector<16xi32>
      %add3A_1713 = arith.addi %mul3A_808, %add3A_1712 : vector<16xi32>
      %gather3A_1714 = tpu.vector_load_idx %arg10[%add3A_1713] : memref<2432xf32, #tpu.memory_space<vmem>>[vector<16xi32>], vector<16xf32>,
      %mul3A_1715 = arith.mulf %add3A_805, %gather3A_1714 : vector<16xf32>
      %add3A_1716 = arith.addf %add3A_1710, %mul3A_1715 : vector<16xf32>
      %iota3A_1717 = tpu.iota {dimensions = array<i32: 0>} : vector<16xi32>
      %xor3A_1718 = arith.constant 1 : i32
      %xor3A_1719 = vector.broadcast %xor3A_1718 : i32 to vector<16xi32>
      %xor3A_1720 = arith.xori %iota3A_1717, %xor3A_1719 : vector<16xi32>
      %lt3A_1721 = arith.constant 0 : i32
      %lt3A_1722 = vector.broadcast %lt3A_1721 : i32 to vector<16xi32>
      %lt3A_1723 = arith.cmpi slt, %xor3A_1720, %lt3A_1722 : vector<16xi32>
      %add3A_1724 = arith.constant 16 : i32
      %add3A_1725 = vector.broadcast %add3A_1724 : i32 to vector<16xi32>
      %add3A_1726 = arith.addi %xor3A_1720, %add3A_1725 : vector<16xi32>
      %select_n3A_1727 = arith.select %lt3A_1723, %add3A_1726, %xor3A_1720 : vector<16xi1>, vector<16xi32>
      %broadcast_in_dim3A_1728 = vector.shape_cast %select_n3A_1727 : vector<16xi32> to vector<16x1xi32>
      %gather3A_1729 = vector.shape_cast %broadcast_in_dim3A_1728 : vector<16x1xi32> to vector<16xi32>
      %gather3A_1730 = tpu.dynamic_gather %add3A_1716[%gather3A_1729] in [0] : vector<16xf32>, vector<16xi32> -> vector<16xf32>
      %add3A_1731 = arith.addf %add3A_1716, %gather3A_1730 : vector<16xf32>
      %xor3A_1732 = arith.constant 2 : i32
      %xor3A_1733 = vector.broadcast %xor3A_1732 : i32 to vector<16xi32>
      %xor3A_1734 = arith.xori %iota3A_1717, %xor3A_1733 : vector<16xi32>
      %lt3A_1735 = arith.constant 0 : i32
      %lt3A_1736 = vector.broadcast %lt3A_1735 : i32 to vector<16xi32>
      %lt3A_1737 = arith.cmpi slt, %xor3A_1734, %lt3A_1736 : vector<16xi32>
      %add3A_1738 = arith.constant 16 : i32
      %add3A_1739 = vector.broadcast %add3A_1738 : i32 to vector<16xi32>
      %add3A_1740 = arith.addi %xor3A_1734, %add3A_1739 : vector<16xi32>
      %select_n3A_1741 = arith.select %lt3A_1737, %add3A_1740, %xor3A_1734 : vector<16xi1>, vector<16xi32>
      %broadcast_in_dim3A_1742 = vector.shape_cast %select_n3A_1741 : vector<16xi32> to vector<16x1xi32>
      %gather3A_1743 = vector.shape_cast %broadcast_in_dim3A_1742 : vector<16x1xi32> to vector<16xi32>
      %gather3A_1744 = tpu.dynamic_gather %add3A_1731[%gather3A_1743] in [0] : vector<16xf32>, vector<16xi32> -> vector<16xf32>
      %add3A_1745 = arith.addf %add3A_1731, %gather3A_1744 : vector<16xf32>
      %xor3A_1746 = arith.constant 4 : i32
      %xor3A_1747 = vector.broadcast %xor3A_1746 : i32 to vector<16xi32>
      %xor3A_1748 = arith.xori %iota3A_1717, %xor3A_1747 : vector<16xi32>
      %lt3A_1749 = arith.constant 0 : i32
      %lt3A_1750 = vector.broadcast %lt3A_1749 : i32 to vector<16xi32>
      %lt3A_1751 = arith.cmpi slt, %xor3A_1748, %lt3A_1750 : vector<16xi32>
      %add3A_1752 = arith.constant 16 : i32
      %add3A_1753 = vector.broadcast %add3A_1752 : i32 to vector<16xi32>
      %add3A_1754 = arith.addi %xor3A_1748, %add3A_1753 : vector<16xi32>
      %select_n3A_1755 = arith.select %lt3A_1751, %add3A_1754, %xor3A_1748 : vector<16xi1>, vector<16xi32>
      %broadcast_in_dim3A_1756 = vector.shape_cast %select_n3A_1755 : vector<16xi32> to vector<16x1xi32>
      %gather3A_1757 = vector.shape_cast %broadcast_in_dim3A_1756 : vector<16x1xi32> to vector<16xi32>
      %gather3A_1758 = tpu.dynamic_gather %add3A_1745[%gather3A_1757] in [0] : vector<16xf32>, vector<16xi32> -> vector<16xf32>
      %add3A_1759 = arith.addf %add3A_1745, %gather3A_1758 : vector<16xf32>
      %xor3A_1760 = arith.constant 8 : i32
      %xor3A_1761 = vector.broadcast %xor3A_1760 : i32 to vector<16xi32>
      %xor3A_1762 = arith.xori %iota3A_1717, %xor3A_1761 : vector<16xi32>
      %lt3A_1763 = arith.constant 0 : i32
      %lt3A_1764 = vector.broadcast %lt3A_1763 : i32 to vector<16xi32>
      %lt3A_1765 = arith.cmpi slt, %xor3A_1762, %lt3A_1764 : vector<16xi32>
      %add3A_1766 = arith.constant 16 : i32
      %add3A_1767 = vector.broadcast %add3A_1766 : i32 to vector<16xi32>
      %add3A_1768 = arith.addi %xor3A_1762, %add3A_1767 : vector<16xi32>
      %select_n3A_1769 = arith.select %lt3A_1765, %add3A_1768, %xor3A_1762 : vector<16xi1>, vector<16xi32>
      %broadcast_in_dim3A_1770 = vector.shape_cast %select_n3A_1769 : vector<16xi32> to vector<16x1xi32>
      %gather3A_1771 = vector.shape_cast %broadcast_in_dim3A_1770 : vector<16x1xi32> to vector<16xi32>
      %gather3A_1772 = tpu.dynamic_gather %add3A_1759[%gather3A_1771] in [0] : vector<16xf32>, vector<16xi32> -> vector<16xf32>
      %add3A_1773 = arith.addf %add3A_1759, %gather3A_1772 : vector<16xf32>
      %mul3A_1774 = arith.constant 6.10351563E-5 : f32
      %mul3A_1775 = vector.broadcast %mul3A_1774 : f32 to vector<16xf32>
      %mul3A_1776 = arith.mulf %add3A_1773, %mul3A_1775 : vector<16xf32>
      %get3A_1777 = arith.constant 2304 : index
      %get3A_1778 = tpu.vector_load %arg10[%get3A_1777] {strides = array<i32>} : memref<2432xf32, #tpu.memory_space<vmem>>, vector<16xf32>,
      %add3A_1779 = arith.constant 1152 : i32
      %add3A_1780 = vector.broadcast %add3A_1779 : i32 to vector<16xi32>
      %add3A_1781 = arith.addi %mul3A_808, %add3A_1780 : vector<16xi32>
      %gather3A_1782 = tpu.vector_load_idx %arg10[%add3A_1781] : memref<2432xf32, #tpu.memory_space<vmem>>[vector<16xi32>], vector<16xf32>,
      %mul3A_1783 = arith.mulf %mul3A_912, %gather3A_1782 : vector<16xf32>
      %add3A_1784 = arith.addf %get3A_1778, %mul3A_1783 : vector<16xf32>
      %add3A_1785 = arith.constant 1153 : i32
      %add3A_1786 = vector.broadcast %add3A_1785 : i32 to vector<16xi32>
      %add3A_1787 = arith.addi %mul3A_808, %add3A_1786 : vector<16xi32>
      %gather3A_1788 = tpu.vector_load_idx %arg10[%add3A_1787] : memref<2432xf32, #tpu.memory_space<vmem>>[vector<16xi32>], vector<16xf32>,
      %mul3A_1789 = arith.mulf %mul3A_1020, %gather3A_1788 : vector<16xf32>
      %add3A_1790 = arith.addf %add3A_1784, %mul3A_1789 : vector<16xf32>
      %add3A_1791 = arith.constant 1154 : i32
      %add3A_1792 = vector.broadcast %add3A_1791 : i32 to vector<16xi32>
      %add3A_1793 = arith.addi %mul3A_808, %add3A_1792 : vector<16xi32>
      %gather3A_1794 = tpu.vector_load_idx %arg10[%add3A_1793] : memref<2432xf32, #tpu.memory_space<vmem>>[vector<16xi32>], vector<16xf32>,
      %mul3A_1795 = arith.mulf %mul3A_1128, %gather3A_1794 : vector<16xf32>
      %add3A_1796 = arith.addf %add3A_1790, %mul3A_1795 : vector<16xf32>
      %add3A_1797 = arith.constant 1155 : i32
      %add3A_1798 = vector.broadcast %add3A_1797 : i32 to vector<16xi32>
      %add3A_1799 = arith.addi %mul3A_808, %add3A_1798 : vector<16xi32>
      %gather3A_1800 = tpu.vector_load_idx %arg10[%add3A_1799] : memref<2432xf32, #tpu.memory_space<vmem>>[vector<16xi32>], vector<16xf32>,
      %mul3A_1801 = arith.mulf %mul3A_1236, %gather3A_1800 : vector<16xf32>
      %add3A_1802 = arith.addf %add3A_1796, %mul3A_1801 : vector<16xf32>
      %add3A_1803 = arith.constant 1156 : i32
      %add3A_1804 = vector.broadcast %add3A_1803 : i32 to vector<16xi32>
      %add3A_1805 = arith.addi %mul3A_808, %add3A_1804 : vector<16xi32>
      %gather3A_1806 = tpu.vector_load_idx %arg10[%add3A_1805] : memref<2432xf32, #tpu.memory_space<vmem>>[vector<16xi32>], vector<16xf32>,
      %mul3A_1807 = arith.mulf %mul3A_1344, %gather3A_1806 : vector<16xf32>
      %add3A_1808 = arith.addf %add3A_1802, %mul3A_1807 : vector<16xf32>
      %add3A_1809 = arith.constant 1157 : i32
      %add3A_1810 = vector.broadcast %add3A_1809 : i32 to vector<16xi32>
      %add3A_1811 = arith.addi %mul3A_808, %add3A_1810 : vector<16xi32>
      %gather3A_1812 = tpu.vector_load_idx %arg10[%add3A_1811] : memref<2432xf32, #tpu.memory_space<vmem>>[vector<16xi32>], vector<16xf32>,
      %mul3A_1813 = arith.mulf %mul3A_1452, %gather3A_1812 : vector<16xf32>
      %add3A_1814 = arith.addf %add3A_1808, %mul3A_1813 : vector<16xf32>
      %add3A_1815 = arith.constant 1158 : i32
      %add3A_1816 = vector.broadcast %add3A_1815 : i32 to vector<16xi32>
      %add3A_1817 = arith.addi %mul3A_808, %add3A_1816 : vector<16xi32>
      %gather3A_1818 = tpu.vector_load_idx %arg10[%add3A_1817] : memref<2432xf32, #tpu.memory_space<vmem>>[vector<16xi32>], vector<16xf32>,
      %mul3A_1819 = arith.mulf %mul3A_1560, %gather3A_1818 : vector<16xf32>
      %add3A_1820 = arith.addf %add3A_1814, %mul3A_1819 : vector<16xf32>
      %add3A_1821 = arith.constant 1159 : i32
      %add3A_1822 = vector.broadcast %add3A_1821 : i32 to vector<16xi32>
      %add3A_1823 = arith.addi %mul3A_808, %add3A_1822 : vector<16xi32>
      %gather3A_1824 = tpu.vector_load_idx %arg10[%add3A_1823] : memref<2432xf32, #tpu.memory_space<vmem>>[vector<16xi32>], vector<16xf32>,
      %mul3A_1825 = arith.mulf %mul3A_1668, %gather3A_1824 : vector<16xf32>
      %add3A_1826 = arith.addf %add3A_1820, %mul3A_1825 : vector<16xf32>
      %add3A_1827 = arith.constant 1160 : i32
      %add3A_1828 = vector.broadcast %add3A_1827 : i32 to vector<16xi32>
      %add3A_1829 = arith.addi %mul3A_808, %add3A_1828 : vector<16xi32>
      %gather3A_1830 = tpu.vector_load_idx %arg10[%add3A_1829] : memref<2432xf32, #tpu.memory_space<vmem>>[vector<16xi32>], vector<16xf32>,
      %mul3A_1831 = arith.mulf %mul3A_1776, %gather3A_1830 : vector<16xf32>
      %add3A_1832 = arith.addf %add3A_1826, %mul3A_1831 : vector<16xf32>
      %get3A_1833 = arith.constant 2320 : index
      %get3A_1834 = tpu.vector_load %arg10[%get3A_1833] {strides = array<i32>} : memref<2432xf32, #tpu.memory_space<vmem>>, vector<16xf32>,
      %add3A_1835 = arith.constant 1296 : i32
      %add3A_1836 = vector.broadcast %add3A_1835 : i32 to vector<16xi32>
      %add3A_1837 = arith.addi %mul3A_808, %add3A_1836 : vector<16xi32>
      %gather3A_1838 = tpu.vector_load_idx %arg10[%add3A_1837] : memref<2432xf32, #tpu.memory_space<vmem>>[vector<16xi32>], vector<16xf32>,
      %mul3A_1839 = arith.mulf %mul3A_912, %gather3A_1838 : vector<16xf32>
      %add3A_1840 = arith.addf %get3A_1834, %mul3A_1839 : vector<16xf32>
      %add3A_1841 = arith.constant 1297 : i32
      %add3A_1842 = vector.broadcast %add3A_1841 : i32 to vector<16xi32>
      %add3A_1843 = arith.addi %mul3A_808, %add3A_1842 : vector<16xi32>
      %gather3A_1844 = tpu.vector_load_idx %arg10[%add3A_1843] : memref<2432xf32, #tpu.memory_space<vmem>>[vector<16xi32>], vector<16xf32>,
      %mul3A_1845 = arith.mulf %mul3A_1020, %gather3A_1844 : vector<16xf32>
      %add3A_1846 = arith.addf %add3A_1840, %mul3A_1845 : vector<16xf32>
      %add3A_1847 = arith.constant 1298 : i32
      %add3A_1848 = vector.broadcast %add3A_1847 : i32 to vector<16xi32>
      %add3A_1849 = arith.addi %mul3A_808, %add3A_1848 : vector<16xi32>
      %gather3A_1850 = tpu.vector_load_idx %arg10[%add3A_1849] : memref<2432xf32, #tpu.memory_space<vmem>>[vector<16xi32>], vector<16xf32>,
      %mul3A_1851 = arith.mulf %mul3A_1128, %gather3A_1850 : vector<16xf32>
      %add3A_1852 = arith.addf %add3A_1846, %mul3A_1851 : vector<16xf32>
      %add3A_1853 = arith.constant 1299 : i32
      %add3A_1854 = vector.broadcast %add3A_1853 : i32 to vector<16xi32>
      %add3A_1855 = arith.addi %mul3A_808, %add3A_1854 : vector<16xi32>
      %gather3A_1856 = tpu.vector_load_idx %arg10[%add3A_1855] : memref<2432xf32, #tpu.memory_space<vmem>>[vector<16xi32>], vector<16xf32>,
      %mul3A_1857 = arith.mulf %mul3A_1236, %gather3A_1856 : vector<16xf32>
      %add3A_1858 = arith.addf %add3A_1852, %mul3A_1857 : vector<16xf32>
      %add3A_1859 = arith.constant 1300 : i32
      %add3A_1860 = vector.broadcast %add3A_1859 : i32 to vector<16xi32>
      %add3A_1861 = arith.addi %mul3A_808, %add3A_1860 : vector<16xi32>
      %gather3A_1862 = tpu.vector_load_idx %arg10[%add3A_1861] : memref<2432xf32, #tpu.memory_space<vmem>>[vector<16xi32>], vector<16xf32>,
      %mul3A_1863 = arith.mulf %mul3A_1344, %gather3A_1862 : vector<16xf32>
      %add3A_1864 = arith.addf %add3A_1858, %mul3A_1863 : vector<16xf32>
      %add3A_1865 = arith.constant 1301 : i32
      %add3A_1866 = vector.broadcast %add3A_1865 : i32 to vector<16xi32>
      %add3A_1867 = arith.addi %mul3A_808, %add3A_1866 : vector<16xi32>
      %gather3A_1868 = tpu.vector_load_idx %arg10[%add3A_1867] : memref<2432xf32, #tpu.memory_space<vmem>>[vector<16xi32>], vector<16xf32>,
      %mul3A_1869 = arith.mulf %mul3A_1452, %gather3A_1868 : vector<16xf32>
      %add3A_1870 = arith.addf %add3A_1864, %mul3A_1869 : vector<16xf32>
      %add3A_1871 = arith.constant 1302 : i32
      %add3A_1872 = vector.broadcast %add3A_1871 : i32 to vector<16xi32>
      %add3A_1873 = arith.addi %mul3A_808, %add3A_1872 : vector<16xi32>
      %gather3A_1874 = tpu.vector_load_idx %arg10[%add3A_1873] : memref<2432xf32, #tpu.memory_space<vmem>>[vector<16xi32>], vector<16xf32>,
      %mul3A_1875 = arith.mulf %mul3A_1560, %gather3A_1874 : vector<16xf32>
      %add3A_1876 = arith.addf %add3A_1870, %mul3A_1875 : vector<16xf32>
      %add3A_1877 = arith.constant 1303 : i32
      %add3A_1878 = vector.broadcast %add3A_1877 : i32 to vector<16xi32>
      %add3A_1879 = arith.addi %mul3A_808, %add3A_1878 : vector<16xi32>
      %gather3A_1880 = tpu.vector_load_idx %arg10[%add3A_1879] : memref<2432xf32, #tpu.memory_space<vmem>>[vector<16xi32>], vector<16xf32>,
      %mul3A_1881 = arith.mulf %mul3A_1668, %gather3A_1880 : vector<16xf32>
      %add3A_1882 = arith.addf %add3A_1876, %mul3A_1881 : vector<16xf32>
      %add3A_1883 = arith.constant 1304 : i32
      %add3A_1884 = vector.broadcast %add3A_1883 : i32 to vector<16xi32>
      %add3A_1885 = arith.addi %mul3A_808, %add3A_1884 : vector<16xi32>
      %gather3A_1886 = tpu.vector_load_idx %arg10[%add3A_1885] : memref<2432xf32, #tpu.memory_space<vmem>>[vector<16xi32>], vector<16xf32>,
      %mul3A_1887 = arith.mulf %mul3A_1776, %gather3A_1886 : vector<16xf32>
      %add3A_1888 = arith.addf %add3A_1882, %mul3A_1887 : vector<16xf32>
      %get3A_1889 = arith.constant 2336 : index
      %get3A_1890 = tpu.vector_load %arg10[%get3A_1889] {strides = array<i32>} : memref<2432xf32, #tpu.memory_space<vmem>>, vector<16xf32>,
      %add3A_1891 = arith.constant 1440 : i32
      %add3A_1892 = vector.broadcast %add3A_1891 : i32 to vector<16xi32>
      %add3A_1893 = arith.addi %mul3A_808, %add3A_1892 : vector<16xi32>
      %gather3A_1894 = tpu.vector_load_idx %arg10[%add3A_1893] : memref<2432xf32, #tpu.memory_space<vmem>>[vector<16xi32>], vector<16xf32>,
      %mul3A_1895 = arith.mulf %mul3A_912, %gather3A_1894 : vector<16xf32>
      %add3A_1896 = arith.addf %get3A_1890, %mul3A_1895 : vector<16xf32>
      %add3A_1897 = arith.constant 1441 : i32
      %add3A_1898 = vector.broadcast %add3A_1897 : i32 to vector<16xi32>
      %add3A_1899 = arith.addi %mul3A_808, %add3A_1898 : vector<16xi32>
      %gather3A_1900 = tpu.vector_load_idx %arg10[%add3A_1899] : memref<2432xf32, #tpu.memory_space<vmem>>[vector<16xi32>], vector<16xf32>,
      %mul3A_1901 = arith.mulf %mul3A_1020, %gather3A_1900 : vector<16xf32>
      %add3A_1902 = arith.addf %add3A_1896, %mul3A_1901 : vector<16xf32>
      %add3A_1903 = arith.constant 1442 : i32
      %add3A_1904 = vector.broadcast %add3A_1903 : i32 to vector<16xi32>
      %add3A_1905 = arith.addi %mul3A_808, %add3A_1904 : vector<16xi32>
      %gather3A_1906 = tpu.vector_load_idx %arg10[%add3A_1905] : memref<2432xf32, #tpu.memory_space<vmem>>[vector<16xi32>], vector<16xf32>,
      %mul3A_1907 = arith.mulf %mul3A_1128, %gather3A_1906 : vector<16xf32>
      %add3A_1908 = arith.addf %add3A_1902, %mul3A_1907 : vector<16xf32>
      %add3A_1909 = arith.constant 1443 : i32
      %add3A_1910 = vector.broadcast %add3A_1909 : i32 to vector<16xi32>
      %add3A_1911 = arith.addi %mul3A_808, %add3A_1910 : vector<16xi32>
      %gather3A_1912 = tpu.vector_load_idx %arg10[%add3A_1911] : memref<2432xf32, #tpu.memory_space<vmem>>[vector<16xi32>], vector<16xf32>,
      %mul3A_1913 = arith.mulf %mul3A_1236, %gather3A_1912 : vector<16xf32>
      %add3A_1914 = arith.addf %add3A_1908, %mul3A_1913 : vector<16xf32>
      %add3A_1915 = arith.constant 1444 : i32
      %add3A_1916 = vector.broadcast %add3A_1915 : i32 to vector<16xi32>
      %add3A_1917 = arith.addi %mul3A_808, %add3A_1916 : vector<16xi32>
      %gather3A_1918 = tpu.vector_load_idx %arg10[%add3A_1917] : memref<2432xf32, #tpu.memory_space<vmem>>[vector<16xi32>], vector<16xf32>,
      %mul3A_1919 = arith.mulf %mul3A_1344, %gather3A_1918 : vector<16xf32>
      %add3A_1920 = arith.addf %add3A_1914, %mul3A_1919 : vector<16xf32>
      %add3A_1921 = arith.constant 1445 : i32
      %add3A_1922 = vector.broadcast %add3A_1921 : i32 to vector<16xi32>
      %add3A_1923 = arith.addi %mul3A_808, %add3A_1922 : vector<16xi32>
      %gather3A_1924 = tpu.vector_load_idx %arg10[%add3A_1923] : memref<2432xf32, #tpu.memory_space<vmem>>[vector<16xi32>], vector<16xf32>,
      %mul3A_1925 = arith.mulf %mul3A_1452, %gather3A_1924 : vector<16xf32>
      %add3A_1926 = arith.addf %add3A_1920, %mul3A_1925 : vector<16xf32>
      %add3A_1927 = arith.constant 1446 : i32
      %add3A_1928 = vector.broadcast %add3A_1927 : i32 to vector<16xi32>
      %add3A_1929 = arith.addi %mul3A_808, %add3A_1928 : vector<16xi32>
      %gather3A_1930 = tpu.vector_load_idx %arg10[%add3A_1929] : memref<2432xf32, #tpu.memory_space<vmem>>[vector<16xi32>], vector<16xf32>,
      %mul3A_1931 = arith.mulf %mul3A_1560, %gather3A_1930 : vector<16xf32>
      %add3A_1932 = arith.addf %add3A_1926, %mul3A_1931 : vector<16xf32>
      %add3A_1933 = arith.constant 1447 : i32
      %add3A_1934 = vector.broadcast %add3A_1933 : i32 to vector<16xi32>
      %add3A_1935 = arith.addi %mul3A_808, %add3A_1934 : vector<16xi32>
      %gather3A_1936 = tpu.vector_load_idx %arg10[%add3A_1935] : memref<2432xf32, #tpu.memory_space<vmem>>[vector<16xi32>], vector<16xf32>,
      %mul3A_1937 = arith.mulf %mul3A_1668, %gather3A_1936 : vector<16xf32>
      %add3A_1938 = arith.addf %add3A_1932, %mul3A_1937 : vector<16xf32>
      %add3A_1939 = arith.constant 1448 : i32
      %add3A_1940 = vector.broadcast %add3A_1939 : i32 to vector<16xi32>
      %add3A_1941 = arith.addi %mul3A_808, %add3A_1940 : vector<16xi32>
      %gather3A_1942 = tpu.vector_load_idx %arg10[%add3A_1941] : memref<2432xf32, #tpu.memory_space<vmem>>[vector<16xi32>], vector<16xf32>,
      %mul3A_1943 = arith.mulf %mul3A_1776, %gather3A_1942 : vector<16xf32>
      %add3A_1944 = arith.addf %add3A_1938, %mul3A_1943 : vector<16xf32>
      %get3A_1945 = arith.constant 2352 : index
      %get3A_1946 = tpu.vector_load %arg10[%get3A_1945] {strides = array<i32>} : memref<2432xf32, #tpu.memory_space<vmem>>, vector<16xf32>,
      %add3A_1947 = arith.constant 1584 : i32
      %add3A_1948 = vector.broadcast %add3A_1947 : i32 to vector<16xi32>
      %add3A_1949 = arith.addi %mul3A_808, %add3A_1948 : vector<16xi32>
      %gather3A_1950 = tpu.vector_load_idx %arg10[%add3A_1949] : memref<2432xf32, #tpu.memory_space<vmem>>[vector<16xi32>], vector<16xf32>,
      %mul3A_1951 = arith.mulf %mul3A_912, %gather3A_1950 : vector<16xf32>
      %add3A_1952 = arith.addf %get3A_1946, %mul3A_1951 : vector<16xf32>
      %add3A_1953 = arith.constant 1585 : i32
      %add3A_1954 = vector.broadcast %add3A_1953 : i32 to vector<16xi32>
      %add3A_1955 = arith.addi %mul3A_808, %add3A_1954 : vector<16xi32>
      %gather3A_1956 = tpu.vector_load_idx %arg10[%add3A_1955] : memref<2432xf32, #tpu.memory_space<vmem>>[vector<16xi32>], vector<16xf32>,
      %mul3A_1957 = arith.mulf %mul3A_1020, %gather3A_1956 : vector<16xf32>
      %add3A_1958 = arith.addf %add3A_1952, %mul3A_1957 : vector<16xf32>
      %add3A_1959 = arith.constant 1586 : i32
      %add3A_1960 = vector.broadcast %add3A_1959 : i32 to vector<16xi32>
      %add3A_1961 = arith.addi %mul3A_808, %add3A_1960 : vector<16xi32>
      %gather3A_1962 = tpu.vector_load_idx %arg10[%add3A_1961] : memref<2432xf32, #tpu.memory_space<vmem>>[vector<16xi32>], vector<16xf32>,
      %mul3A_1963 = arith.mulf %mul3A_1128, %gather3A_1962 : vector<16xf32>
      %add3A_1964 = arith.addf %add3A_1958, %mul3A_1963 : vector<16xf32>
      %add3A_1965 = arith.constant 1587 : i32
      %add3A_1966 = vector.broadcast %add3A_1965 : i32 to vector<16xi32>
      %add3A_1967 = arith.addi %mul3A_808, %add3A_1966 : vector<16xi32>
      %gather3A_1968 = tpu.vector_load_idx %arg10[%add3A_1967] : memref<2432xf32, #tpu.memory_space<vmem>>[vector<16xi32>], vector<16xf32>,
      %mul3A_1969 = arith.mulf %mul3A_1236, %gather3A_1968 : vector<16xf32>
      %add3A_1970 = arith.addf %add3A_1964, %mul3A_1969 : vector<16xf32>
      %add3A_1971 = arith.constant 1588 : i32
      %add3A_1972 = vector.broadcast %add3A_1971 : i32 to vector<16xi32>
      %add3A_1973 = arith.addi %mul3A_808, %add3A_1972 : vector<16xi32>
      %gather3A_1974 = tpu.vector_load_idx %arg10[%add3A_1973] : memref<2432xf32, #tpu.memory_space<vmem>>[vector<16xi32>], vector<16xf32>,
      %mul3A_1975 = arith.mulf %mul3A_1344, %gather3A_1974 : vector<16xf32>
      %add3A_1976 = arith.addf %add3A_1970, %mul3A_1975 : vector<16xf32>
      %add3A_1977 = arith.constant 1589 : i32
      %add3A_1978 = vector.broadcast %add3A_1977 : i32 to vector<16xi32>
      %add3A_1979 = arith.addi %mul3A_808, %add3A_1978 : vector<16xi32>
      %gather3A_1980 = tpu.vector_load_idx %arg10[%add3A_1979] : memref<2432xf32, #tpu.memory_space<vmem>>[vector<16xi32>], vector<16xf32>,
      %mul3A_1981 = arith.mulf %mul3A_1452, %gather3A_1980 : vector<16xf32>
      %add3A_1982 = arith.addf %add3A_1976, %mul3A_1981 : vector<16xf32>
      %add3A_1983 = arith.constant 1590 : i32
      %add3A_1984 = vector.broadcast %add3A_1983 : i32 to vector<16xi32>
      %add3A_1985 = arith.addi %mul3A_808, %add3A_1984 : vector<16xi32>
      %gather3A_1986 = tpu.vector_load_idx %arg10[%add3A_1985] : memref<2432xf32, #tpu.memory_space<vmem>>[vector<16xi32>], vector<16xf32>,
      %mul3A_1987 = arith.mulf %mul3A_1560, %gather3A_1986 : vector<16xf32>
      %add3A_1988 = arith.addf %add3A_1982, %mul3A_1987 : vector<16xf32>
      %add3A_1989 = arith.constant 1591 : i32
      %add3A_1990 = vector.broadcast %add3A_1989 : i32 to vector<16xi32>
      %add3A_1991 = arith.addi %mul3A_808, %add3A_1990 : vector<16xi32>
      %gather3A_1992 = tpu.vector_load_idx %arg10[%add3A_1991] : memref<2432xf32, #tpu.memory_space<vmem>>[vector<16xi32>], vector<16xf32>,
      %mul3A_1993 = arith.mulf %mul3A_1668, %gather3A_1992 : vector<16xf32>
      %add3A_1994 = arith.addf %add3A_1988, %mul3A_1993 : vector<16xf32>
      %add3A_1995 = arith.constant 1592 : i32
      %add3A_1996 = vector.broadcast %add3A_1995 : i32 to vector<16xi32>
      %add3A_1997 = arith.addi %mul3A_808, %add3A_1996 : vector<16xi32>
      %gather3A_1998 = tpu.vector_load_idx %arg10[%add3A_1997] : memref<2432xf32, #tpu.memory_space<vmem>>[vector<16xi32>], vector<16xf32>,
      %mul3A_1999 = arith.mulf %mul3A_1776, %gather3A_1998 : vector<16xf32>
      %add3A_2000 = arith.addf %add3A_1994, %mul3A_1999 : vector<16xf32>
      %get3A_2001 = arith.constant 2368 : index
      %get3A_2002 = tpu.vector_load %arg10[%get3A_2001] {strides = array<i32>} : memref<2432xf32, #tpu.memory_space<vmem>>, vector<16xf32>,
      %add3A_2003 = arith.constant 1728 : i32
      %add3A_2004 = vector.broadcast %add3A_2003 : i32 to vector<16xi32>
      %add3A_2005 = arith.addi %mul3A_808, %add3A_2004 : vector<16xi32>
      %gather3A_2006 = tpu.vector_load_idx %arg10[%add3A_2005] : memref<2432xf32, #tpu.memory_space<vmem>>[vector<16xi32>], vector<16xf32>,
      %mul3A_2007 = arith.mulf %mul3A_912, %gather3A_2006 : vector<16xf32>
      %add3A_2008 = arith.addf %get3A_2002, %mul3A_2007 : vector<16xf32>
      %add3A_2009 = arith.constant 1729 : i32
      %add3A_2010 = vector.broadcast %add3A_2009 : i32 to vector<16xi32>
      %add3A_2011 = arith.addi %mul3A_808, %add3A_2010 : vector<16xi32>
      %gather3A_2012 = tpu.vector_load_idx %arg10[%add3A_2011] : memref<2432xf32, #tpu.memory_space<vmem>>[vector<16xi32>], vector<16xf32>,
      %mul3A_2013 = arith.mulf %mul3A_1020, %gather3A_2012 : vector<16xf32>
      %add3A_2014 = arith.addf %add3A_2008, %mul3A_2013 : vector<16xf32>
      %add3A_2015 = arith.constant 1730 : i32
      %add3A_2016 = vector.broadcast %add3A_2015 : i32 to vector<16xi32>
      %add3A_2017 = arith.addi %mul3A_808, %add3A_2016 : vector<16xi32>
      %gather3A_2018 = tpu.vector_load_idx %arg10[%add3A_2017] : memref<2432xf32, #tpu.memory_space<vmem>>[vector<16xi32>], vector<16xf32>,
      %mul3A_2019 = arith.mulf %mul3A_1128, %gather3A_2018 : vector<16xf32>
      %add3A_2020 = arith.addf %add3A_2014, %mul3A_2019 : vector<16xf32>
      %add3A_2021 = arith.constant 1731 : i32
      %add3A_2022 = vector.broadcast %add3A_2021 : i32 to vector<16xi32>
      %add3A_2023 = arith.addi %mul3A_808, %add3A_2022 : vector<16xi32>
      %gather3A_2024 = tpu.vector_load_idx %arg10[%add3A_2023] : memref<2432xf32, #tpu.memory_space<vmem>>[vector<16xi32>], vector<16xf32>,
      %mul3A_2025 = arith.mulf %mul3A_1236, %gather3A_2024 : vector<16xf32>
      %add3A_2026 = arith.addf %add3A_2020, %mul3A_2025 : vector<16xf32>
      %add3A_2027 = arith.constant 1732 : i32
      %add3A_2028 = vector.broadcast %add3A_2027 : i32 to vector<16xi32>
      %add3A_2029 = arith.addi %mul3A_808, %add3A_2028 : vector<16xi32>
      %gather3A_2030 = tpu.vector_load_idx %arg10[%add3A_2029] : memref<2432xf32, #tpu.memory_space<vmem>>[vector<16xi32>], vector<16xf32>,
      %mul3A_2031 = arith.mulf %mul3A_1344, %gather3A_2030 : vector<16xf32>
      %add3A_2032 = arith.addf %add3A_2026, %mul3A_2031 : vector<16xf32>
      %add3A_2033 = arith.constant 1733 : i32
      %add3A_2034 = vector.broadcast %add3A_2033 : i32 to vector<16xi32>
      %add3A_2035 = arith.addi %mul3A_808, %add3A_2034 : vector<16xi32>
      %gather3A_2036 = tpu.vector_load_idx %arg10[%add3A_2035] : memref<2432xf32, #tpu.memory_space<vmem>>[vector<16xi32>], vector<16xf32>,
      %mul3A_2037 = arith.mulf %mul3A_1452, %gather3A_2036 : vector<16xf32>
      %add3A_2038 = arith.addf %add3A_2032, %mul3A_2037 : vector<16xf32>
      %add3A_2039 = arith.constant 1734 : i32
      %add3A_2040 = vector.broadcast %add3A_2039 : i32 to vector<16xi32>
      %add3A_2041 = arith.addi %mul3A_808, %add3A_2040 : vector<16xi32>
      %gather3A_2042 = tpu.vector_load_idx %arg10[%add3A_2041] : memref<2432xf32, #tpu.memory_space<vmem>>[vector<16xi32>], vector<16xf32>,
      %mul3A_2043 = arith.mulf %mul3A_1560, %gather3A_2042 : vector<16xf32>
      %add3A_2044 = arith.addf %add3A_2038, %mul3A_2043 : vector<16xf32>
      %add3A_2045 = arith.constant 1735 : i32
      %add3A_2046 = vector.broadcast %add3A_2045 : i32 to vector<16xi32>
      %add3A_2047 = arith.addi %mul3A_808, %add3A_2046 : vector<16xi32>
      %gather3A_2048 = tpu.vector_load_idx %arg10[%add3A_2047] : memref<2432xf32, #tpu.memory_space<vmem>>[vector<16xi32>], vector<16xf32>,
      %mul3A_2049 = arith.mulf %mul3A_1668, %gather3A_2048 : vector<16xf32>
      %add3A_2050 = arith.addf %add3A_2044, %mul3A_2049 : vector<16xf32>
      %add3A_2051 = arith.constant 1736 : i32
      %add3A_2052 = vector.broadcast %add3A_2051 : i32 to vector<16xi32>
      %add3A_2053 = arith.addi %mul3A_808, %add3A_2052 : vector<16xi32>
      %gather3A_2054 = tpu.vector_load_idx %arg10[%add3A_2053] : memref<2432xf32, #tpu.memory_space<vmem>>[vector<16xi32>], vector<16xf32>,
      %mul3A_2055 = arith.mulf %mul3A_1776, %gather3A_2054 : vector<16xf32>
      %add3A_2056 = arith.addf %add3A_2050, %mul3A_2055 : vector<16xf32>
      %get3A_2057 = arith.constant 2384 : index
      %get3A_2058 = tpu.vector_load %arg10[%get3A_2057] {strides = array<i32>} : memref<2432xf32, #tpu.memory_space<vmem>>, vector<16xf32>,
      %add3A_2059 = arith.constant 1872 : i32
      %add3A_2060 = vector.broadcast %add3A_2059 : i32 to vector<16xi32>
      %add3A_2061 = arith.addi %mul3A_808, %add3A_2060 : vector<16xi32>
      %gather3A_2062 = tpu.vector_load_idx %arg10[%add3A_2061] : memref<2432xf32, #tpu.memory_space<vmem>>[vector<16xi32>], vector<16xf32>,
      %mul3A_2063 = arith.mulf %mul3A_912, %gather3A_2062 : vector<16xf32>
      %add3A_2064 = arith.addf %get3A_2058, %mul3A_2063 : vector<16xf32>
      %add3A_2065 = arith.constant 1873 : i32
      %add3A_2066 = vector.broadcast %add3A_2065 : i32 to vector<16xi32>
      %add3A_2067 = arith.addi %mul3A_808, %add3A_2066 : vector<16xi32>
      %gather3A_2068 = tpu.vector_load_idx %arg10[%add3A_2067] : memref<2432xf32, #tpu.memory_space<vmem>>[vector<16xi32>], vector<16xf32>,
      %mul3A_2069 = arith.mulf %mul3A_1020, %gather3A_2068 : vector<16xf32>
      %add3A_2070 = arith.addf %add3A_2064, %mul3A_2069 : vector<16xf32>
      %add3A_2071 = arith.constant 1874 : i32
      %add3A_2072 = vector.broadcast %add3A_2071 : i32 to vector<16xi32>
      %add3A_2073 = arith.addi %mul3A_808, %add3A_2072 : vector<16xi32>
      %gather3A_2074 = tpu.vector_load_idx %arg10[%add3A_2073] : memref<2432xf32, #tpu.memory_space<vmem>>[vector<16xi32>], vector<16xf32>,
      %mul3A_2075 = arith.mulf %mul3A_1128, %gather3A_2074 : vector<16xf32>
      %add3A_2076 = arith.addf %add3A_2070, %mul3A_2075 : vector<16xf32>
      %add3A_2077 = arith.constant 1875 : i32
      %add3A_2078 = vector.broadcast %add3A_2077 : i32 to vector<16xi32>
      %add3A_2079 = arith.addi %mul3A_808, %add3A_2078 : vector<16xi32>
      %gather3A_2080 = tpu.vector_load_idx %arg10[%add3A_2079] : memref<2432xf32, #tpu.memory_space<vmem>>[vector<16xi32>], vector<16xf32>,
      %mul3A_2081 = arith.mulf %mul3A_1236, %gather3A_2080 : vector<16xf32>
      %add3A_2082 = arith.addf %add3A_2076, %mul3A_2081 : vector<16xf32>
      %add3A_2083 = arith.constant 1876 : i32
      %add3A_2084 = vector.broadcast %add3A_2083 : i32 to vector<16xi32>
      %add3A_2085 = arith.addi %mul3A_808, %add3A_2084 : vector<16xi32>
      %gather3A_2086 = tpu.vector_load_idx %arg10[%add3A_2085] : memref<2432xf32, #tpu.memory_space<vmem>>[vector<16xi32>], vector<16xf32>,
      %mul3A_2087 = arith.mulf %mul3A_1344, %gather3A_2086 : vector<16xf32>
      %add3A_2088 = arith.addf %add3A_2082, %mul3A_2087 : vector<16xf32>
      %add3A_2089 = arith.constant 1877 : i32
      %add3A_2090 = vector.broadcast %add3A_2089 : i32 to vector<16xi32>
      %add3A_2091 = arith.addi %mul3A_808, %add3A_2090 : vector<16xi32>
      %gather3A_2092 = tpu.vector_load_idx %arg10[%add3A_2091] : memref<2432xf32, #tpu.memory_space<vmem>>[vector<16xi32>], vector<16xf32>,
      %mul3A_2093 = arith.mulf %mul3A_1452, %gather3A_2092 : vector<16xf32>
      %add3A_2094 = arith.addf %add3A_2088, %mul3A_2093 : vector<16xf32>
      %add3A_2095 = arith.constant 1878 : i32
      %add3A_2096 = vector.broadcast %add3A_2095 : i32 to vector<16xi32>
      %add3A_2097 = arith.addi %mul3A_808, %add3A_2096 : vector<16xi32>
      %gather3A_2098 = tpu.vector_load_idx %arg10[%add3A_2097] : memref<2432xf32, #tpu.memory_space<vmem>>[vector<16xi32>], vector<16xf32>,
      %mul3A_2099 = arith.mulf %mul3A_1560, %gather3A_2098 : vector<16xf32>
      %add3A_2100 = arith.addf %add3A_2094, %mul3A_2099 : vector<16xf32>
      %add3A_2101 = arith.constant 1879 : i32
      %add3A_2102 = vector.broadcast %add3A_2101 : i32 to vector<16xi32>
      %add3A_2103 = arith.addi %mul3A_808, %add3A_2102 : vector<16xi32>
      %gather3A_2104 = tpu.vector_load_idx %arg10[%add3A_2103] : memref<2432xf32, #tpu.memory_space<vmem>>[vector<16xi32>], vector<16xf32>,
      %mul3A_2105 = arith.mulf %mul3A_1668, %gather3A_2104 : vector<16xf32>
      %add3A_2106 = arith.addf %add3A_2100, %mul3A_2105 : vector<16xf32>
      %add3A_2107 = arith.constant 1880 : i32
      %add3A_2108 = vector.broadcast %add3A_2107 : i32 to vector<16xi32>
      %add3A_2109 = arith.addi %mul3A_808, %add3A_2108 : vector<16xi32>
      %gather3A_2110 = tpu.vector_load_idx %arg10[%add3A_2109] : memref<2432xf32, #tpu.memory_space<vmem>>[vector<16xi32>], vector<16xf32>,
      %mul3A_2111 = arith.mulf %mul3A_1776, %gather3A_2110 : vector<16xf32>
      %add3A_2112 = arith.addf %add3A_2106, %mul3A_2111 : vector<16xf32>
      %get3A_2113 = arith.constant 2400 : index
      %get3A_2114 = tpu.vector_load %arg10[%get3A_2113] {strides = array<i32>} : memref<2432xf32, #tpu.memory_space<vmem>>, vector<16xf32>,
      %add3A_2115 = arith.constant 2016 : i32
      %add3A_2116 = vector.broadcast %add3A_2115 : i32 to vector<16xi32>
      %add3A_2117 = arith.addi %mul3A_808, %add3A_2116 : vector<16xi32>
      %gather3A_2118 = tpu.vector_load_idx %arg10[%add3A_2117] : memref<2432xf32, #tpu.memory_space<vmem>>[vector<16xi32>], vector<16xf32>,
      %mul3A_2119 = arith.mulf %mul3A_912, %gather3A_2118 : vector<16xf32>
      %add3A_2120 = arith.addf %get3A_2114, %mul3A_2119 : vector<16xf32>
      %add3A_2121 = arith.constant 2017 : i32
      %add3A_2122 = vector.broadcast %add3A_2121 : i32 to vector<16xi32>
      %add3A_2123 = arith.addi %mul3A_808, %add3A_2122 : vector<16xi32>
      %gather3A_2124 = tpu.vector_load_idx %arg10[%add3A_2123] : memref<2432xf32, #tpu.memory_space<vmem>>[vector<16xi32>], vector<16xf32>,
      %mul3A_2125 = arith.mulf %mul3A_1020, %gather3A_2124 : vector<16xf32>
      %add3A_2126 = arith.addf %add3A_2120, %mul3A_2125 : vector<16xf32>
      %add3A_2127 = arith.constant 2018 : i32
      %add3A_2128 = vector.broadcast %add3A_2127 : i32 to vector<16xi32>
      %add3A_2129 = arith.addi %mul3A_808, %add3A_2128 : vector<16xi32>
      %gather3A_2130 = tpu.vector_load_idx %arg10[%add3A_2129] : memref<2432xf32, #tpu.memory_space<vmem>>[vector<16xi32>], vector<16xf32>,
      %mul3A_2131 = arith.mulf %mul3A_1128, %gather3A_2130 : vector<16xf32>
      %add3A_2132 = arith.addf %add3A_2126, %mul3A_2131 : vector<16xf32>
      %add3A_2133 = arith.constant 2019 : i32
      %add3A_2134 = vector.broadcast %add3A_2133 : i32 to vector<16xi32>
      %add3A_2135 = arith.addi %mul3A_808, %add3A_2134 : vector<16xi32>
      %gather3A_2136 = tpu.vector_load_idx %arg10[%add3A_2135] : memref<2432xf32, #tpu.memory_space<vmem>>[vector<16xi32>], vector<16xf32>,
      %mul3A_2137 = arith.mulf %mul3A_1236, %gather3A_2136 : vector<16xf32>
      %add3A_2138 = arith.addf %add3A_2132, %mul3A_2137 : vector<16xf32>
      %add3A_2139 = arith.constant 2020 : i32
      %add3A_2140 = vector.broadcast %add3A_2139 : i32 to vector<16xi32>
      %add3A_2141 = arith.addi %mul3A_808, %add3A_2140 : vector<16xi32>
      %gather3A_2142 = tpu.vector_load_idx %arg10[%add3A_2141] : memref<2432xf32, #tpu.memory_space<vmem>>[vector<16xi32>], vector<16xf32>,
      %mul3A_2143 = arith.mulf %mul3A_1344, %gather3A_2142 : vector<16xf32>
      %add3A_2144 = arith.addf %add3A_2138, %mul3A_2143 : vector<16xf32>
      %add3A_2145 = arith.constant 2021 : i32
      %add3A_2146 = vector.broadcast %add3A_2145 : i32 to vector<16xi32>
      %add3A_2147 = arith.addi %mul3A_808, %add3A_2146 : vector<16xi32>
      %gather3A_2148 = tpu.vector_load_idx %arg10[%add3A_2147] : memref<2432xf32, #tpu.memory_space<vmem>>[vector<16xi32>], vector<16xf32>,
      %mul3A_2149 = arith.mulf %mul3A_1452, %gather3A_2148 : vector<16xf32>
      %add3A_2150 = arith.addf %add3A_2144, %mul3A_2149 : vector<16xf32>
      %add3A_2151 = arith.constant 2022 : i32
      %add3A_2152 = vector.broadcast %add3A_2151 : i32 to vector<16xi32>
      %add3A_2153 = arith.addi %mul3A_808, %add3A_2152 : vector<16xi32>
      %gather3A_2154 = tpu.vector_load_idx %arg10[%add3A_2153] : memref<2432xf32, #tpu.memory_space<vmem>>[vector<16xi32>], vector<16xf32>,
      %mul3A_2155 = arith.mulf %mul3A_1560, %gather3A_2154 : vector<16xf32>
      %add3A_2156 = arith.addf %add3A_2150, %mul3A_2155 : vector<16xf32>
      %add3A_2157 = arith.constant 2023 : i32
      %add3A_2158 = vector.broadcast %add3A_2157 : i32 to vector<16xi32>
      %add3A_2159 = arith.addi %mul3A_808, %add3A_2158 : vector<16xi32>
      %gather3A_2160 = tpu.vector_load_idx %arg10[%add3A_2159] : memref<2432xf32, #tpu.memory_space<vmem>>[vector<16xi32>], vector<16xf32>,
      %mul3A_2161 = arith.mulf %mul3A_1668, %gather3A_2160 : vector<16xf32>
      %add3A_2162 = arith.addf %add3A_2156, %mul3A_2161 : vector<16xf32>
      %add3A_2163 = arith.constant 2024 : i32
      %add3A_2164 = vector.broadcast %add3A_2163 : i32 to vector<16xi32>
      %add3A_2165 = arith.addi %mul3A_808, %add3A_2164 : vector<16xi32>
      %gather3A_2166 = tpu.vector_load_idx %arg10[%add3A_2165] : memref<2432xf32, #tpu.memory_space<vmem>>[vector<16xi32>], vector<16xf32>,
      %mul3A_2167 = arith.mulf %mul3A_1776, %gather3A_2166 : vector<16xf32>
      %add3A_2168 = arith.addf %add3A_2162, %mul3A_2167 : vector<16xf32>
      %get3A_2169 = arith.constant 2416 : index
      %get3A_2170 = tpu.vector_load %arg10[%get3A_2169] {strides = array<i32>} : memref<2432xf32, #tpu.memory_space<vmem>>, vector<16xf32>,
      %add3A_2171 = arith.constant 2160 : i32
      %add3A_2172 = vector.broadcast %add3A_2171 : i32 to vector<16xi32>
      %add3A_2173 = arith.addi %mul3A_808, %add3A_2172 : vector<16xi32>
      %gather3A_2174 = tpu.vector_load_idx %arg10[%add3A_2173] : memref<2432xf32, #tpu.memory_space<vmem>>[vector<16xi32>], vector<16xf32>,
      %mul3A_2175 = arith.mulf %mul3A_912, %gather3A_2174 : vector<16xf32>
      %add3A_2176 = arith.addf %get3A_2170, %mul3A_2175 : vector<16xf32>
      %add3A_2177 = arith.constant 2161 : i32
      %add3A_2178 = vector.broadcast %add3A_2177 : i32 to vector<16xi32>
      %add3A_2179 = arith.addi %mul3A_808, %add3A_2178 : vector<16xi32>
      %gather3A_2180 = tpu.vector_load_idx %arg10[%add3A_2179] : memref<2432xf32, #tpu.memory_space<vmem>>[vector<16xi32>], vector<16xf32>,
      %mul3A_2181 = arith.mulf %mul3A_1020, %gather3A_2180 : vector<16xf32>
      %add3A_2182 = arith.addf %add3A_2176, %mul3A_2181 : vector<16xf32>
      %add3A_2183 = arith.constant 2162 : i32
      %add3A_2184 = vector.broadcast %add3A_2183 : i32 to vector<16xi32>
      %add3A_2185 = arith.addi %mul3A_808, %add3A_2184 : vector<16xi32>
      %gather3A_2186 = tpu.vector_load_idx %arg10[%add3A_2185] : memref<2432xf32, #tpu.memory_space<vmem>>[vector<16xi32>], vector<16xf32>,
      %mul3A_2187 = arith.mulf %mul3A_1128, %gather3A_2186 : vector<16xf32>
      %add3A_2188 = arith.addf %add3A_2182, %mul3A_2187 : vector<16xf32>
      %add3A_2189 = arith.constant 2163 : i32
      %add3A_2190 = vector.broadcast %add3A_2189 : i32 to vector<16xi32>
      %add3A_2191 = arith.addi %mul3A_808, %add3A_2190 : vector<16xi32>
      %gather3A_2192 = tpu.vector_load_idx %arg10[%add3A_2191] : memref<2432xf32, #tpu.memory_space<vmem>>[vector<16xi32>], vector<16xf32>,
      %mul3A_2193 = arith.mulf %mul3A_1236, %gather3A_2192 : vector<16xf32>
      %add3A_2194 = arith.addf %add3A_2188, %mul3A_2193 : vector<16xf32>
      %add3A_2195 = arith.constant 2164 : i32
      %add3A_2196 = vector.broadcast %add3A_2195 : i32 to vector<16xi32>
      %add3A_2197 = arith.addi %mul3A_808, %add3A_2196 : vector<16xi32>
      %gather3A_2198 = tpu.vector_load_idx %arg10[%add3A_2197] : memref<2432xf32, #tpu.memory_space<vmem>>[vector<16xi32>], vector<16xf32>,
      %mul3A_2199 = arith.mulf %mul3A_1344, %gather3A_2198 : vector<16xf32>
      %add3A_2200 = arith.addf %add3A_2194, %mul3A_2199 : vector<16xf32>
      %add3A_2201 = arith.constant 2165 : i32
      %add3A_2202 = vector.broadcast %add3A_2201 : i32 to vector<16xi32>
      %add3A_2203 = arith.addi %mul3A_808, %add3A_2202 : vector<16xi32>
      %gather3A_2204 = tpu.vector_load_idx %arg10[%add3A_2203] : memref<2432xf32, #tpu.memory_space<vmem>>[vector<16xi32>], vector<16xf32>,
      %mul3A_2205 = arith.mulf %mul3A_1452, %gather3A_2204 : vector<16xf32>
      %add3A_2206 = arith.addf %add3A_2200, %mul3A_2205 : vector<16xf32>
      %add3A_2207 = arith.constant 2166 : i32
      %add3A_2208 = vector.broadcast %add3A_2207 : i32 to vector<16xi32>
      %add3A_2209 = arith.addi %mul3A_808, %add3A_2208 : vector<16xi32>
      %gather3A_2210 = tpu.vector_load_idx %arg10[%add3A_2209] : memref<2432xf32, #tpu.memory_space<vmem>>[vector<16xi32>], vector<16xf32>,
      %mul3A_2211 = arith.mulf %mul3A_1560, %gather3A_2210 : vector<16xf32>
      %add3A_2212 = arith.addf %add3A_2206, %mul3A_2211 : vector<16xf32>
      %add3A_2213 = arith.constant 2167 : i32
      %add3A_2214 = vector.broadcast %add3A_2213 : i32 to vector<16xi32>
      %add3A_2215 = arith.addi %mul3A_808, %add3A_2214 : vector<16xi32>
      %gather3A_2216 = tpu.vector_load_idx %arg10[%add3A_2215] : memref<2432xf32, #tpu.memory_space<vmem>>[vector<16xi32>], vector<16xf32>,
      %mul3A_2217 = arith.mulf %mul3A_1668, %gather3A_2216 : vector<16xf32>
      %add3A_2218 = arith.addf %add3A_2212, %mul3A_2217 : vector<16xf32>
      %add3A_2219 = arith.constant 2168 : i32
      %add3A_2220 = vector.broadcast %add3A_2219 : i32 to vector<16xi32>
      %add3A_2221 = arith.addi %mul3A_808, %add3A_2220 : vector<16xi32>
      %gather3A_2222 = tpu.vector_load_idx %arg10[%add3A_2221] : memref<2432xf32, #tpu.memory_space<vmem>>[vector<16xi32>], vector<16xf32>,
      %mul3A_2223 = arith.mulf %mul3A_1776, %gather3A_2222 : vector<16xf32>
      %add3A_2224 = arith.addf %add3A_2218, %mul3A_2223 : vector<16xf32>
      %max3A = arith.maximumf %add3A_1832, %add3A_1888 : vector<16xf32>
      %max3A_2225 = arith.maximumf %max3A, %add3A_1944 : vector<16xf32>
      %max3A_2226 = arith.maximumf %max3A_2225, %add3A_2000 : vector<16xf32>
      %max3A_2227 = arith.maximumf %max3A_2226, %add3A_2056 : vector<16xf32>
      %max3A_2228 = arith.maximumf %max3A_2227, %add3A_2112 : vector<16xf32>
      %max3A_2229 = arith.maximumf %max3A_2228, %add3A_2168 : vector<16xf32>
      %max3A_2230 = arith.maximumf %max3A_2229, %add3A_2224 : vector<16xf32>
      %iota3A_2231 = tpu.iota {dimensions = array<i32: 0>} : vector<16xi32>
      %xor3A_2232 = arith.constant 1 : i32
      %xor3A_2233 = vector.broadcast %xor3A_2232 : i32 to vector<16xi32>
      %xor3A_2234 = arith.xori %iota3A_2231, %xor3A_2233 : vector<16xi32>
      %lt3A_2235 = arith.constant 0 : i32
      %lt3A_2236 = vector.broadcast %lt3A_2235 : i32 to vector<16xi32>
      %lt3A_2237 = arith.cmpi slt, %xor3A_2234, %lt3A_2236 : vector<16xi32>
      %add3A_2238 = arith.constant 16 : i32
      %add3A_2239 = vector.broadcast %add3A_2238 : i32 to vector<16xi32>
      %add3A_2240 = arith.addi %xor3A_2234, %add3A_2239 : vector<16xi32>
      %select_n3A_2241 = arith.select %lt3A_2237, %add3A_2240, %xor3A_2234 : vector<16xi1>, vector<16xi32>
      %broadcast_in_dim3A_2242 = vector.shape_cast %select_n3A_2241 : vector<16xi32> to vector<16x1xi32>
      %gather3A_2243 = vector.shape_cast %broadcast_in_dim3A_2242 : vector<16x1xi32> to vector<16xi32>
      %gather3A_2244 = tpu.dynamic_gather %max3A_2230[%gather3A_2243] in [0] : vector<16xf32>, vector<16xi32> -> vector<16xf32>
      %max3A_2245 = arith.maximumf %max3A_2230, %gather3A_2244 : vector<16xf32>
      %xor3A_2246 = arith.constant 2 : i32
      %xor3A_2247 = vector.broadcast %xor3A_2246 : i32 to vector<16xi32>
      %xor3A_2248 = arith.xori %iota3A_2231, %xor3A_2247 : vector<16xi32>
      %lt3A_2249 = arith.constant 0 : i32
      %lt3A_2250 = vector.broadcast %lt3A_2249 : i32 to vector<16xi32>
      %lt3A_2251 = arith.cmpi slt, %xor3A_2248, %lt3A_2250 : vector<16xi32>
      %add3A_2252 = arith.constant 16 : i32
      %add3A_2253 = vector.broadcast %add3A_2252 : i32 to vector<16xi32>
      %add3A_2254 = arith.addi %xor3A_2248, %add3A_2253 : vector<16xi32>
      %select_n3A_2255 = arith.select %lt3A_2251, %add3A_2254, %xor3A_2248 : vector<16xi1>, vector<16xi32>
      %broadcast_in_dim3A_2256 = vector.shape_cast %select_n3A_2255 : vector<16xi32> to vector<16x1xi32>
      %gather3A_2257 = vector.shape_cast %broadcast_in_dim3A_2256 : vector<16x1xi32> to vector<16xi32>
      %gather3A_2258 = tpu.dynamic_gather %max3A_2245[%gather3A_2257] in [0] : vector<16xf32>, vector<16xi32> -> vector<16xf32>
      %max3A_2259 = arith.maximumf %max3A_2245, %gather3A_2258 : vector<16xf32>
      %xor3A_2260 = arith.constant 4 : i32
      %xor3A_2261 = vector.broadcast %xor3A_2260 : i32 to vector<16xi32>
      %xor3A_2262 = arith.xori %iota3A_2231, %xor3A_2261 : vector<16xi32>
      %lt3A_2263 = arith.constant 0 : i32
      %lt3A_2264 = vector.broadcast %lt3A_2263 : i32 to vector<16xi32>
      %lt3A_2265 = arith.cmpi slt, %xor3A_2262, %lt3A_2264 : vector<16xi32>
      %add3A_2266 = arith.constant 16 : i32
      %add3A_2267 = vector.broadcast %add3A_2266 : i32 to vector<16xi32>
      %add3A_2268 = arith.addi %xor3A_2262, %add3A_2267 : vector<16xi32>
      %select_n3A_2269 = arith.select %lt3A_2265, %add3A_2268, %xor3A_2262 : vector<16xi1>, vector<16xi32>
      %broadcast_in_dim3A_2270 = vector.shape_cast %select_n3A_2269 : vector<16xi32> to vector<16x1xi32>
      %gather3A_2271 = vector.shape_cast %broadcast_in_dim3A_2270 : vector<16x1xi32> to vector<16xi32>
      %gather3A_2272 = tpu.dynamic_gather %max3A_2259[%gather3A_2271] in [0] : vector<16xf32>, vector<16xi32> -> vector<16xf32>
      %max3A_2273 = arith.maximumf %max3A_2259, %gather3A_2272 : vector<16xf32>
      %xor3A_2274 = arith.constant 8 : i32
      %xor3A_2275 = vector.broadcast %xor3A_2274 : i32 to vector<16xi32>
      %xor3A_2276 = arith.xori %iota3A_2231, %xor3A_2275 : vector<16xi32>
      %lt3A_2277 = arith.constant 0 : i32
      %lt3A_2278 = vector.broadcast %lt3A_2277 : i32 to vector<16xi32>
      %lt3A_2279 = arith.cmpi slt, %xor3A_2276, %lt3A_2278 : vector<16xi32>
      %add3A_2280 = arith.constant 16 : i32
      %add3A_2281 = vector.broadcast %add3A_2280 : i32 to vector<16xi32>
      %add3A_2282 = arith.addi %xor3A_2276, %add3A_2281 : vector<16xi32>
      %select_n3A_2283 = arith.select %lt3A_2279, %add3A_2282, %xor3A_2276 : vector<16xi1>, vector<16xi32>
      %broadcast_in_dim3A_2284 = vector.shape_cast %select_n3A_2283 : vector<16xi32> to vector<16x1xi32>
      %gather3A_2285 = vector.shape_cast %broadcast_in_dim3A_2284 : vector<16x1xi32> to vector<16xi32>
      %gather3A_2286 = tpu.dynamic_gather %max3A_2273[%gather3A_2285] in [0] : vector<16xf32>, vector<16xi32> -> vector<16xf32>
      %max3A_2287 = arith.maximumf %max3A_2273, %gather3A_2286 : vector<16xf32>
      %sub3A = arith.subf %add3A_1832, %max3A_2287 : vector<16xf32>
      %exp3A = math.exp %sub3A : vector<16xf32>
      %add3A_2288 = arith.addf %broadcast_in_dim3A_4, %exp3A : vector<16xf32>
      %sub3A_2289 = arith.subf %add3A_1888, %max3A_2287 : vector<16xf32>
      %exp3A_2290 = math.exp %sub3A_2289 : vector<16xf32>
      %add3A_2291 = arith.addf %add3A_2288, %exp3A_2290 : vector<16xf32>
      %sub3A_2292 = arith.subf %add3A_1944, %max3A_2287 : vector<16xf32>
      %exp3A_2293 = math.exp %sub3A_2292 : vector<16xf32>
      %add3A_2294 = arith.addf %add3A_2291, %exp3A_2293 : vector<16xf32>
      %sub3A_2295 = arith.subf %add3A_2000, %max3A_2287 : vector<16xf32>
      %exp3A_2296 = math.exp %sub3A_2295 : vector<16xf32>
      %add3A_2297 = arith.addf %add3A_2294, %exp3A_2296 : vector<16xf32>
      %sub3A_2298 = arith.subf %add3A_2056, %max3A_2287 : vector<16xf32>
      %exp3A_2299 = math.exp %sub3A_2298 : vector<16xf32>
      %add3A_2300 = arith.addf %add3A_2297, %exp3A_2299 : vector<16xf32>
      %sub3A_2301 = arith.subf %add3A_2112, %max3A_2287 : vector<16xf32>
      %exp3A_2302 = math.exp %sub3A_2301 : vector<16xf32>
      %add3A_2303 = arith.addf %add3A_2300, %exp3A_2302 : vector<16xf32>
      %sub3A_2304 = arith.subf %add3A_2168, %max3A_2287 : vector<16xf32>
      %exp3A_2305 = math.exp %sub3A_2304 : vector<16xf32>
      %add3A_2306 = arith.addf %add3A_2303, %exp3A_2305 : vector<16xf32>
      %sub3A_2307 = arith.subf %add3A_2224, %max3A_2287 : vector<16xf32>
      %exp3A_2308 = math.exp %sub3A_2307 : vector<16xf32>
      %add3A_2309 = arith.addf %add3A_2306, %exp3A_2308 : vector<16xf32>
      %iota3A_2310 = tpu.iota {dimensions = array<i32: 0>} : vector<16xi32>
      %xor3A_2311 = arith.constant 1 : i32
      %xor3A_2312 = vector.broadcast %xor3A_2311 : i32 to vector<16xi32>
      %xor3A_2313 = arith.xori %iota3A_2310, %xor3A_2312 : vector<16xi32>
      %lt3A_2314 = arith.constant 0 : i32
      %lt3A_2315 = vector.broadcast %lt3A_2314 : i32 to vector<16xi32>
      %lt3A_2316 = arith.cmpi slt, %xor3A_2313, %lt3A_2315 : vector<16xi32>
      %add3A_2317 = arith.constant 16 : i32
      %add3A_2318 = vector.broadcast %add3A_2317 : i32 to vector<16xi32>
      %add3A_2319 = arith.addi %xor3A_2313, %add3A_2318 : vector<16xi32>
      %select_n3A_2320 = arith.select %lt3A_2316, %add3A_2319, %xor3A_2313 : vector<16xi1>, vector<16xi32>
      %broadcast_in_dim3A_2321 = vector.shape_cast %select_n3A_2320 : vector<16xi32> to vector<16x1xi32>
      %gather3A_2322 = vector.shape_cast %broadcast_in_dim3A_2321 : vector<16x1xi32> to vector<16xi32>
      %gather3A_2323 = tpu.dynamic_gather %add3A_2309[%gather3A_2322] in [0] : vector<16xf32>, vector<16xi32> -> vector<16xf32>
      %add3A_2324 = arith.addf %add3A_2309, %gather3A_2323 : vector<16xf32>
      %xor3A_2325 = arith.constant 2 : i32
      %xor3A_2326 = vector.broadcast %xor3A_2325 : i32 to vector<16xi32>
      %xor3A_2327 = arith.xori %iota3A_2310, %xor3A_2326 : vector<16xi32>
      %lt3A_2328 = arith.constant 0 : i32
      %lt3A_2329 = vector.broadcast %lt3A_2328 : i32 to vector<16xi32>
      %lt3A_2330 = arith.cmpi slt, %xor3A_2327, %lt3A_2329 : vector<16xi32>
      %add3A_2331 = arith.constant 16 : i32
      %add3A_2332 = vector.broadcast %add3A_2331 : i32 to vector<16xi32>
      %add3A_2333 = arith.addi %xor3A_2327, %add3A_2332 : vector<16xi32>
      %select_n3A_2334 = arith.select %lt3A_2330, %add3A_2333, %xor3A_2327 : vector<16xi1>, vector<16xi32>
      %broadcast_in_dim3A_2335 = vector.shape_cast %select_n3A_2334 : vector<16xi32> to vector<16x1xi32>
      %gather3A_2336 = vector.shape_cast %broadcast_in_dim3A_2335 : vector<16x1xi32> to vector<16xi32>
      %gather3A_2337 = tpu.dynamic_gather %add3A_2324[%gather3A_2336] in [0] : vector<16xf32>, vector<16xi32> -> vector<16xf32>
      %add3A_2338 = arith.addf %add3A_2324, %gather3A_2337 : vector<16xf32>
      %xor3A_2339 = arith.constant 4 : i32
      %xor3A_2340 = vector.broadcast %xor3A_2339 : i32 to vector<16xi32>
      %xor3A_2341 = arith.xori %iota3A_2310, %xor3A_2340 : vector<16xi32>
      %lt3A_2342 = arith.constant 0 : i32
      %lt3A_2343 = vector.broadcast %lt3A_2342 : i32 to vector<16xi32>
      %lt3A_2344 = arith.cmpi slt, %xor3A_2341, %lt3A_2343 : vector<16xi32>
      %add3A_2345 = arith.constant 16 : i32
      %add3A_2346 = vector.broadcast %add3A_2345 : i32 to vector<16xi32>
      %add3A_2347 = arith.addi %xor3A_2341, %add3A_2346 : vector<16xi32>
      %select_n3A_2348 = arith.select %lt3A_2344, %add3A_2347, %xor3A_2341 : vector<16xi1>, vector<16xi32>
      %broadcast_in_dim3A_2349 = vector.shape_cast %select_n3A_2348 : vector<16xi32> to vector<16x1xi32>
      %gather3A_2350 = vector.shape_cast %broadcast_in_dim3A_2349 : vector<16x1xi32> to vector<16xi32>
      %gather3A_2351 = tpu.dynamic_gather %add3A_2338[%gather3A_2350] in [0] : vector<16xf32>, vector<16xi32> -> vector<16xf32>
      %add3A_2352 = arith.addf %add3A_2338, %gather3A_2351 : vector<16xf32>
      %xor3A_2353 = arith.constant 8 : i32
      %xor3A_2354 = vector.broadcast %xor3A_2353 : i32 to vector<16xi32>
      %xor3A_2355 = arith.xori %iota3A_2310, %xor3A_2354 : vector<16xi32>
      %lt3A_2356 = arith.constant 0 : i32
      %lt3A_2357 = vector.broadcast %lt3A_2356 : i32 to vector<16xi32>
      %lt3A_2358 = arith.cmpi slt, %xor3A_2355, %lt3A_2357 : vector<16xi32>
      %add3A_2359 = arith.constant 16 : i32
      %add3A_2360 = vector.broadcast %add3A_2359 : i32 to vector<16xi32>
      %add3A_2361 = arith.addi %xor3A_2355, %add3A_2360 : vector<16xi32>
      %select_n3A_2362 = arith.select %lt3A_2358, %add3A_2361, %xor3A_2355 : vector<16xi1>, vector<16xi32>
      %broadcast_in_dim3A_2363 = vector.shape_cast %select_n3A_2362 : vector<16xi32> to vector<16x1xi32>
      %gather3A_2364 = vector.shape_cast %broadcast_in_dim3A_2363 : vector<16x1xi32> to vector<16xi32>
      %gather3A_2365 = tpu.dynamic_gather %add3A_2352[%gather3A_2364] in [0] : vector<16xf32>, vector<16xi32> -> vector<16xf32>
      %add3A_2366 = arith.addf %add3A_2352, %gather3A_2365 : vector<16xf32>
      %bitcast_convert_type3A = tpu.bitcast %add3A_2366 : vector<16xf32> -> vector<16xi32>
      %shift_right_arithmetic3A = arith.constant 23 : i32
      %shift_right_arithmetic3A_2367 = vector.broadcast %shift_right_arithmetic3A : i32 to vector<16xi32>
      %shift_right_arithmetic3A_2368 = arith.shrsi %bitcast_convert_type3A, %shift_right_arithmetic3A_2367 : vector<16xi32>
      %and3A = arith.constant 255 : i32
      %and3A_2369 = vector.broadcast %and3A : i32 to vector<16xi32>
      %and3A_2370 = arith.andi %shift_right_arithmetic3A_2368, %and3A_2369 : vector<16xi32>
      %sub3A_2371 = arith.constant 127 : i32
      %sub3A_2372 = vector.broadcast %sub3A_2371 : i32 to vector<16xi32>
      %sub3A_2373 = arith.subi %and3A_2370, %sub3A_2372 : vector<16xi32>
      %and3A_2374 = arith.constant 8388607 : i32
      %and3A_2375 = vector.broadcast %and3A_2374 : i32 to vector<16xi32>
      %and3A_2376 = arith.andi %bitcast_convert_type3A, %and3A_2375 : vector<16xi32>
      %or3A = arith.constant 1065353216 : i32
      %or3A_2377 = vector.broadcast %or3A : i32 to vector<16xi32>
      %or3A_2378 = arith.ori %and3A_2376, %or3A_2377 : vector<16xi32>
      %bitcast_convert_type3A_2379 = tpu.bitcast %or3A_2378 : vector<16xi32> -> vector<16xf32>
      %sub3A_2380 = arith.constant 1.000000e+00 : f32
      %sub3A_2381 = vector.broadcast %sub3A_2380 : f32 to vector<16xf32>
      %sub3A_2382 = arith.subf %bitcast_convert_type3A_2379, %sub3A_2381 : vector<16xf32>
      %convert_element_type3A_2383 = arith.sitofp %sub3A_2373 : vector<16xi32> to vector<16xf32>
      %mul3A_2384 = arith.constant 0.693147182 : f32
      %mul3A_2385 = vector.broadcast %mul3A_2384 : f32 to vector<16xf32>
      %mul3A_2386 = arith.mulf %convert_element_type3A_2383, %mul3A_2385 : vector<16xf32>
      %mul3A_2387 = arith.constant 0.333333343 : f32
      %mul3A_2388 = vector.broadcast %mul3A_2387 : f32 to vector<16xf32>
      %mul3A_2389 = arith.mulf %sub3A_2382, %mul3A_2388 : vector<16xf32>
      %sub3A_2390 = arith.constant 5.000000e-01 : f32
      %sub3A_2391 = vector.broadcast %sub3A_2390 : f32 to vector<16xf32>
      %sub3A_2392 = arith.subf %sub3A_2391, %mul3A_2389 : vector<16xf32>
      %mul3A_2393 = arith.mulf %sub3A_2382, %sub3A_2392 : vector<16xf32>
      %sub3A_2394 = arith.constant 1.000000e+00 : f32
      %sub3A_2395 = vector.broadcast %sub3A_2394 : f32 to vector<16xf32>
      %sub3A_2396 = arith.subf %sub3A_2395, %mul3A_2393 : vector<16xf32>
      %mul3A_2397 = arith.mulf %sub3A_2382, %sub3A_2396 : vector<16xf32>
      %add3A_2398 = arith.addf %mul3A_2386, %mul3A_2397 : vector<16xf32>
      %sub3A_2399 = arith.constant 1.000000e+00 : f32
      %sub3A_2400 = vector.broadcast %sub3A_2399 : f32 to vector<16xf32>
      %sub3A_2401 = arith.subf %add3A_2398, %sub3A_2400 : vector<16xf32>
      %neg3A = arith.constant 0.000000e+00 : f32
      %neg3A_2402 = vector.broadcast %neg3A : f32 to vector<16xf32>
      %neg3A_2403 = arith.subf %neg3A_2402, %add3A_2398 : vector<16xf32>
      %exp3A_2404 = math.exp %neg3A_2403 : vector<16xf32>
      %mul3A_2405 = arith.mulf %add3A_2366, %exp3A_2404 : vector<16xf32>
      %add3A_2406 = arith.addf %sub3A_2401, %mul3A_2405 : vector<16xf32>
      %sub3A_2407 = arith.constant 1.000000e+00 : f32
      %sub3A_2408 = vector.broadcast %sub3A_2407 : f32 to vector<16xf32>
      %sub3A_2409 = arith.subf %add3A_2406, %sub3A_2408 : vector<16xf32>
      %neg3A_2410 = arith.constant 0.000000e+00 : f32
      %neg3A_2411 = vector.broadcast %neg3A_2410 : f32 to vector<16xf32>
      %neg3A_2412 = arith.subf %neg3A_2411, %add3A_2406 : vector<16xf32>
      %exp3A_2413 = math.exp %neg3A_2412 : vector<16xf32>
      %mul3A_2414 = arith.mulf %add3A_2366, %exp3A_2413 : vector<16xf32>
      %add3A_2415 = arith.addf %sub3A_2409, %mul3A_2414 : vector<16xf32>
      %sub3A_2416 = arith.constant 1.000000e+00 : f32
      %sub3A_2417 = vector.broadcast %sub3A_2416 : f32 to vector<16xf32>
      %sub3A_2418 = arith.subf %add3A_2415, %sub3A_2417 : vector<16xf32>
      %neg3A_2419 = arith.constant 0.000000e+00 : f32
      %neg3A_2420 = vector.broadcast %neg3A_2419 : f32 to vector<16xf32>
      %neg3A_2421 = arith.subf %neg3A_2420, %add3A_2415 : vector<16xf32>
      %exp3A_2422 = math.exp %neg3A_2421 : vector<16xf32>
      %mul3A_2423 = arith.mulf %add3A_2366, %exp3A_2422 : vector<16xf32>
      %add3A_2424 = arith.addf %sub3A_2418, %mul3A_2423 : vector<16xf32>
      %sub3A_2425 = arith.subf %add3A_1832, %max3A_2287 : vector<16xf32>
      %sub3A_2426 = arith.subf %sub3A_2425, %add3A_2424 : vector<16xf32>
      %swap3A_2427 = arith.constant 0 : index
      %swap3A_2428 = tpu.vector_load %arg11[%swap3A_2427] {strides = array<i32>} : memref<128xf32, #tpu.memory_space<vmem>>, vector<16xf32>,
      tpu.vector_store %arg11[%swap3A_2427], %sub3A_2426 {strides = array<i32>} : memref<128xf32, #tpu.memory_space<vmem>>, vector<16xf32>,
      %sub3A_2429 = arith.subf %add3A_1888, %max3A_2287 : vector<16xf32>
      %sub3A_2430 = arith.subf %sub3A_2429, %add3A_2424 : vector<16xf32>
      %swap3A_2431 = arith.constant 16 : index
      %swap3A_2432 = tpu.vector_load %arg11[%swap3A_2431] {strides = array<i32>} : memref<128xf32, #tpu.memory_space<vmem>>, vector<16xf32>,
      tpu.vector_store %arg11[%swap3A_2431], %sub3A_2430 {strides = array<i32>} : memref<128xf32, #tpu.memory_space<vmem>>, vector<16xf32>,
      %sub3A_2433 = arith.subf %add3A_1944, %max3A_2287 : vector<16xf32>
      %sub3A_2434 = arith.subf %sub3A_2433, %add3A_2424 : vector<16xf32>
      %swap3A_2435 = arith.constant 32 : index
      %swap3A_2436 = tpu.vector_load %arg11[%swap3A_2435] {strides = array<i32>} : memref<128xf32, #tpu.memory_space<vmem>>, vector<16xf32>,
      tpu.vector_store %arg11[%swap3A_2435], %sub3A_2434 {strides = array<i32>} : memref<128xf32, #tpu.memory_space<vmem>>, vector<16xf32>,
      %sub3A_2437 = arith.subf %add3A_2000, %max3A_2287 : vector<16xf32>
      %sub3A_2438 = arith.subf %sub3A_2437, %add3A_2424 : vector<16xf32>
      %swap3A_2439 = arith.constant 48 : index
      %swap3A_2440 = tpu.vector_load %arg11[%swap3A_2439] {strides = array<i32>} : memref<128xf32, #tpu.memory_space<vmem>>, vector<16xf32>,
      tpu.vector_store %arg11[%swap3A_2439], %sub3A_2438 {strides = array<i32>} : memref<128xf32, #tpu.memory_space<vmem>>, vector<16xf32>,
      %sub3A_2441 = arith.subf %add3A_2056, %max3A_2287 : vector<16xf32>
      %sub3A_2442 = arith.subf %sub3A_2441, %add3A_2424 : vector<16xf32>
      %swap3A_2443 = arith.constant 64 : index
      %swap3A_2444 = tpu.vector_load %arg11[%swap3A_2443] {strides = array<i32>} : memref<128xf32, #tpu.memory_space<vmem>>, vector<16xf32>,
      tpu.vector_store %arg11[%swap3A_2443], %sub3A_2442 {strides = array<i32>} : memref<128xf32, #tpu.memory_space<vmem>>, vector<16xf32>,
      %sub3A_2445 = arith.subf %add3A_2112, %max3A_2287 : vector<16xf32>
      %sub3A_2446 = arith.subf %sub3A_2445, %add3A_2424 : vector<16xf32>
      %swap3A_2447 = arith.constant 80 : index
      %swap3A_2448 = tpu.vector_load %arg11[%swap3A_2447] {strides = array<i32>} : memref<128xf32, #tpu.memory_space<vmem>>, vector<16xf32>,
      tpu.vector_store %arg11[%swap3A_2447], %sub3A_2446 {strides = array<i32>} : memref<128xf32, #tpu.memory_space<vmem>>, vector<16xf32>,
      %sub3A_2449 = arith.subf %add3A_2168, %max3A_2287 : vector<16xf32>
      %sub3A_2450 = arith.subf %sub3A_2449, %add3A_2424 : vector<16xf32>
      %swap3A_2451 = arith.constant 96 : index
      %swap3A_2452 = tpu.vector_load %arg11[%swap3A_2451] {strides = array<i32>} : memref<128xf32, #tpu.memory_space<vmem>>, vector<16xf32>,
      tpu.vector_store %arg11[%swap3A_2451], %sub3A_2450 {strides = array<i32>} : memref<128xf32, #tpu.memory_space<vmem>>, vector<16xf32>,
      %sub3A_2453 = arith.subf %add3A_2224, %max3A_2287 : vector<16xf32>
      %sub3A_2454 = arith.subf %sub3A_2453, %add3A_2424 : vector<16xf32>
      %swap3A_2455 = arith.constant 112 : index
      %swap3A_2456 = tpu.vector_load %arg11[%swap3A_2455] {strides = array<i32>} : memref<128xf32, #tpu.memory_space<vmem>>, vector<16xf32>,
      tpu.vector_store %arg11[%swap3A_2455], %sub3A_2454 {strides = array<i32>} : memref<128xf32, #tpu.memory_space<vmem>>, vector<16xf32>,
      %run_scoped3A = arith.constant 0 : i32
      "tpu.region"() ({
        %run_scoped3A_2457 = tpu.sem_alloc : memref<!tpu.dma_semaphore, #tpu.memory_space<semaphore_mem>>
        %dma_start3A_2458 = arith.constant 0 : i32
        %dma_start3A_2459 = tpu.memref_slice %arg6[%run_scoped3A, %dma_start3A_2458] : memref<1x128xf32, #tpu.memory_space<hbm>> -> memref<1x128xf32, #tpu.memory_space<hbm>>
        %dma_start3A_2460 = tpu.memref_squeeze %dma_start3A_2459 : memref<1x128xf32, #tpu.memory_space<hbm>> -> memref<128xf32, #tpu.memory_space<hbm>>
        %dma_start3A_2461 = arith.constant 0 : i32
        %dma_start3A_2462 = tpu.memref_slice %arg6[%run_scoped3A, %dma_start3A_2461] : memref<1x128xf32, #tpu.memory_space<hbm>> -> memref<1x128xf32, #tpu.memory_space<hbm>>
        %dma_start3A_2463 = tpu.memref_squeeze %dma_start3A_2462 : memref<1x128xf32, #tpu.memory_space<hbm>> -> memref<128xf32, #tpu.memory_space<hbm>>
        tpu.enqueue_dma source(%arg11 : memref<128xf32, #tpu.memory_space<vmem>>) target(%dma_start3A_2463 : memref<128xf32, #tpu.memory_space<hbm>>) target_semaphore(%run_scoped3A_2457 : memref<!tpu.dma_semaphore, #tpu.memory_space<semaphore_mem>>)
        %dma_wait3A_2464 = arith.constant 0 : i32
        %dma_wait3A_2465 = tpu.memref_slice %arg6[%run_scoped3A, %dma_wait3A_2464] : memref<1x128xf32, #tpu.memory_space<hbm>> -> memref<1x128xf32, #tpu.memory_space<hbm>>
        %dma_wait3A_2466 = tpu.memref_squeeze %dma_wait3A_2465 : memref<1x128xf32, #tpu.memory_space<hbm>> -> memref<128xf32, #tpu.memory_space<hbm>>
        %dma_wait3A_2467 = arith.constant 0 : i32
        %dma_wait3A_2468 = tpu.memref_slice %arg6[%run_scoped3A, %dma_wait3A_2467] : memref<1x128xf32, #tpu.memory_space<hbm>> -> memref<1x128xf32, #tpu.memory_space<hbm>>
        %dma_wait3A_2469 = tpu.memref_squeeze %dma_wait3A_2468 : memref<1x128xf32, #tpu.memory_space<hbm>> -> memref<128xf32, #tpu.memory_space<hbm>>
        tpu.wait_dma2 semaphore(%run_scoped3A_2457 : memref<!tpu.dma_semaphore, #tpu.memory_space<semaphore_mem>>) src(%arg11 : memref<128xf32, #tpu.memory_space<vmem>>) dst(%dma_wait3A_2469 : memref<128xf32, #tpu.memory_space<hbm>>)
        tpu.yield
      }) : () -> ()
    } else {
    }
    return
  }
}

</mosaic_0001>

<sc_bundles>
// kernel: _crow.3.cloned.1.call-start
scs
__scs_entry_jumppad:
0x0: {  	(pc) =	sbr.rel $0x88, $3  }
0x1: {  	(tag) =	ssettag $0x0;
	lr =	simm.s32 $0x1  }
0x2: {  	[smem:$0x3F9D] =	sst lr;
	_ =	strace $0xD0000000  }
0x3: {  	_ = 	snop  }
0x4: {  	_ = 	snop  }
0x5: {  	_ = 	snop  }
0x6: {  	_ = 	snop  }
0x7: {  	_ = 	snop  }
__scs_overlays_trampoline_lowered:
0x8: {  	[smem:$0x3FAC] =	sst s0  }
0x9: {  	[smem:$0x3FAD] =	sst s1  }
0xa: {  	[smem:$0x3FAE] =	sst s2  }
0xb: {  	[smem:$0x3FAF] =	sst s3  }
0xc: {  	[smem:$0x3FB0] =	sst s4  }
0xd: {  	[smem:$0x3FB1] =	sst s5  }
0xe: {  	[smem:$0x3FB2] =	sst s6  }
0xf: {  	[smem:$0x3FB3] =	sst s7  }
0x10: {  	[smem:$0x3FB4] =	sst s8  }
0x11: {  	[smem:$0x3FB5] =	sst s9;
	s0 =	simm.s32 @!p0 $0x0  }
0x12: {  	s1 =	sld [smem:$0x3F9B];
	s0 =	simm.s32 @p0 $0x1  }
0x13: {  	[smem:$0x3FB6] =	sst s0;
	s0 =	simm.s32 @!p1 $0x0  }
0x14: {  	s2 =	sld [smem:$0x3F9A];
	s0 =	simm.s32 @p1 $0x1  }
0x15: {  	[smem:$0x3FB7] =	sst s0;
	s0 =	simm.s32 @!p2 $0x0  }
0x16: {  	s3 =	sld [smem:$0x3FDB];
	s0 =	simm.s32 @p2 $0x1  }
0x17: {  	s4 =	simm.s32 $0x1BF5;
	[smem:$0x3FB9] =	sst s0  }
0x18: {  	s0 =	sld [smem:$0x3F9C];
	_ =	swait.ge [sflag:s4], $0x0  }
0x19: {  	s7 =	sld [smem:$0x3F9D]  }
0x1a: {  	s8 =	sadd.s32 $0xFFFFE003, lr  }
0x1b: {  	s9 =	sadd.s32 $0xFFFFFEF7, lr;
	s5 =	simm.s32 $0xFFFFFFFF;
	p2 =	slt.u32 s8, $0xFFFFF086  }
0x1c: {  	p1 =	slt.u32 s9, $0xF7A;
	s5 =	simm.s32 @!p2 $0x0  }
0x1d: {  	s5 =	simm.s32 @p1 $0x1;
	p0 =	seq.s32 s7, s2  }
0x1e: {  	s7 =	smul.u32 @!p0 $0xF7A, s2;
	p2 =	seq.s32 @!p0 s5, $0x0  }
0x1f: {  	s9 =	smul.u32 $0xF7A, s1;
	s8 =	simm.s32 @!p0 $0x1BF5;
	p2 =	por !p2, p0  }
0x20: {  	[sflag:s8] =	ssyncset.s32 @!p0 $0xFFFFF086;
	s6 =	sadd.s32 @!p0 s3, s7;
	s7 =	simm.s32 @!p0 $0x108  }
0x21: {  	s3 =	sadd.s32 s3, s9;
	s6 =	sadd.s32 @!p0 $0x88, s6;
	s7 =	simm.s32 @p2 $0x1082  }
0x22: {  	[simem:s7], [sflag:s8] =	dma.local @!p0 [hbm:s6], $0xF7A  }
0x23: {  	s9 =	sor.u32 $0xD0000000, s2;
	s6 =	simm.s32 $0x108;
	_ =	swait.ge @!p0 [sflag:s8], $0x0  }
0x24: {  	s3 =	sadd.s32 $0x88, s3;
	s6 =	simm.s32 @!p1 $0x1082;
	[sflag:s4] =	ssyncset.s32 $0xFFFFF086  }
0x25: {  	[simem:s6], [sflag:s4] =	dma.local [hbm:s3], $0xF7A  }
0x26: {  	[smem:$0x3F9D] =	sst s1;
	(tag) =	ssettag s2;
	_ =	strace s9  }
0x27: {  	s1 =	sld [smem:$0x3FAD]  }
0x28: {  	s2 =	sld [smem:$0x3FAE]  }
0x29: {  	s4 =	sld [smem:$0x3FB0]  }
0x2a: {  	p0 =	seq.s32 s5, $0x0;
	s5 =	sld [smem:$0x3FB1]  }
0x2b: {  	s6 =	sld [smem:$0x3FB2]  }
0x2c: {  	s7 =	sld [smem:$0x3FB3]  }
0x2d: {  	s3 =	simm.s32 $0x108;
	s8 =	sld [smem:$0x3FB4]  }
0x2e: {  	s3 =	simm.s32 @!p0 $0x1082;
	s9 =	sld [smem:$0x3FB5]  }
0x2f: {  	lr =	sadd.s32 s0, s3;
	s0 =	sld [smem:$0x3FAC]  }
0x30: {  	s3 =	sld [smem:$0x3FAF]  }
0x31: {  	[smem:$0x3FB8] =	sst s10  }
0x32: {  	s10 =	sld [smem:$0x3FB6];
	_ =	sdelay $0x3  }
0x33: {  	p0 =	seq.s32 s10, $0x1;
	s10 =	sld [smem:$0x3FB8];
	_ =	sdelay $0x3  }
0x34: {  	[smem:$0x3FB8] =	sst s10  }
0x35: {  	s10 =	sld [smem:$0x3FB7];
	_ =	sdelay $0x3  }
0x36: {  	p1 =	seq.s32 s10, $0x1;
	s10 =	sld [smem:$0x3FB8];
	_ =	sdelay $0x3  }
0x37: {  	[smem:$0x3FB8] =	sst s10  }
0x38: {  	s10 =	sld [smem:$0x3FB9]  }
0x39: {  	_ = 	snop;
	(pc) =	sbr.ind lr, $3  }
0x3a: {  	_ = 	snop  }
0x3b: {  	_ = 	snop  }
0x3c: {  	p2 =	seq.s32 s10, $0x1;
	s10 =	sld [smem:$0x3FB8]  }
0x3d: {  	_ =	shalt  }
0x3e: {  	_ =	shalt  }
0x3f: {  	_ =	shalt  }
0x40: {  	_ =	shalt  }
0x41: {  	_ =	shalt  }
0x42: {  	_ =	shalt  }
0x43: {  	_ =	shalt  }
0x44: {  	_ =	shalt  }
0x45: {  	_ =	shalt  }
0x46: {  	_ =	shalt  }
0x47: {  	_ =	shalt  }
0x48: {  	_ =	shalt  }
0x49: {  	_ =	shalt  }
0x4a: {  	_ =	shalt  }
0x4b: {  	_ =	shalt  }
0x4c: {  	_ =	shalt  }
0x4d: {  	_ =	shalt  }
0x4e: {  	_ =	shalt  }
0x4f: {  	_ =	shalt  }
0x50: {  	_ =	shalt  }
0x51: {  	_ =	shalt  }
0x52: {  	_ =	shalt  }
0x53: {  	_ =	shalt  }
0x54: {  	_ =	shalt  }
0x55: {  	_ =	shalt  }
0x56: {  	_ =	shalt  }
0x57: {  	_ =	shalt  }
0x58: {  	_ =	shalt  }
0x59: {  	_ =	shalt  }
0x5a: {  	_ =	shalt  }
0x5b: {  	_ =	shalt  }
0x5c: {  	_ =	shalt  }
0x5d: {  	_ =	shalt  }
0x5e: {  	_ =	shalt  }
0x5f: {  	_ =	shalt  }
0x60: {  	_ =	shalt  }
0x61: {  	_ =	shalt  }
0x62: {  	_ =	shalt  }
0x63: {  	_ =	shalt  }
0x64: {  	_ =	shalt  }
0x65: {  	_ =	shalt  }
0x66: {  	_ =	shalt  }
0x67: {  	_ =	shalt  }
0x68: {  	_ =	shalt  }
0x69: {  	_ =	shalt  }
0x6a: {  	_ =	shalt  }
0x6b: {  	_ =	shalt  }
0x6c: {  	_ =	shalt  }
0x6d: {  	_ =	shalt  }
0x6e: {  	_ =	shalt  }
0x6f: {  	_ =	shalt  }
0x70: {  	_ =	shalt  }
0x71: {  	_ =	shalt  }
0x72: {  	_ =	shalt  }
0x73: {  	_ =	shalt  }
0x74: {  	_ =	shalt  }
0x75: {  	_ =	shalt  }
0x76: {  	_ =	shalt  }
0x77: {  	_ =	shalt  }
0x78: {  	_ =	shalt  }
0x79: {  	_ =	shalt  }
0x7a: {  	_ =	shalt  }
0x7b: {  	_ =	shalt  }
0x7c: {  	_ =	shalt  }
0x7d: {  	_ =	shalt  }
0x7e: {  	_ =	shalt  }
0x7f: {  	_ =	shalt  }
0x80: {  	_ =	shalt  }
0x81: {  	_ =	shalt  }
0x82: {  	_ =	shalt  }
0x83: {  	_ =	shalt  }
0x84: {  	_ =	shalt  }
0x85: {  	_ =	shalt  }
0x86: {  	_ =	shalt  }
0x87: {  	_ =	shalt  }
.Lfunc_end0:
.L_simem_size_0:
called_computation_lowered:
.L_overlay_start_0:
0x88: {  	s0 =	sld [smem:$0x3FD9]  }
0x89: {  	s1 =	sld [smem:$0x3FFE];
	_ =	sdelay $0x3  }
0x8a: {  	s0 =	sadd.s32 s1, s0  }
0x8b: {  	[smem:$0x3FC4] =	sst s0  }
0x8c: {  	_ = 	snop  }
0x8d: {  	s0 =	sld [smem:$0x3FC9]  }
0x8e: {  	s17 =	sld [smem:$0x3FC8]  }
0x8f: {  	s2 =	sld [smem:$0x3FC7]  }
0x90: {  	s3 =	sld [smem:$0x3FC6]  }
0x91: {  	s4 =	sld [smem:$0x3FD0];
	(tm) =	ssettm $0x1  }
0x92: {  	s5 =	sld [smem:$0x3FFB];
	_ =	sdelay $0x3  }
0x93: {  	_ =	strace s5  }
0x94: {  	s5 =	sld [smem:$0x3FFC];
	_ =	sdelay $0x3  }
0x95: {  	_ =	strace s5  }
0x96: {  	s5 =	sld [smem:$0x3FFD];
	_ =	sdelay $0x3  }
0x97: {  	_ =	strace s5  }
0x98: {  	_ =	strace $0x8FFFFFFF  }
0x99: {  	s18 =	sld [smem:$0x3FDB];
	_ =	sdelay $0x1  }
0x9a: {  	s6 =	simm.s32 $_scs_section_size  }
0x9b: {  	s7 =	simm.s32 $_size__tile_overlayer_lowered;
	s8 =	simm.s32 $_tile_overlayer_lowered  }
0x9c: {  	s21 =	simm.s32 $0x1BFF;
	s20 =	sshll.u32 s8, $0x1;
	s5 =	sadd.s32 s6, s18  }
0x9d: {  	s9 =	simm.s32 $0x0;
	s19 =	sshll.u32 s7, $0x1;
	s7 =	sadd.s32 s20, s5  }
0x9e: {  	[timem:s9], [sflag:s21] =	dma.local [hbm:s7], s19  }
0x9f: {  	_ =	swait.ge [sflag:s21], s19  }
0xa0: {  	s6 =	ssub.s32 $0x0, s19;
	[sflag:s21] =	ssyncset.done $0x0  }
0xa1: {  	[sflag:s21] =	ssyncadd.s32 s6;
	_ =	sdelay $0x1  }
0xa2: {  	s22 =	simm.s32 $0x1B8B  }
0xa3: {  	_ =	swait.ge [sflag:s22], $0x1  }
0xa4: {  	[sflag:s22] =	ssyncset.done $0x0  }
0xa5: {  	s23 =	simm.s32 $0x1B8E;
	[sflag:s22] =	ssyncadd.s32 $0xFFFFFFFF  }
0xa6: {  	s24 =	simm.s32 $execute0_lowered;
	[smem:$0x3FD2] =	sst s23  }
0xa7: {  	s6 =	sshll.u32 s24, $0x1;
	_ =	strace $0x80000046;
	[dreg:$0x1] =	wrdreg $0xFFFFFFFF  }
0xa8: {  	s25 =	simm.s32 $_size_execute0_lowered;
	s5 =	sadd.s32 s5, s6;
	[dreg:$0x0] =	wrdreg $0x0  }
0xa9: {  	s6 =	sshll.u32 s25, $0x1;
	[dreg:$0x2] =	wrdreg s5  }
0xaa: {  	[dreg:$0x3] =	wrdreg s6  }
0xab: {  	[dreg:$0x4] =	wrdreg $0xC0  }
0xac: {  	_ =	task [dreg:s9], $0x5FFFF  }
0xad: {  	[dreg:$0x1] =	wrdreg $0xFFFFFFFF  }
0xae: {  	[dreg:$0x0] =	wrdreg $0x60  }
0xaf: {  	[dreg:$0x2] =	wrdreg s0  }
0xb0: {  	[dreg:$0x3] =	wrdreg s17  }
0xb1: {  	[dreg:$0x4] =	wrdreg s2  }
0xb2: {  	[dreg:$0x5] =	wrdreg s3  }
0xb3: {  	[dreg:$0x6] =	wrdreg s4  }
0xb4: {  	[dreg:$0x7] =	wrdreg $0x16800  }
0xb5: {  	[dreg:$0x8] =	wrdreg $0x9  }
0xb6: {  	_ =	task.clear_ibuf [dreg:s9], $0x9FFFF;
	_ =	strace $0x90000046  }
0xb7: {  	s26 =	simm.s32 $0x9;
	_ =	strace $0x80000048  }
0xb8: {  	_ =	swait.ge [sflag:s26], $0x1  }
0xb9: {  	[sflag:s26] =	ssyncadd.s32 $0xFFFFFFFF  }
0xba: {  	_ =	strace $0x90000048  }
0xbb: {  	_ =	sfence  }
0xbc: {  	s28 =	sld [smem:$0x0];
	_ =	sdelay $0x1  }
0xbd: {  	s29 =	srdreg.scid  }
0xbe: {  	s30 =	sshll.u32 s29, $0xD;
	s31 =	sshrl.u32 s29, $0x2  }
0xbf: {  	s1 =	sand.u32 $0x1, s29;
	s2 =	sand.u32 $0x4000, s30;
	s0 =	sadd.s32 s31, s28  }
0xc0: {  	s1 =	sor.u32 s2, s1;
	s0 =	sshll.u32 s0, $0x11  }
0xc1: {  	s0 =	sor.u32 s0, s1  }
0xc2: {  	s0 =	sadd.s32 $0x8F2B, s0  }
0xc3: {  	[sflag:s0] =	ssyncadd.remote.s32 $0x1  }
0xc4: {  	_ =	sfence.sel $0xFFFF  }
0xc5: {  	[dreg:$0x0] =	wrdreg $0xFFFFFFFF;
	(pc) =	sbr.abs _section_cstart, $3  }
0xc6: {  	[dreg:$0x1] =	wrdreg $0xFFFFFFFF  }
0xc7: {  	_ =	task.clear_ibuf [dreg:s9], $0x2FFFF;
	_ =	strace $0x9FFFFFFF  }
0xc8: {  	(tm) =	ssettm $0x7FFFFFFF  }
0xc9: {  	_ =	shalt  }
tec
execute0_lowered:
.L_overlay_start_1:
0x0: {  	(tag) =	ssettag $0x1  }
0x1: {  	s5 =	rddreg [dreg:$0x0]  }
0x2: {  	s6 =	rddreg [dreg:$0x1]  }
0x3: {  	s7 =	rddreg [dreg:$0x2]  }
0x4: {  	s8 =	rddreg [dreg:$0x3]  }
0x5: {  	s1 =	rddreg [dreg:$0x4]  }
0x6: {  	s4 =	rddreg [dreg:$0x5]  }
0x7: {  	s0 =	rddreg [dreg:$0x6];
	s2 =	simm.s32 $0x0;
	s9 =	stileid.u32  }
0x8: {  	[smem:$0x7FF] =	sst s2;
	s3 =	sshll.u32 s9, $0x7  }
0x9: {  	p0 =	sne.s32 s9, $0x0;
	_ =	strace $0x80000047;
	s5 =	sadd.s32 s5, s3  }
0xa: {  	[tilespmem:s2], [sflag:$0x1] =	stream.linear.gather [hbm4b:s5+s2], $0x400, $0x38;
	[tilespmem:$0x1700] =	vst v63  }
0xb: {  	s9 =	simm.s32 @!p0 $0xC80;
	s5 =	simm.s32 @!p0 $0x0  }
0xc: {  	[tilespmem:s9], [sflag:$0x2] =	stream.linear.gather @!p0 [hbm4b:s6+s5], $0x480, $0x38;
	[tilespmem:$0x1700] =	vst v63  }
0xd: {  	s6 =	simm.s32 @!p0 $0x1100  }
0xe: {  	[tilespmem:s6], [sflag:$0x2] =	stream.linear.gather @!p0 [hbm4b:s7+s5], $0x480, $0x38;
	[tilespmem:$0x1700] =	vst v63  }
0xf: {  	s6 =	simm.s32 @!p0 $0x1580  }
0x10: {  	v0 =	vimm.f32 $0.0e+00;
	[tilespmem:s6], [sflag:$0x2] =	stream.linear.gather @!p0 [hbm4b:s8+s5], $0x80, $0x38;
	[tilespmem:$0x1700] =	vst v63  }
0x11: {  	[tilespmem:$0x400] =	vst v0  }
0x12: {  	[tilespmem:$0x410] =	vst v0  }
0x13: {  	[tilespmem:$0x420] =	vst v0  }
0x14: {  	[tilespmem:$0x430] =	vst v0  }
0x15: {  	[tilespmem:$0x440] =	vst v0  }
0x16: {  	[tilespmem:$0x450] =	vst v0  }
0x17: {  	[tilespmem:$0x460] =	vst v0  }
0x18: {  	s30 =	simm.s32 $0x1;
	[tilespmem:$0x470] =	vst v0  }
0x19: {  	_ =	swait.ge [sflag:s30], $0x400  }
0x1a: {  	[sflag:s30] =	ssyncset.done $0x0  }
0x1b: {  	[sflag:s30] =	ssyncadd.s32 $0xFFFFFC00  }
0x1c: {  	v63 =	vld [tilespmem:$0x0]  }
0x1d: {  	v1 =	vld [tilespmem:$0x10]  }
0x1e: {  	v2 =	vld [tilespmem:$0x20]  }
0x1f: {  	v3 =	vld [tilespmem:$0x30]  }
0x20: {  	v4 =	vld [tilespmem:$0x40]  }
0x21: {  	v5 =	vld [tilespmem:$0x50]  }
0x22: {  	v6 =	vld [tilespmem:$0x60]  }
0x23: {  	v8 =	vimm.f32 $1.000000000e+00;
	s31 =	simm.s32 $0x400;
	v7 =	vld [tilespmem:$0x70]  }
0x24: {  	[tilespmem:v63+s31+$0x0] =	vst.idx.add.f32.msk $0xffff, v8  }
0x25: {  	[tilespmem:v1+s31+$0x0] =	vst.idx.add.f32.msk $0xffff, v8  }
0x26: {  	[tilespmem:v2+s31+$0x0] =	vst.idx.add.f32.msk $0xffff, v8  }
0x27: {  	[tilespmem:v3+s31+$0x0] =	vst.idx.add.f32.msk $0xffff, v8  }
0x28: {  	[tilespmem:v4+s31+$0x0] =	vst.idx.add.f32.msk $0xffff, v8  }
0x29: {  	[tilespmem:v5+s31+$0x0] =	vst.idx.add.f32.msk $0xffff, v8  }
0x2a: {  	[tilespmem:v6+s31+$0x0] =	vst.idx.add.f32.msk $0xffff, v8  }
0x2b: {  	[tilespmem:v7+s31+$0x0] =	vst.idx.add.f32.msk $0xffff, v8  }
0x2c: {  	v0 =	vld [tilespmem:$0x80]  }
0x2d: {  	v1 =	vld [tilespmem:$0x90]  }
0x2e: {  	v2 =	vld [tilespmem:$0xA0]  }
0x2f: {  	v3 =	vld [tilespmem:$0xB0]  }
0x30: {  	v4 =	vld [tilespmem:$0xC0]  }
0x31: {  	v5 =	vld [tilespmem:$0xD0]  }
0x32: {  	v6 =	vld [tilespmem:$0xE0]  }
0x33: {  	v7 =	vld [tilespmem:$0xF0]  }
0x34: {  	[tilespmem:v0+s31+$0x0] =	vst.idx.add.f32.msk $0xffff, v8  }
0x35: {  	[tilespmem:v1+s31+$0x0] =	vst.idx.add.f32.msk $0xffff, v8  }
0x36: {  	[tilespmem:v2+s31+$0x0] =	vst.idx.add.f32.msk $0xffff, v8  }
0x37: {  	[tilespmem:v3+s31+$0x0] =	vst.idx.add.f32.msk $0xffff, v8  }
0x38: {  	[tilespmem:v4+s31+$0x0] =	vst.idx.add.f32.msk $0xffff, v8  }
0x39: {  	[tilespmem:v5+s31+$0x0] =	vst.idx.add.f32.msk $0xffff, v8  }
0x3a: {  	[tilespmem:v6+s31+$0x0] =	vst.idx.add.f32.msk $0xffff, v8  }
0x3b: {  	[tilespmem:v7+s31+$0x0] =	vst.idx.add.f32.msk $0xffff, v8  }
0x3c: {  	v0 =	vld [tilespmem:$0x100]  }
0x3d: {  	v1 =	vld [tilespmem:$0x110]  }
0x3e: {  	v2 =	vld [tilespmem:$0x120]  }
0x3f: {  	v3 =	vld [tilespmem:$0x130]  }
0x40: {  	v4 =	vld [tilespmem:$0x140]  }
0x41: {  	v5 =	vld [tilespmem:$0x150]  }
0x42: {  	v6 =	vld [tilespmem:$0x160]  }
0x43: {  	v7 =	vld [tilespmem:$0x170]  }
0x44: {  	[tilespmem:v0+s31+$0x0] =	vst.idx.add.f32.msk $0xffff, v8  }
0x45: {  	[tilespmem:v1+s31+$0x0] =	vst.idx.add.f32.msk $0xffff, v8  }
0x46: {  	[tilespmem:v2+s31+$0x0] =	vst.idx.add.f32.msk $0xffff, v8  }
0x47: {  	[tilespmem:v3+s31+$0x0] =	vst.idx.add.f32.msk $0xffff, v8  }
0x48: {  	[tilespmem:v4+s31+$0x0] =	vst.idx.add.f32.msk $0xffff, v8  }
0x49: {  	[tilespmem:v5+s31+$0x0] =	vst.idx.add.f32.msk $0xffff, v8  }
0x4a: {  	[tilespmem:v6+s31+$0x0] =	vst.idx.add.f32.msk $0xffff, v8  }
0x4b: {  	[tilespmem:v7+s31+$0x0] =	vst.idx.add.f32.msk $0xffff, v8  }
0x4c: {  	v0 =	vld [tilespmem:$0x180]  }
0x4d: {  	v1 =	vld [tilespmem:$0x190]  }
0x4e: {  	v2 =	vld [tilespmem:$0x1A0]  }
0x4f: {  	v3 =	vld [tilespmem:$0x1B0]  }
0x50: {  	v4 =	vld [tilespmem:$0x1C0]  }
0x51: {  	v5 =	vld [tilespmem:$0x1D0]  }
0x52: {  	v6 =	vld [tilespmem:$0x1E0]  }
0x53: {  	v7 =	vld [tilespmem:$0x1F0]  }
0x54: {  	[tilespmem:v0+s31+$0x0] =	vst.idx.add.f32.msk $0xffff, v8  }
0x55: {  	[tilespmem:v1+s31+$0x0] =	vst.idx.add.f32.msk $0xffff, v8  }
0x56: {  	[tilespmem:v2+s31+$0x0] =	vst.idx.add.f32.msk $0xffff, v8  }
0x57: {  	[tilespmem:v3+s31+$0x0] =	vst.idx.add.f32.msk $0xffff, v8  }
0x58: {  	[tilespmem:v4+s31+$0x0] =	vst.idx.add.f32.msk $0xffff, v8  }
0x59: {  	[tilespmem:v5+s31+$0x0] =	vst.idx.add.f32.msk $0xffff, v8  }
0x5a: {  	[tilespmem:v6+s31+$0x0] =	vst.idx.add.f32.msk $0xffff, v8  }
0x5b: {  	[tilespmem:v7+s31+$0x0] =	vst.idx.add.f32.msk $0xffff, v8  }
0x5c: {  	v0 =	vld [tilespmem:$0x200]  }
0x5d: {  	v1 =	vld [tilespmem:$0x210]  }
0x5e: {  	v2 =	vld [tilespmem:$0x220]  }
0x5f: {  	v3 =	vld [tilespmem:$0x230]  }
0x60: {  	v4 =	vld [tilespmem:$0x240]  }
0x61: {  	v5 =	vld [tilespmem:$0x250]  }
0x62: {  	v6 =	vld [tilespmem:$0x260]  }
0x63: {  	v7 =	vld [tilespmem:$0x270]  }
0x64: {  	[tilespmem:v0+s31+$0x0] =	vst.idx.add.f32.msk $0xffff, v8  }
0x65: {  	[tilespmem:v1+s31+$0x0] =	vst.idx.add.f32.msk $0xffff, v8  }
0x66: {  	[tilespmem:v2+s31+$0x0] =	vst.idx.add.f32.msk $0xffff, v8  }
0x67: {  	[tilespmem:v3+s31+$0x0] =	vst.idx.add.f32.msk $0xffff, v8  }
0x68: {  	[tilespmem:v4+s31+$0x0] =	vst.idx.add.f32.msk $0xffff, v8  }
0x69: {  	[tilespmem:v5+s31+$0x0] =	vst.idx.add.f32.msk $0xffff, v8  }
0x6a: {  	[tilespmem:v6+s31+$0x0] =	vst.idx.add.f32.msk $0xffff, v8  }
0x6b: {  	[tilespmem:v7+s31+$0x0] =	vst.idx.add.f32.msk $0xffff, v8  }
0x6c: {  	v0 =	vld [tilespmem:$0x280]  }
0x6d: {  	v1 =	vld [tilespmem:$0x290]  }
0x6e: {  	v2 =	vld [tilespmem:$0x2A0]  }
0x6f: {  	v3 =	vld [tilespmem:$0x2B0]  }
0x70: {  	v4 =	vld [tilespmem:$0x2C0]  }
0x71: {  	v5 =	vld [tilespmem:$0x2D0]  }
0x72: {  	v6 =	vld [tilespmem:$0x2E0]  }
0x73: {  	v7 =	vld [tilespmem:$0x2F0]  }
0x74: {  	[tilespmem:v0+s31+$0x0] =	vst.idx.add.f32.msk $0xffff, v8  }
0x75: {  	[tilespmem:v1+s31+$0x0] =	vst.idx.add.f32.msk $0xffff, v8  }
0x76: {  	[tilespmem:v2+s31+$0x0] =	vst.idx.add.f32.msk $0xffff, v8  }
0x77: {  	[tilespmem:v3+s31+$0x0] =	vst.idx.add.f32.msk $0xffff, v8  }
0x78: {  	[tilespmem:v4+s31+$0x0] =	vst.idx.add.f32.msk $0xffff, v8  }
0x79: {  	[tilespmem:v5+s31+$0x0] =	vst.idx.add.f32.msk $0xffff, v8  }
0x7a: {  	[tilespmem:v6+s31+$0x0] =	vst.idx.add.f32.msk $0xffff, v8  }
0x7b: {  	[tilespmem:v7+s31+$0x0] =	vst.idx.add.f32.msk $0xffff, v8  }
0x7c: {  	v0 =	vld [tilespmem:$0x300]  }
0x7d: {  	v1 =	vld [tilespmem:$0x310]  }
0x7e: {  	v2 =	vld [tilespmem:$0x320]  }
0x7f: {  	v3 =	vld [tilespmem:$0x330]  }
0x80: {  	v4 =	vld [tilespmem:$0x340]  }
0x81: {  	v5 =	vld [tilespmem:$0x350]  }
0x82: {  	v6 =	vld [tilespmem:$0x360]  }
0x83: {  	v7 =	vld [tilespmem:$0x370]  }
0x84: {  	[tilespmem:v0+s31+$0x0] =	vst.idx.add.f32.msk $0xffff, v8  }
0x85: {  	[tilespmem:v1+s31+$0x0] =	vst.idx.add.f32.msk $0xffff, v8  }
0x86: {  	[tilespmem:v2+s31+$0x0] =	vst.idx.add.f32.msk $0xffff, v8  }
0x87: {  	[tilespmem:v3+s31+$0x0] =	vst.idx.add.f32.msk $0xffff, v8  }
0x88: {  	[tilespmem:v4+s31+$0x0] =	vst.idx.add.f32.msk $0xffff, v8  }
0x89: {  	[tilespmem:v5+s31+$0x0] =	vst.idx.add.f32.msk $0xffff, v8  }
0x8a: {  	[tilespmem:v6+s31+$0x0] =	vst.idx.add.f32.msk $0xffff, v8  }
0x8b: {  	[tilespmem:v7+s31+$0x0] =	vst.idx.add.f32.msk $0xffff, v8  }
0x8c: {  	v0 =	vld [tilespmem:$0x380]  }
0x8d: {  	v1 =	vld [tilespmem:$0x390]  }
0x8e: {  	v2 =	vld [tilespmem:$0x3A0]  }
0x8f: {  	v3 =	vld [tilespmem:$0x3B0]  }
0x90: {  	v4 =	vld [tilespmem:$0x3C0]  }
0x91: {  	v5 =	vld [tilespmem:$0x3D0]  }
0x92: {  	v6 =	vld [tilespmem:$0x3E0]  }
0x93: {  	v7 =	vld [tilespmem:$0x3F0]  }
0x94: {  	[tilespmem:v0+s31+$0x0] =	vst.idx.add.f32.msk $0xffff, v8  }
0x95: {  	[tilespmem:v1+s31+$0x0] =	vst.idx.add.f32.msk $0xffff, v8  }
0x96: {  	[tilespmem:v2+s31+$0x0] =	vst.idx.add.f32.msk $0xffff, v8  }
0x97: {  	[tilespmem:v3+s31+$0x0] =	vst.idx.add.f32.msk $0xffff, v8  }
0x98: {  	[tilespmem:v4+s31+$0x0] =	vst.idx.add.f32.msk $0xffff, v8  }
0x99: {  	[tilespmem:v5+s31+$0x0] =	vst.idx.add.f32.msk $0xffff, v8  }
0x9a: {  	[tilespmem:v6+s31+$0x0] =	vst.idx.add.f32.msk $0xffff, v8  }
0x9b: {  	s3 =	sadd.s32 s3, s4;
	[tilespmem:v7+s31+$0x0] =	vst.idx.add.f32.msk $0xffff, v8  }
0x9c: {  	[spmem:s3] =	stream.linear.scatter [tilespmem:s31], [sflag:$0x3], $0x80, $0x38;
	[tilespmem:$0x1700] =	vst v63  }
0x9d: {  	s3 =	simm.s32 $0x3  }
0x9e: {  	_ =	swait.ge [sflag:s3], $0x80  }
0x9f: {  	[sflag:s3] =	ssyncset.done $0x0  }
0xa0: {  	[sflag:s3] =	ssyncadd.s32 $0xFFFFFF80  }
0xa1: {  	[bflag:$0x0] =	sbarrier.arrive $0xFFFF  }
0xa2: {  	_ =	sfence.sel @p0 $0x180000  }
0xa3: {  	[bflag:$0x0] =	sbarrier.arrive @p0 $0xFFFF  }
0xa4: {  	_ =	strace @p0 $0x90000047  }
0xa5: {  	[bflag:$0x2] =	sbarrier.arrive @p0 $0xFFFF  }
0xa6: {  	_ =	shalt @p0  }
.LBB2_1:
0xa7: {  	s5 =	simm.s32 $0x480  }
0xa8: {  	[tilespmem:s5], [sflag:$0x3] =	stream.linear.gather [spmem:s4], $0x800, $0x38;
	[tilespmem:$0x1700] =	vst v63  }
0xa9: {  	_ =	swait.ge [sflag:s3], $0x800  }
0xaa: {  	[sflag:s3] =	ssyncset.done $0x0  }
0xab: {  	s29 =	simm.s32 $0x2;
	[sflag:s3] =	ssyncadd.s32 $0xFFFFF800  }
0xac: {  	_ =	swait.ge [sflag:s29], $0x480  }
0xad: {  	[sflag:s29] =	ssyncset.done $0x0  }
0xae: {  	[sflag:s29] =	ssyncadd.s32 $0xFFFFFB80  }
0xaf: {  	_ =	swait.ge [sflag:s29], $0x480  }
0xb0: {  	[sflag:s29] =	ssyncset.done $0x0  }
0xb1: {  	[sflag:s29] =	ssyncadd.s32 $0xFFFFFB80  }
0xb2: {  	_ =	swait.ge [sflag:s29], $0x80  }
0xb3: {  	[sflag:s29] =	ssyncset.done $0x0  }
0xb4: {  	[sflag:s29] =	ssyncadd.s32 $0xFFFFFF80  }
0xb5: {  	v0 =	vld [tilespmem:$0x480]  }
0xb6: {  	v1 =	vld [tilespmem:$0x500]  }
0xb7: {  	v2 =	vld [tilespmem:$0x580]  }
0xb8: {  	v3 =	vld [tilespmem:$0x600]  }
0xb9: {  	v4 =	vld [tilespmem:$0x680]  }
0xba: {  	v5 =	vld [tilespmem:$0x700]  }
0xbb: {  	v6 =	vld [tilespmem:$0x780]  }
0xbc: {  	v7 =	vld [tilespmem:$0x800]  }
0xbd: {  	v8 =	vld [tilespmem:$0x880]  }
0xbe: {  	v10 =	vld [tilespmem:$0x900]  }
0xbf: {  	v12 =	vld [tilespmem:$0x980]  }
0xc0: {  	v13 =	vld [tilespmem:$0xA00]  }
0xc1: {  	v15 =	vld [tilespmem:$0xA80]  }
0xc2: {  	v28 =	vld [tilespmem:$0xB00]  }
0xc3: {  	v30 =	vld [tilespmem:$0xB80]  }
0xc4: {  	v46 =	vld [tilespmem:$0xC00]  }
0xc5: {  	v16 =	vld [tilespmem:$0x490]  }
0xc6: {  	v17 =	vld [tilespmem:$0x510]  }
0xc7: {  	v18 =	vld [tilespmem:$0x590]  }
0xc8: {  	v19 =	vld [tilespmem:$0x610]  }
0xc9: {  	v20 =	vld [tilespmem:$0x690]  }
0xca: {  	v21 =	vld [tilespmem:$0x710]  }
0xcb: {  	v22 =	vld [tilespmem:$0x790]  }
0xcc: {  	v23 =	vld [tilespmem:$0x810]  }
0xcd: {  	v24 =	vld [tilespmem:$0x890]  }
0xce: {  	v25 =	vld [tilespmem:$0x910]  }
0xcf: {  	v26 =	vld [tilespmem:$0x990]  }
0xd0: {  	v27 =	vld [tilespmem:$0xA10]  }
0xd1: {  	v29 =	vld [tilespmem:$0xA90]  }
0xd2: {  	v31 =	vld [tilespmem:$0xB10]  }
0xd3: {  	v9 =	vld [tilespmem:$0xB90]  }
0xd4: {  	v63 =	vld [tilespmem:$0xC10]  }
0xd5: {  	v32 =	vld [tilespmem:$0x4A0]  }
0xd6: {  	v33 =	vld [tilespmem:$0x520]  }
0xd7: {  	v34 =	vld [tilespmem:$0x5A0]  }
0xd8: {  	v35 =	vld [tilespmem:$0x620]  }
0xd9: {  	v36 =	vld [tilespmem:$0x6A0]  }
0xda: {  	v37 =	vld [tilespmem:$0x720]  }
0xdb: {  	v38 =	vld [tilespmem:$0x7A0]  }
0xdc: {  	v39 =	vld [tilespmem:$0x820]  }
0xdd: {  	v40 =	vld [tilespmem:$0x8A0]  }
0xde: {  	v41 =	vld [tilespmem:$0x920]  }
0xdf: {  	v42 =	vld [tilespmem:$0x9A0]  }
0xe0: {  	v43 =	vld [tilespmem:$0xA20]  }
0xe1: {  	v44 =	vld [tilespmem:$0xAA0]  }
0xe2: {  	v45 =	vld [tilespmem:$0xB20]  }
0xe3: {  	v47 =	vld [tilespmem:$0xBA0]  }
0xe4: {  	v14 =	vld [tilespmem:$0xC20]  }
0xe5: {  	v48 =	vld [tilespmem:$0x4B0]  }
0xe6: {  	v49 =	vld [tilespmem:$0x530]  }
0xe7: {  	v50 =	vld [tilespmem:$0x5B0]  }
0xe8: {  	v51 =	vld [tilespmem:$0x630]  }
0xe9: {  	v52 =	vld [tilespmem:$0x6B0]  }
0xea: {  	v53 =	vld [tilespmem:$0x730]  }
0xeb: {  	v54 =	vld [tilespmem:$0x7B0]  }
0xec: {  	v55 =	vld [tilespmem:$0x830]  }
0xed: {  	v56 =	vld [tilespmem:$0x8B0]  }
0xee: {  	v57 =	vld [tilespmem:$0x930]  }
0xef: {  	v58 =	vld [tilespmem:$0x9B0]  }
0xf0: {  	v59 =	vld [tilespmem:$0xA30]  }
0xf1: {  	v60 =	vld [tilespmem:$0xAB0]  }
0xf2: {  	v61 =	vld [tilespmem:$0xB30]  }
0xf3: {  	v62 =	vld [tilespmem:$0xBB0];
	v0 =	vadd.f32 $0.0e+00, v0  }
0xf4: {  	v11 =	vld [tilespmem:$0x6C0]  }
0xf5: {  	v0 =	vadd.f32 v1, v0;
	v1 =	vld [tilespmem:$0x4C0]  }
0xf6: {  	[tilespmem:$0x1FFE0] =	vst v63;
	v63 =	vld [tilespmem:$0xC30]  }
0xf7: {  	v0 =	vadd.f32 v2, v0;
	v2 =	vld [tilespmem:$0x540]  }
0xf8: {  	[tilespmem:$0x1FFD0] =	vst v9;
	v9 =	vld [tilespmem:$0x5C0]  }
0xf9: {  	[tilespmem:$0x1FFF0] =	vst v14;
	v14 =	vld [tilespmem:$0x7C0];
	v0 =	vadd.f32 v3, v0  }
0xfa: {  	v3 =	vld [tilespmem:$0x640];
	v1 =	vadd.f32 $0.0e+00, v1  }
0xfb: {  	v0 =	vadd.f32 v4, v0;
	v4 =	vadd.f32 $0.0e+00, v16;
	v16 =	vld [tilespmem:$0x740]  }
0xfc: {  	v1 =	vadd.f32 v2, v1;
	v2 =	vld [tilespmem:$0xC50]  }
0xfd: {  	v0 =	vadd.f32 v5, v0;
	v4 =	vadd.f32 v17, v4;
	v17 =	vld [tilespmem:$0x840]  }
0xfe: {  	v5 =	vld [tilespmem:$0x8C0]  }
0xff: {  	v0 =	vadd.f32 v6, v0;
	v4 =	vadd.f32 v18, v4;
	v18 =	vld [tilespmem:$0x940]  }
0x100: {  	v6 =	vadd.f32 $0.0e+00, v32;
	v32 =	vld [tilespmem:$0x9C0]  }
0x101: {  	v0 =	vadd.f32 v7, v0;
	v4 =	vadd.f32 v19, v4;
	v19 =	vld [tilespmem:$0xA40]  }
0x102: {  	v6 =	vadd.f32 v33, v6;
	v7 =	vadd.f32 $0.0e+00, v48;
	v33 =	vld [tilespmem:$0xAC0]  }
0x103: {  	v0 =	vadd.f32 v8, v0;
	v48 =	vadd.f32 v20, v4;
	v20 =	vld [tilespmem:$0xB40]  }
0x104: {  	v1 =	vadd.f32 v9, v1;
	v6 =	vadd.f32 v34, v6;
	v4 =	vld [tilespmem:$0xBC0]  }
0x105: {  	v7 =	vadd.f32 v49, v7;
	v34 =	vld [tilespmem:$0x9D0];
	v0 =	vadd.f32 v10, v0  }
0x106: {  	v8 =	vadd.f32 v21, v48;
	v10 =	vld [tilespmem:$0xC40];
	v6 =	vadd.f32 v35, v6  }
0x107: {  	v7 =	vadd.f32 v50, v7;
	v21 =	vld [tilespmem:$0x4D0];
	v0 =	vadd.f32 v12, v0  }
0x108: {  	v35 =	vld [tilespmem:$0xBD0];
	v8 =	vadd.f32 v22, v8;
	v6 =	vadd.f32 v36, v6  }
0x109: {  	v50 =	vld [tilespmem:$0x4E0];
	v7 =	vadd.f32 v51, v7;
	v0 =	vadd.f32 v13, v0  }
0x10a: {  	v12 =	vld [tilespmem:$0x550];
	v8 =	vadd.f32 v23, v8;
	v6 =	vadd.f32 v37, v6  }
0x10b: {  	v22 =	vld [tilespmem:$0x5D0];
	v7 =	vadd.f32 v52, v7;
	v0 =	vadd.f32 v15, v0  }
0x10c: {  	v51 =	vld [tilespmem:$0x1FFD0];
	v8 =	vadd.f32 v24, v8;
	v6 =	vadd.f32 v38, v6  }
0x10d: {  	v13 =	vld [tilespmem:$0x650];
	v7 =	vadd.f32 v53, v7;
	v0 =	vadd.f32 v28, v0  }
0x10e: {  	v23 =	vld [tilespmem:$0x6D0];
	v8 =	vadd.f32 v25, v8;
	v6 =	vadd.f32 v39, v6  }
0x10f: {  	v52 =	vld [tilespmem:$0x560];
	v7 =	vadd.f32 v54, v7;
	v0 =	vadd.f32 v30, v0  }
0x110: {  	v37 =	vld [tilespmem:$0x970];
	v8 =	vadd.f32 v26, v8;
	v40 =	vadd.f32 v40, v6  }
0x111: {  	v15 =	vld [tilespmem:$0x750];
	v7 =	vadd.f32 v55, v7;
	v6 =	vadd.f32 v46, v0  }
0x112: {  	v24 =	vld [tilespmem:$0x7D0];
	v48 =	vadd.f32 v27, v8;
	v49 =	vadd.f32 v41, v40  }
0x113: {  	v25 =	vld [tilespmem:$0x850];
	v7 =	vadd.f32 v56, v7;
	v56 =	vadd.f32 v3, v1  }
0x114: {  	v28 =	vld [tilespmem:$0x8D0];
	v41 =	vadd.f32 $0.0e+00, v21;
	v0 =	vadd.f32 v29, v48  }
0x115: {  	v55 =	vld [tilespmem:$0x1FFE0];
	v8 =	vadd.f32 v42, v49;
	v7 =	vadd.f32 v57, v7  }
0x116: {  	v54 =	vld [tilespmem:$0x5E0];
	v12 =	vadd.f32 v12, v41;
	v0 =	vadd.f32 v31, v0  }
0x117: {  	v26 =	vld [tilespmem:$0x950];
	v8 =	vadd.f32 v43, v8;
	v7 =	vadd.f32 v58, v7  }
0x118: {  	v30 =	vld [tilespmem:$0xAD0];
	v12 =	vadd.f32 v22, v12;
	v0 =	vadd.f32 v51, v0  }
0x119: {  	v27 =	vld [tilespmem:$0xA50];
	v8 =	vadd.f32 v44, v8;
	v53 =	vadd.f32 v59, v7  }
0x11a: {  	v42 =	vld [tilespmem:$0x4F0];
	v12 =	vadd.f32 v13, v12;
	v7 =	vadd.f32 v55, v0  }
0x11b: {  	v43 =	vld [tilespmem:$0x1FFF0];
	v58 =	vadd.f32 v45, v8;
	v0 =	vadd.f32 v11, v56  }
0x11c: {  	v46 =	vld [tilespmem:$0x570];
	v59 =	vadd.f32 v60, v53;
	v51 =	vadd.f32 v23, v12  }
0x11d: {  	v21 =	vld [tilespmem:$0x7E0];
	v3 =	vadd.f32 v47, v58;
	v0 =	vadd.f32 v16, v0  }
0x11e: {  	v49 =	vld [tilespmem:$0x5F0];
	v8 =	vadd.f32 v61, v59;
	v47 =	vadd.f32 $0.0e+00, v50  }
0x11f: {  	v57 =	vld [tilespmem:$0x660];
	v16 =	vadd.f32 $0.0e+00, v42;
	v0 =	vadd.f32 v14, v0  }
0x120: {  	v9 =	vadd.f32 v43, v3;
	v3 =	vadd.f32 v52, v47;
	v52 =	vld [tilespmem:$0x670]  }
0x121: {  	v60 =	vld [tilespmem:$0x6E0];
	v14 =	vadd.f32 v46, v16;
	v0 =	vadd.f32 v17, v0  }
0x122: {  	v44 =	vadd.f32 v62, v8;
	v3 =	vadd.f32 v54, v3;
	v54 =	vld [tilespmem:$0x6F0]  }
0x123: {  	v11 =	vld [tilespmem:$0x760];
	v13 =	vadd.f32 v49, v14;
	v0 =	vadd.f32 v5, v0  }
0x124: {  	v5 =	vadd.f32 v15, v51;
	v1 =	vadd.f32 v57, v3;
	v57 =	vld [tilespmem:$0x770]  }
0x125: {  	v29 =	vld [tilespmem:$0xB50];
	v8 =	vadd.f32 v63, v44;
	v12 =	vadd.f32 v52, v13  }
0x126: {  	v48 =	vld [tilespmem:$0x8E0];
	v22 =	vimm.s32 $0x54761032;
	v0 =	vadd.f32 v18, v0;
	v5 =	vadd.f32 v24, v5  }
0x127: {  	v41 =	vld [tilespmem:$0x9F0];
	v58 =	vlaneseq.u32;
	v1 =	vadd.f32 v60, v1;
	v12 =	vadd.f32 v54, v12  }
0x128: {  	v61 =	vld [tilespmem:$0x7F0];
	v56 =	vadd.f32 v32, v0;
	v0 =	vmul.u32 $0x9, v58;
	v5 =	vadd.f32 v25, v5  }
0x129: {  	v45 =	vld [tilespmem:$0x860];
	v1 =	vadd.f32 v11, v1;
	v25 =	vunpack.c.l.s4.s8 v22;
	v12 =	vadd.f32 v57, v12  }
0x12a: {  	v63 =	vld [tilespmem:$0x870];
	v60 =	vadd.f32 v19, v56;
	v5 =	vadd.f32 v28, v5;
	v28 =	vadd.s32 $0x90, v0  }
0x12b: {  	v53 =	vld [tilespmem:$0x9E0];
	v1 =	vadd.f32 v21, v1;
	v38 =	vadd.s32 $0x1B0, v0;
	v42 =	vadd.s32 $0x240, v0  }
0x12c: {  	v32 =	vld [tilespmem:$0x8F0];
	v56 =	vadd.s32 $0x3F0, v0;
	v21 =	vimm.s32 $0xDCFE98BA;
	v23 =	vadd.s32 $0x91, v0  }
0x12d: {  	v55 =	vld [tilespmem:$0xA60];
	v12 =	vadd.f32 v61, v12;
	v24 =	vunpack.c.l.s4.s8 v21;
	v13 =	vadd.f32 v33, v60  }
0x12e: {  	s30 =	simm.s32 $0xC80;
	v50 =	vld [tilespmem:$0x960];
	v5 =	vadd.f32 v26, v5;
	v33 =	vadd.s32 $0x120, v0;
	v1 =	vadd.f32 v45, v1  }
0x12f: {  	v45 =	vadd.s32 $0x2D0, v0;
	v12 =	vadd.f32 v63, v12;
	v13 =	vadd.f32 v20, v13;
	v36 =	vld.idx.msk [tilespmem:v0+s30+$0x0], $0xffff  }
0x130: {  	v26 =	vadd.s32 $0x121, v0;
	v5 =	vadd.f32 v34, v5;
	v1 =	vadd.f32 v48, v1;
	v39 =	vld.idx.msk [tilespmem:v28+s30+$0x0], $0xffff  }
0x131: {  	v20 =	vadd.s32 $0x1, v0;
	v34 =	vadd.s32 $0x2D1, v0;
	v12 =	vadd.f32 v32, v12;
	v46 =	vld.idx.msk [tilespmem:v38+s30+$0x0], $0xffff  }
0x132: {  	v49 =	vld.idx.msk [tilespmem:v42+s30+$0x0], $0xffff;
	v28 =	vunpack.c.0.s8.s32 v25;
	v38 =	vimm.s32 $0xFEDCBA98;
	v42 =	vimm.s32 $0x76543210  }
0x133: {  	v61 =	vld.idx.msk [tilespmem:v56+s30+$0x0], $0xffff;
	v56 =	vadd.s32 $0x362, v0;
	v4 =	vadd.f32 v4, v13;
	v40 =	vadd.f32 v27, v5  }
0x134: {  	v59 =	vld [tilespmem:$0xAE0];
	v1 =	vadd.f32 v50, v1;
	v50 =	vadd.s32 $0x360, v0;
	v27 =	vunpack.c.0.s8.s32 v24  }
0x135: {  	v43 =	vld.idx.msk [tilespmem:v33+s30+$0x0], $0xffff;
	v12 =	vadd.f32 v37, v12;
	v33 =	vadd.s32 $0x241, v0;
	v13 =	vadd.f32 v10, v4  }
0x136: {  	v44 =	vld [tilespmem:$0xA70];
	v37 =	vadd.s32 $0x361, v0;
	v4 =	vadd.f32 v30, v40;
	v1 =	vadd.f32 v53, v1  }
0x137: {  	v53 =	vld.idx.msk [tilespmem:v45+s30+$0x0], $0xffff;
	v30 =	vimm.s32 $0x32107654;
	v45 =	vadd.s32 $0x92, v0;
	v14 =	vmul.f32 v36, v6  }
0x138: {  	v62 =	vld [tilespmem:$0xB60];
	v48 =	vadd.f32 v41, v12;
	v12 =	vimm.s32 $0xEFCDAB89;
	v41 =	vadd.s32 $0x2, v0  }
0x139: {  	v47 =	vld [tilespmem:$0xAF0];
	v4 =	vadd.f32 v29, v4;
	v15 =	vmul.f32 v39, v7;
	v1 =	vadd.f32 v55, v1  }
0x13a: {  	v11 =	vld.idx.msk [tilespmem:v26+s30+$0x0], $0xffff;
	v55 =	vmul.f32 v46, v8;
	v5 =	vmul.f32 v49, v13;
	v18 =	vunpack.c.l.s4.s8 v12  }
0x13b: {  	v51 =	vld [tilespmem:$0xB70];
	v29 =	vimm.s32 $0xBA98FEDC;
	v39 =	vadd.s32 $0x3F1, v0;
	v46 =	vadd.s32 $0x122, v0  }
0x13c: {  	v12 =	vld.idx.msk [tilespmem:v23+s30+$0x0], $0xffff;
	v49 =	vadd.s32 $0x242, v0;
	v14 =	vadd.f32 $0.0e+00, v14;
	v3 =	vadd.f32 v44, v48  }
0x13d: {  	v31 =	vld [tilespmem:$0xBE0];
	v44 =	vunpack.c.l.s4.s8 v42;
	v48 =	vadd.s32 $0x3, v0;
	v42 =	vadd.s32 $0x1B4, v0  }
0x13e: {  	v4 =	vadd.f32 v35, v4;
	v52 =	vmul.f32 v43, v9;
	v1 =	vadd.f32 v59, v1  }
0x13f: {  	v57 =	vld [tilespmem:$0xBF0];
	v11 =	vmul.f32 v11, v9;
	v14 =	vadd.f32 v15, v14;
	v3 =	vadd.f32 v47, v3  }
0x140: {  	v54 =	vld [tilespmem:$0xC60];
	v47 =	vadd.s32 $0x1B2, v0;
	v15 =	vadd.f32 v2, v4;
	v1 =	vadd.f32 v62, v1  }
0x141: {  	v59 =	vld [tilespmem:$0xC70];
	v14 =	vadd.f32 v52, v14;
	v3 =	vadd.f32 v51, v3;
	v12 =	vmul.f32 v12, v7  }
0x142: {  	v22 =	vld.idx.msk [tilespmem:v41+s30+$0x0], $0xffff;
	v52 =	vadd.s32 $0x93, v0;
	v1 =	vadd.f32 v31, v1;
	v60 =	vmul.f32 v53, v15  }
0x143: {  	v10 =	vld.idx.msk [tilespmem:v50+s30+$0x0], $0xffff;
	v31 =	vadd.s32 $0x1B1, v0;
	v53 =	vadd.s32 $0x2D2, v0;
	v58 =	vadd.f32 v55, v14  }
0x144: {  	v2 =	vadd.f32 v57, v3;
	v14 =	vimm.s32 $0x67452301;
	v55 =	vadd.s32 $0x123, v0  }
0x145: {  	v51 =	vld.idx.msk [tilespmem:v45+s30+$0x0], $0xffff;
	v57 =	vadd.s32 $0x1B3, v0;
	v17 =	vadd.f32 v54, v1;
	v19 =	vunpack.c.l.s4.s8 v14  }
0x146: {  	v25 =	vld.idx.msk [tilespmem:v48+s30+$0x0], $0xffff;
	v14 =	vunpack.c.l.s4.s8 v30;
	v30 =	vadd.s32 $0x125, v0;
	v4 =	vadd.f32 v5, v58  }
0x147: {  	v16 =	vadd.f32 v59, v2;
	v2 =	vunpack.c.0.s8.s32 v18;
	v18 =	vld.idx.msk [tilespmem:v37+s30+$0x0], $0xffff;
	v22 =	vmul.f32 v22, v6  }
0x148: {  	v58 =	vadd.s32 $0x3F2, v0;
	v63 =	vmul.f32 v10, v17;
	v5 =	vunpack.c.0.s8.s32 v19;
	v19 =	vld.idx.msk [tilespmem:v34+s30+$0x0], $0xffff  }
0x149: {  	v10 =	vunpack.c.l.s4.s8 v29;
	v14 =	vunpack.c.0.s8.s32 v14;
	v62 =	vadd.f32 v60, v4;
	v4 =	vld.idx.msk [tilespmem:v20+s30+$0x0], $0xffff  }
0x14a: {  	v1 =	vmul.f32 v61, v16;
	v36 =	vld.idx.msk [tilespmem:v31+s30+$0x0], $0xffff;
	v22 =	vadd.f32 $0.0e+00, v22;
	v60 =	vadd.s32 $0x243, v0  }
0x14b: {  	v25 =	vmul.f32 v25, v6;
	v2 =	vcombine.low v5, v2;
	v10 =	vunpack.c.0.s8.s32 v10;
	v5 =	vld.idx.msk [tilespmem:v33+s30+$0x0], $0xffff  }
0x14c: {  	v61 =	vld.idx.msk [tilespmem:v55+s30+$0x0], $0xffff;
	v33 =	vadd.s32 $0x2D3, v0;
	v55 =	vadd.s32 $0x3F4, v0;
	v3 =	vadd.f32 v63, v62  }
0x14d: {  	v62 =	vadd.s32 $0x4, v0;
	v25 =	vadd.f32 $0.0e+00, v25;
	v10 =	vcombine.low v14, v10  }
0x14e: {  	v50 =	vmul.f32 v18, v17;
	v18 =	vmul.f32 v51, v7;
	v3 =	vadd.f32 v1, v3  }
0x14f: {  	v54 =	vld.idx.msk [tilespmem:v47+s30+$0x0], $0xffff;
	v1 =	vand.u32 $0xF, v2;
	v2 =	vcombine.low v28, v27;
	v4 =	vmul.f32 v4, v6  }
0x150: {  	v63 =	vld.idx.msk [tilespmem:v56+s30+$0x0], $0xffff;
	v14 =	vunpack.c.0.s8.s32 v44;
	v19 =	vmul.f32 v19, v15;
	v32 =	vperm.xlane v3, v1  }
0x151: {  	v23 =	vld.idx.msk [tilespmem:v53+s30+$0x0], $0xffff;
	v43 =	vmul.f32 v36, v8;
	v36 =	vadd.s32 $0x363, v0;
	v4 =	vadd.f32 $0.0e+00, v4  }
0x152: {  	v27 =	vld.idx.msk [tilespmem:v58+s30+$0x0], $0xffff;
	v58 =	vadd.s32 $0x5, v0;
	v18 =	vadd.f32 v18, v22;
	v3 =	vadd.f32 v3, v32  }
0x153: {  	v2 =	vand.u32 $0xF, v2;
	v5 =	vmul.f32 v5, v13;
	v29 =	vld.idx.msk [tilespmem:v55+s30+$0x0], $0xffff;
	v4 =	vadd.f32 v12, v4  }
0x154: {  	v22 =	vmul.f32 v61, v9;
	v55 =	vadd.s32 $0x96, v0;
	v24 =	vld.idx.msk [tilespmem:v62+s30+$0x0], $0xffff;
	v35 =	vperm.xlane v3, v2  }
0x155: {  	v44 =	vmul.f32 v63, v17;
	v62 =	vadd.s32 $0x95, v0;
	v12 =	vld.idx.msk [tilespmem:v39+s30+$0x0], $0xffff;
	v4 =	vadd.f32 v11, v4  }
0x156: {  	v45 =	vld.idx.msk [tilespmem:v36+s30+$0x0], $0xffff;
	v20 =	vadd.f32 v3, v35;
	v3 =	vand.u32 $0xF, v10;
	v10 =	vunpack.c.l.s4.s8 v38  }
0x157: {  	v39 =	vadd.s32 $0x3F3, v0;
	v27 =	vmul.f32 v27, v16;
	v11 =	vld.idx.msk [tilespmem:v46+s30+$0x0], $0xffff;
	v46 =	vadd.s32 $0x244, v0  }
0x158: {  	v34 =	vld.idx.msk [tilespmem:v57+s30+$0x0], $0xffff;
	v35 =	vadd.s32 $0x94, v0;
	v4 =	vadd.f32 v43, v4;
	v10 =	vunpack.c.0.s8.s32 v10  }
0x159: {  	v37 =	vld.idx.msk [tilespmem:v60+s30+$0x0], $0xffff;
	v38 =	vadd.s32 $0x124, v0;
	v24 =	vmul.f32 v24, v6;
	v40 =	vperm.xlane v20, v3  }
0x15a: {  	v41 =	vld.idx.msk [tilespmem:v33+s30+$0x0], $0xffff;
	v12 =	vmul.f32 v12, v16;
	v5 =	vadd.f32 v5, v4;
	v10 =	vand.u32 $0xF, v10  }
0x15b: {  	v24 =	vadd.f32 $0.0e+00, v24;
	v53 =	vmul.f32 v45, v17;
	v4 =	vcombine.low v10, v14;
	v10 =	vld.idx.msk [tilespmem:v49+s30+$0x0], $0xffff  }
0x15c: {  	v20 =	vadd.f32 v20, v40;
	v11 =	vmul.f32 v11, v9;
	v5 =	vadd.f32 v19, v5;
	v19 =	vld.idx.msk [tilespmem:v52+s30+$0x0], $0xffff  }
0x15d: {  	v48 =	vld.idx.msk [tilespmem:v39+s30+$0x0], $0xffff;
	v40 =	vmul.f32 v23, v15;
	v14 =	vmul.f32 v54, v8;
	v49 =	vadd.s32 $0x2D4, v0  }
0x15e: {  	v47 =	vld.idx.msk [tilespmem:v38+s30+$0x0], $0xffff;
	v52 =	vadd.s32 $0x364, v0;
	v11 =	vadd.f32 v11, v18;
	v21 =	vperm.xlane v20, v4  }
0x15f: {  	v38 =	vadd.s32 $0x245, v0;
	v5 =	vadd.f32 v50, v5;
	v50 =	vmul.f32 v41, v15;
	v41 =	vld.idx.msk [tilespmem:v30+s30+$0x0], $0xffff  }
0x160: {  	v18 =	vmul.f32 v34, v8;
	v11 =	vadd.f32 v14, v11;
	v20 =	vadd.f32 v20, v21  }
0x161: {  	v51 =	vld.idx.msk [tilespmem:v42+s30+$0x0], $0xffff;
	v12 =	vadd.f32 v12, v5;
	v19 =	vmul.f32 v19, v7;
	v10 =	vmul.f32 v10, v13  }
0x162: {  	v34 =	vadd.s32 $0x1B5, v0;
	v14 =	vmul.f32 v37, v13;
	v21 =	vld.idx.msk [tilespmem:v35+s30+$0x0], $0xffff;
	v5 =	vmul.f32 $6.103515630e-05, v20  }
0x163: {  	v61 =	vld.idx.msk [tilespmem:v52+s30+$0x0], $0xffff;
	v59 =	vperm.xlane v12, v1;
	v19 =	vadd.f32 v19, v25;
	v10 =	vadd.f32 v10, v11  }
0x164: {  	v36 =	vld.idx.msk [tilespmem:v62+s30+$0x0], $0xffff;
	v11 =	vmul.f32 v48, v16;
	v48 =	vadd.s32 $0x365, v0;
	v52 =	vmul.f32 v41, v9  }
0x165: {  	v25 =	vld.idx.msk [tilespmem:v38+s30+$0x0], $0xffff;
	v38 =	vadd.s32 $0x2D6, v0;
	v41 =	vadd.s32 $0x97, v0;
	v12 =	vadd.f32 v12, v59  }
0x166: {  	v54 =	vld.idx.msk [tilespmem:v46+s30+$0x0], $0xffff;
	v59 =	vmul.f32 v51, v8;
	v51 =	vadd.s32 $0x6, v0;
	v19 =	vadd.f32 v22, v19  }
0x167: {  	v57 =	vld.idx.msk [tilespmem:v49+s30+$0x0], $0xffff;
	v10 =	vadd.f32 v40, v10;
	v21 =	vmul.f32 v21, v7;
	v40 =	vmul.f32 v29, v16  }
0x168: {  	v43 =	vperm.xlane v12, v2;
	v35 =	vmul.f32 v61, v17;
	v18 =	vadd.f32 v18, v19  }
0x169: {  	v32 =	vld.idx.msk [tilespmem:v58+s30+$0x0], $0xffff;
	v10 =	vadd.f32 v44, v10;
	v21 =	vadd.f32 v21, v24;
	v19 =	vmul.f32 v47, v9  }
0x16a: {  	v47 =	vmul.f32 v36, v7;
	v36 =	vadd.s32 $0x7, v0;
	v12 =	vadd.f32 v12, v43  }
0x16b: {  	v43 =	vadd.s32 $0x2D5, v0;
	v20 =	vld.idx.msk [tilespmem:v48+s30+$0x0], $0xffff;
	v14 =	vadd.f32 v14, v18;
	v10 =	vadd.f32 v27, v10  }
0x16c: {  	v26 =	vld.idx.msk [tilespmem:v41+s30+$0x0], $0xffff;
	v19 =	vadd.f32 v19, v21;
	v27 =	vmul.f32 v54, v13;
	v18 =	vmul.f32 v57, v15  }
0x16d: {  	v60 =	vperm.xlane v12, v3;
	v14 =	vadd.f32 v50, v14;
	v56 =	vperm.xlane v10, v1  }
0x16e: {  	v63 =	vadd.f32 v59, v19;
	v19 =	vmul.f32 v32, v6;
	v59 =	vadd.s32 $0x126, v0  }
0x16f: {  	v12 =	vadd.f32 v12, v60;
	v60 =	vmul.f32 v25, v13;
	v14 =	vadd.f32 v53, v14  }
0x170: {  	v45 =	vld.idx.msk [tilespmem:v34+s30+$0x0], $0xffff;
	v10 =	vadd.f32 v10, v56;
	v46 =	vadd.f32 $0.0e+00, v19;
	v34 =	vmul.f32 v20, v17  }
0x171: {  	v53 =	vadd.s32 $0x3F5, v0;
	v54 =	vld.idx.msk [tilespmem:v43+s30+$0x0], $0xffff;
	v26 =	vmul.f32 v26, v7;
	v33 =	vperm.xlane v12, v4  }
0x172: {  	v11 =	vadd.f32 v11, v14;
	v28 =	vperm.xlane v10, v2;
	v14 =	vadd.f32 v27, v63  }
0x173: {  	v63 =	vadd.s32 $0x1B6, v0;
	v12 =	vadd.f32 v12, v33;
	v33 =	vadd.s32 $0x246, v0  }
0x174: {  	v61 =	vld.idx.msk [tilespmem:v51+s30+$0x0], $0xffff;
	v31 =	vperm.xlane v11, v1;
	v10 =	vadd.f32 v10, v28;
	v14 =	vadd.f32 v18, v14  }
0x175: {  	v18 =	vadd.f32 v47, v46;
	v46 =	vadd.s32 $0x3F6, v0;
	v47 =	vld.idx.msk [tilespmem:v36+s30+$0x0], $0xffff;
	v36 =	vadd.s32 $0x3F7, v0  }
0x176: {  	v21 =	vld.idx.msk [tilespmem:v53+s30+$0x0], $0xffff;
	v30 =	vmul.f32 v54, v15;
	v11 =	vadd.f32 v11, v31;
	v37 =	vperm.xlane v10, v3  }
0x177: {  	v14 =	vadd.f32 v35, v14;
	v18 =	vadd.f32 v52, v18;
	v31 =	vld.idx.msk [tilespmem:v55+s30+$0x0], $0xffff;
	v52 =	vadd.s32 $0x247, v0  }
0x178: {  	v35 =	vld.idx.msk [tilespmem:v59+s30+$0x0], $0xffff;
	v55 =	vadd.s32 $0x98, v0;
	v39 =	vperm.xlane v11, v2;
	v42 =	vadd.f32 v10, v37  }
0x179: {  	v10 =	vmul.f32 $6.103515630e-05, v12;
	v44 =	vadd.f32 v40, v14;
	v14 =	vmul.f32 v45, v8  }
0x17a: {  	v37 =	vmul.f32 v61, v6;
	v40 =	vld.idx.msk [tilespmem:v63+s30+$0x0], $0xffff;
	v61 =	vadd.s32 $0x367, v0;
	v63 =	vadd.s32 $0x1B8, v0  }
0x17b: {  	v11 =	vadd.f32 v11, v39;
	v50 =	vperm.xlane v44, v1;
	v56 =	vperm.xlane v42, v4  }
0x17c: {  	v24 =	vld.idx.msk [tilespmem:v33+s30+$0x0], $0xffff;
	v14 =	vadd.f32 v14, v18;
	v39 =	vmul.f32 v21, v16;
	v23 =	vadd.f32 $0.0e+00, v37  }
0x17d: {  	v20 =	vmul.f32 v35, v9;
	v22 =	vadd.f32 v42, v56;
	v42 =	vadd.s32 $0x366, v0  }
0x17e: {  	v25 =	vld.idx.msk [tilespmem:v38+s30+$0x0], $0xffff;
	v49 =	vperm.xlane v11, v3;
	v12 =	vadd.f32 v44, v50;
	v50 =	vadd.s32 $0x8, v0  }
0x17f: {  	v28 =	vld.idx.msk [tilespmem:v55+s30+$0x0], $0xffff;
	v55 =	vadd.s32 $0x482, v0;
	v14 =	vadd.f32 v60, v14;
	v60 =	vadd.s32 $0x128, v0  }
0x180: {  	v44 =	vadd.s32 $0x127, v0;
	v11 =	vadd.f32 v11, v49;
	v58 =	vperm.xlane v12, v2  }
0x181: {  	v21 =	vmul.f32 v40, v8;
	v53 =	vmul.f32 v24, v13;
	v14 =	vadd.f32 v30, v14  }
0x182: {  	v49 =	vadd.s32 $0x1B7, v0;
	v57 =	vperm.xlane v11, v4;
	v62 =	vadd.f32 v12, v58;
	v51 =	vld.idx.msk [tilespmem:v42+s30+$0x0], $0xffff  }
0x183: {  	v12 =	vmul.f32 $6.103515630e-05, v22;
	v14 =	vadd.f32 v34, v14;
	v22 =	vmul.f32 v31, v7;
	v31 =	vld.idx.msk [tilespmem:v50+s30+$0x0], $0xffff  }
0x184: {  	v58 =	vmul.f32 v25, v15;
	v7 =	vmul.f32 v28, v7;
	v34 =	vadd.s32 $0x486, v0;
	v41 =	vld.idx.msk [tilespmem:v60+s30+$0x0], $0xffff  }
0x185: {  	v42 =	vld.idx.msk [tilespmem:v61+s30+$0x0], $0xffff;
	v50 =	vadd.s32 $0x480, v0;
	v60 =	vadd.s32 $0x484, v0;
	v61 =	vadd.s32 $0x485, v0  }
0x186: {  	v11 =	vadd.f32 v11, v57;
	v32 =	vperm.xlane v62, v3;
	v18 =	vadd.f32 v39, v14  }
0x187: {  	v54 =	vld.idx.msk [tilespmem:v44+s30+$0x0], $0xffff;
	v45 =	vadd.f32 v22, v23;
	v23 =	vmul.f32 v47, v6;
	v57 =	vadd.s32 $0x2D7, v0  }
0x188: {  	v22 =	vld.idx.msk [tilespmem:v46+s30+$0x0], $0xffff;
	v39 =	vadd.s32 $0x248, v0;
	v46 =	vadd.s32 $0x3F8, v0;
	v11 =	vmul.f32 $6.103515630e-05, v11  }
0x189: {  	v59 =	vld.idx.msk [tilespmem:v49+s30+$0x0], $0xffff;
	v19 =	vadd.f32 v62, v32;
	v48 =	vperm.xlane v18, v1;
	v20 =	vadd.f32 v20, v45  }
0x18a: {  	v23 =	vadd.f32 $0.0e+00, v23;
	v62 =	vld.idx.msk [tilespmem:v52+s30+$0x0], $0xffff;
	v45 =	vadd.s32 $0x368, v0;
	v52 =	vadd.s32 $0x481, v0  }
0x18b: {  	v44 =	vld.idx.msk [tilespmem:v63+s30+$0x0], $0xffff;
	v43 =	vperm.xlane v19, v4;
	v18 =	vadd.f32 v18, v48;
	v20 =	vadd.f32 v21, v20  }
0x18c: {  	v23 =	vadd.f32 v26, v23;
	v24 =	vmul.f32 v54, v9;
	v6 =	vmul.f32 v31, v6;
	v26 =	vld.idx.msk [tilespmem:v36+s30+$0x0], $0xffff  }
0x18d: {  	v49 =	vmul.f32 v41, v9;
	v37 =	vmul.f32 v22, v16;
	v48 =	vld.idx.msk [tilespmem:v39+s30+$0x0], $0xffff;
	v39 =	vadd.s32 $0x488, v0  }
0x18e: {  	v9 =	vld.idx.msk [tilespmem:v50+s30+$0x0], $0xffff;
	v19 =	vadd.f32 v19, v43;
	v56 =	vperm.xlane v18, v2;
	v20 =	vadd.f32 v53, v20  }
0x18f: {  	v38 =	vld.idx.msk [tilespmem:v57+s30+$0x0], $0xffff;
	v23 =	vadd.f32 v24, v23;
	v40 =	vmul.f32 v59, v8;
	v43 =	vadd.s32 $0x2D8, v0  }
0x190: {  	v6 =	vadd.f32 $0.0e+00, v6;
	v53 =	vmul.f32 v44, v8;
	v24 =	vld.idx.msk [tilespmem:v55+s30+$0x0], $0xffff;
	v55 =	vadd.s32 $0x517, v0  }
0x191: {  	v21 =	vmul.f32 v62, v13;
	v54 =	vld.idx.msk [tilespmem:v45+s30+$0x0], $0xffff;
	v45 =	vadd.s32 $0x512, v0;
	v14 =	vmul.f32 $6.103515630e-05, v19  }
0x192: {  	v57 =	vld.idx.msk [tilespmem:v46+s30+$0x0], $0xffff;
	v20 =	vadd.f32 v58, v20;
	v19 =	vmul.f32 v51, v17;
	v18 =	vadd.f32 v18, v56  }
0x193: {  	v23 =	vadd.f32 v40, v23;
	v6 =	vadd.f32 v7, v6;
	v58 =	vadd.s32 $0x483, v0  }
0x194: {  	v30 =	vld [tilespmem:$0x1590];
	v56 =	vmul.f32 v26, v16;
	v9 =	vmul.f32 v9, v5;
	v19 =	vadd.f32 v19, v20  }
0x195: {  	v63 =	vld.idx.msk [tilespmem:v52+s30+$0x0], $0xffff;
	v21 =	vadd.f32 v21, v23;
	v22 =	vmul.f32 v38, v15;
	v20 =	vmul.f32 v42, v17  }
0x196: {  	v6 =	vadd.f32 v49, v6;
	v59 =	vmul.f32 v48, v13;
	v13 =	vld [tilespmem:$0x1580];
	v40 =	vperm.xlane v18, v3  }
0x197: {  	v23 =	vld.idx.msk [tilespmem:v60+s30+$0x0], $0xffff;
	v41 =	vmul.f32 v57, v16;
	v42 =	vadd.s32 $0x510, v0;
	v49 =	vadd.s32 $0x514, v0  }
0x198: {  	v16 =	vld.idx.msk [tilespmem:v61+s30+$0x0], $0xffff;
	v57 =	vadd.s32 $0x518, v0;
	v61 =	vadd.s32 $0x5A1, v0;
	v19 =	vadd.f32 v37, v19  }
0x199: {  	v51 =	vld.idx.msk [tilespmem:v43+s30+$0x0], $0xffff;
	v43 =	vadd.s32 $0x511, v0;
	v21 =	vadd.f32 v22, v21;
	v6 =	vadd.f32 v53, v6  }
0x19a: {  	v37 =	vadd.s32 $0x487, v0;
	v38 =	vmul.f32 v54, v17;
	v18 =	vadd.f32 v18, v40;
	v22 =	vld.idx.msk [tilespmem:v34+s30+$0x0], $0xffff  }
0x19b: {  	v53 =	vadd.s32 $0x516, v0;
	v60 =	vmul.f32 v63, v10;
	v63 =	vadd.s32 $0x5A2, v0;
	v17 =	vld.idx.msk [tilespmem:v58+s30+$0x0], $0xffff  }
0x19c: {  	v47 =	vperm.xlane v19, v1;
	v20 =	vadd.f32 v20, v21;
	v6 =	vadd.f32 v59, v6;
	v21 =	vld.idx.msk [tilespmem:v42+s30+$0x0], $0xffff  }
0x19d: {  	v46 =	vperm.xlane v18, v4;
	v59 =	vadd.s32 $0x5A0, v0;
	v31 =	vld.idx.msk [tilespmem:v49+s30+$0x0], $0xffff;
	v9 =	vadd.f32 v9, v13  }
0x19e: {  	v42 =	vmul.f32 v24, v12;
	v24 =	vld.idx.msk [tilespmem:v57+s30+$0x0], $0xffff;
	v57 =	vadd.s32 $0x631, v0;
	v19 =	vadd.f32 v19, v47  }
0x19f: {  	v34 =	vld.idx.msk [tilespmem:v61+s30+$0x0], $0xffff;
	v20 =	vadd.f32 v56, v20;
	v62 =	vmul.f32 v51, v15;
	v47 =	vadd.s32 $0x513, v0  }
0x1a0: {  	v7 =	vadd.f32 v18, v46;
	v51 =	vadd.s32 $0x515, v0;
	v26 =	vld.idx.msk [tilespmem:v43+s30+$0x0], $0xffff;
	v43 =	vadd.s32 $0x5A3, v0  }
0x1a1: {  	v18 =	vld.idx.msk [tilespmem:v45+s30+$0x0], $0xffff;
	v45 =	vadd.s32 $0x5A4, v0;
	v9 =	vadd.f32 v60, v9;
	v35 =	vperm.xlane v19, v2  }
0x1a2: {  	v15 =	vld.idx.msk [tilespmem:v53+s30+$0x0], $0xffff;
	v53 =	vadd.s32 $0x5A8, v0;
	v36 =	vperm.xlane v20, v1;
	v6 =	vadd.f32 v62, v6  }
0x1a3: {  	v28 =	vld.idx.msk [tilespmem:v37+s30+$0x0], $0xffff;
	v60 =	vadd.s32 $0x633, v0;
	v7 =	vmul.f32 $6.103515630e-05, v7;
	v19 =	vadd.f32 v19, v35  }
0x1a4: {  	v46 =	vmul.f32 v17, v11;
	v20 =	vadd.f32 v20, v36;
	v6 =	vadd.f32 v38, v6;
	v33 =	vld.idx.msk [tilespmem:v47+s30+$0x0], $0xffff  }
0x1a5: {  	v9 =	vadd.f32 v42, v9;
	v21 =	vmul.f32 v21, v5;
	v29 =	vld.idx.msk [tilespmem:v51+s30+$0x0], $0xffff;
	v25 =	vperm.xlane v19, v3  }
0x1a6: {  	v47 =	vld.idx.msk [tilespmem:v59+s30+$0x0], $0xffff;
	v59 =	vadd.s32 $0x632, v0;
	v44 =	vperm.xlane v20, v2;
	v6 =	vadd.f32 v41, v6  }
0x1a7: {  	v61 =	vmul.f32 v31, v14;
	v51 =	vmul.f32 v23, v14;
	v23 =	vld.idx.msk [tilespmem:v63+s30+$0x0], $0xffff;
	v19 =	vadd.f32 v19, v25  }
0x1a8: {  	v21 =	vadd.f32 v21, v30;
	v30 =	vld.idx.msk [tilespmem:v43+s30+$0x0], $0xffff;
	v20 =	vadd.f32 v20, v44;
	v48 =	vperm.xlane v6, v1  }
0x1a9: {  	v9 =	vadd.f32 v46, v9;
	v26 =	vmul.f32 v26, v10;
	v37 =	vld.idx.msk [tilespmem:v53+s30+$0x0], $0xffff;
	v50 =	vperm.xlane v19, v4  }
0x1aa: {  	v25 =	vld.idx.msk [tilespmem:v39+s30+$0x0], $0xffff;
	v52 =	vperm.xlane v20, v3;
	v27 =	vadd.f32 v6, v48;
	v48 =	vadd.s32 $0x5A5, v0  }
0x1ab: {  	v43 =	vadd.s32 $0x635, v0;
	v17 =	vmul.f32 v47, v5;
	v47 =	vld.idx.msk [tilespmem:v59+s30+$0x0], $0xffff;
	v54 =	vadd.f32 v19, v50  }
0x1ac: {  	v18 =	vmul.f32 v18, v12;
	v20 =	vadd.f32 v20, v52;
	v19 =	vld.idx.msk [tilespmem:v55+s30+$0x0], $0xffff;
	v50 =	vadd.s32 $0x5A6, v0  }
0x1ad: {  	v52 =	vadd.s32 $0x5A7, v0;
	v6 =	vmul.f32 $6.103515630e-05, v54;
	v54 =	vmul.f32 v16, v7;
	v16 =	vld.idx.msk [tilespmem:v45+s30+$0x0], $0xffff  }
0x1ae: {  	v63 =	vadd.s32 $0x634, v0;
	v9 =	vadd.f32 v51, v9;
	v55 =	vadd.s32 $0x630, v0;
	v45 =	vld.idx.msk [tilespmem:v57+s30+$0x0], $0xffff  }
0x1af: {  	v46 =	vadd.s32 $0x636, v0;
	v21 =	vadd.f32 v26, v21;
	v56 =	vperm.xlane v27, v2;
	v26 =	vld.idx.msk [tilespmem:v48+s30+$0x0], $0xffff  }
0x1b0: {  	v41 =	vadd.s32 $0x6C5, v0;
	v58 =	vperm.xlane v20, v4;
	v9 =	vadd.f32 v54, v9;
	v54 =	vld.idx.msk [tilespmem:v43+s30+$0x0], $0xffff  }
0x1b1: {  	v51 =	vmul.f32 v34, v10;
	v27 =	vadd.f32 v27, v56;
	v56 =	vmul.f32 v22, v6;
	v22 =	vld.idx.msk [tilespmem:v50+s30+$0x0], $0xffff  }
0x1b2: {  	v18 =	vadd.f32 v18, v21;
	v20 =	vadd.f32 v20, v58;
	v58 =	vmul.f32 v33, v11;
	v33 =	vld.idx.msk [tilespmem:v52+s30+$0x0], $0xffff  }
0x1b3: {  	v23 =	vmul.f32 v23, v12;
	v57 =	vadd.s32 $0x6C1, v0;
	v62 =	vperm.xlane v27, v3;
	v42 =	vld.idx.msk [tilespmem:v55+s30+$0x0], $0xffff  }
0x1b4: {  	v59 =	vadd.s32 $0x6C2, v0;
	v48 =	vadd.s32 $0x637, v0;
	v15 =	vmul.f32 v15, v6;
	v52 =	vld.idx.msk [tilespmem:v63+s30+$0x0], $0xffff  }
0x1b5: {  	v43 =	vadd.s32 $0x6C6, v0;
	v50 =	vadd.s32 $0x638, v0;
	v44 =	vadd.f32 v27, v62;
	v27 =	vld [tilespmem:$0x15A0]  }
0x1b6: {  	v55 =	vadd.s32 $0x6C0, v0;
	v63 =	vadd.s32 $0x6C4, v0;
	v8 =	vmul.f32 $6.103515630e-05, v20;
	v62 =	vld [tilespmem:$0x15B0]  }
0x1b7: {  	v13 =	vadd.f32 v56, v9;
	v18 =	vadd.f32 v58, v18;
	v56 =	vld.idx.msk [tilespmem:v46+s30+$0x0], $0xffff;
	v16 =	vmul.f32 v16, v14  }
0x1b8: {  	v46 =	vadd.s32 $0x6C7, v0;
	v32 =	vld.idx.msk [tilespmem:v57+s30+$0x0], $0xffff;
	v49 =	vperm.xlane v44, v4;
	v28 =	vmul.f32 v28, v8  }
0x1b9: {  	v57 =	vld [tilespmem:$0x15D0];
	v18 =	vadd.f32 v61, v18;
	v53 =	vmul.f32 v19, v8;
	v61 =	vadd.s32 $0x6C3, v0  }
0x1ba: {  	v19 =	vmul.f32 v54, v7;
	v20 =	vadd.f32 v44, v49;
	v44 =	vmul.f32 v29, v7;
	v49 =	vld.idx.msk [tilespmem:v60+s30+$0x0], $0xffff  }
0x1bb: {  	v13 =	vadd.f32 v28, v13;
	v58 =	vmul.f32 v42, v5;
	v60 =	vmul.f32 v30, v11;
	v30 =	vld.idx.msk [tilespmem:v50+s30+$0x0], $0xffff  }
0x1bc: {  	v29 =	vmul.f32 v45, v10;
	v40 =	vld.idx.msk [tilespmem:v55+s30+$0x0], $0xffff;
	v42 =	vmul.f32 v47, v12;
	v47 =	vadd.s32 $0x750, v0  }
0x1bd: {  	v45 =	vld.idx.msk [tilespmem:v59+s30+$0x0], $0xffff;
	v50 =	vadd.s32 $0x751, v0;
	v55 =	vadd.s32 $0x753, v0;
	v59 =	vadd.s32 $0x755, v0  }
0x1be: {  	v17 =	vadd.f32 v17, v27;
	v27 =	vld.idx.msk [tilespmem:v41+s30+$0x0], $0xffff;
	v56 =	vmul.f32 v56, v6;
	v9 =	vmul.f32 $6.103515630e-05, v20  }
0x1bf: {  	v18 =	vadd.f32 v44, v18;
	v20 =	vld.idx.msk [tilespmem:v48+s30+$0x0], $0xffff;
	v44 =	vmul.f32 v26, v7;
	v48 =	vmul.f32 v22, v6  }
0x1c0: {  	v22 =	vld.idx.msk [tilespmem:v63+s30+$0x0], $0xffff;
	v17 =	vadd.f32 v51, v17;
	v51 =	vmul.f32 v33, v8;
	v25 =	vmul.f32 v25, v9  }
0x1c1: {  	v33 =	vld.idx.msk [tilespmem:v43+s30+$0x0], $0xffff;
	v15 =	vadd.f32 v15, v18;
	v18 =	vadd.f32 v58, v62;
	v24 =	vmul.f32 v24, v9  }
0x1c2: {  	v62 =	vld [tilespmem:$0x15C0];
	v58 =	vadd.s32 $0x754, v0;
	v37 =	vmul.f32 v37, v9;
	v17 =	vadd.f32 v23, v17  }
0x1c3: {  	v21 =	vmul.f32 v49, v11;
	v49 =	vmul.f32 v52, v14;
	v52 =	vadd.s32 $0x6C8, v0;
	v54 =	vld.idx.msk [tilespmem:v47+s30+$0x0], $0xffff  }
0x1c4: {  	v23 =	vmul.f32 v40, v5;
	v28 =	vld.idx.msk [tilespmem:v50+s30+$0x0], $0xffff;
	v40 =	vadd.s32 $0x757, v0;
	v18 =	vadd.f32 v29, v18  }
0x1c5: {  	v41 =	vld.idx.msk [tilespmem:v55+s30+$0x0], $0xffff;
	v47 =	vadd.s32 $0x870, v0;
	v50 =	vadd.s32 $0x7E1, v0;
	v30 =	vmul.f32 v30, v9  }
0x1c6: {  	v55 =	vadd.s32 $0x7E2, v0;
	v13 =	vadd.f32 v25, v13;
	v29 =	vld.idx.msk [tilespmem:v61+s30+$0x0], $0xffff;
	v18 =	vadd.f32 v42, v18  }
0x1c7: {  	v15 =	vadd.f32 v53, v15;
	v53 =	vadd.s32 $0x752, v0;
	v61 =	vadd.s32 $0x756, v0;
	v43 =	vld.idx.msk [tilespmem:v58+s30+$0x0], $0xffff  }
0x1c8: {  	v17 =	vadd.f32 v60, v17;
	v60 =	vmul.f32 v20, v8;
	v18 =	vadd.f32 v21, v18;
	v21 =	vld.idx.msk [tilespmem:v46+s30+$0x0], $0xffff  }
0x1c9: {  	v22 =	vmul.f32 v22, v14;
	v15 =	vadd.f32 v24, v15;
	v42 =	vmul.f32 v45, v12;
	v46 =	vld.idx.msk [tilespmem:v59+s30+$0x0], $0xffff  }
0x1ca: {  	v33 =	vmul.f32 v33, v6;
	v23 =	vadd.f32 v23, v62;
	v62 =	vmul.f32 v32, v10;
	v32 =	vld.idx.msk [tilespmem:v40+s30+$0x0], $0xffff  }
0x1cb: {  	v16 =	vadd.f32 v16, v17;
	v58 =	vadd.s32 $0x872, v0;
	v17 =	vmul.f32 v54, v5;
	v35 =	vld.idx.msk [tilespmem:v50+s30+$0x0], $0xffff  }
0x1cc: {  	v45 =	vmul.f32 v28, v10;
	v40 =	vadd.s32 $0x873, v0;
	v31 =	vld.idx.msk [tilespmem:v55+s30+$0x0], $0xffff;
	v50 =	vadd.s32 $0x876, v0  }
0x1cd: {  	v55 =	vadd.s32 $0x7E8, v0;
	v16 =	vadd.f32 v44, v16;
	v63 =	vld.idx.msk [tilespmem:v53+s30+$0x0], $0xffff;
	v23 =	vadd.f32 v62, v23  }
0x1ce: {  	v44 =	vadd.s32 $0x7E0, v0;
	v53 =	vadd.s32 $0x871, v0;
	v18 =	vadd.f32 v49, v18;
	v49 =	vld.idx.msk [tilespmem:v61+s30+$0x0], $0xffff  }
0x1cf: {  	v17 =	vadd.f32 v17, v57;
	v57 =	vld.idx.msk [tilespmem:v47+s30+$0x0], $0xffff;
	v61 =	vadd.s32 $0x7E3, v0;
	v47 =	vadd.s32 $0x7E6, v0  }
0x1d0: {  	v16 =	vadd.f32 v48, v16;
	v23 =	vadd.f32 v42, v23;
	v48 =	vmul.f32 v29, v11  }
0x1d1: {  	v20 =	vld.idx.msk [tilespmem:v52+s30+$0x0], $0xffff;
	v18 =	vadd.f32 v19, v18;
	v17 =	vadd.f32 v45, v17;
	v19 =	vmul.f32 v41, v11  }
0x1d2: {  	v52 =	vld [tilespmem:$0x15E0];
	v59 =	vmul.f32 v43, v14;
	v41 =	vadd.s32 $0x7E4, v0;
	v43 =	vadd.s32 $0x874, v0  }
0x1d3: {  	v16 =	vadd.f32 v51, v16;
	v23 =	vadd.f32 v48, v23;
	v28 =	vmul.f32 v46, v7;
	v54 =	vld.idx.msk [tilespmem:v44+s30+$0x0], $0xffff  }
0x1d4: {  	v62 =	vld [tilespmem:$0x15F0];
	v45 =	vmul.f32 v35, v10;
	v46 =	vadd.s32 $0x875, v0;
	v48 =	vmul.f32 v31, v12  }
0x1d5: {  	v42 =	vld.idx.msk [tilespmem:v58+s30+$0x0], $0xffff;
	v21 =	vmul.f32 v21, v8;
	v31 =	vmax.f32 v13, v15;
	v18 =	vadd.f32 v56, v18  }
0x1d6: {  	v51 =	vmul.f32 v63, v12;
	v56 =	vmul.f32 v27, v7;
	v63 =	vld.idx.msk [tilespmem:v53+s30+$0x0], $0xffff;
	v44 =	vadd.s32 $0x7E5, v0  }
0x1d7: {  	v16 =	vadd.f32 v37, v16;
	v22 =	vadd.f32 v22, v23;
	v29 =	vmul.f32 v49, v6  }
0x1d8: {  	v34 =	vld.idx.msk [tilespmem:v40+s30+$0x0], $0xffff;
	v18 =	vadd.f32 v60, v18;
	v17 =	vadd.f32 v51, v17;
	v25 =	vmul.f32 v54, v5  }
0x1d9: {  	v23 =	vld.idx.msk [tilespmem:v61+s30+$0x0], $0xffff;
	v60 =	vadd.s32 $0x758, v0;
	v22 =	vadd.f32 v56, v22;
	v5 =	vmul.f32 v57, v5  }
0x1da: {  	v49 =	vld.idx.msk [tilespmem:v41+s30+$0x0], $0xffff;
	v51 =	vmul.f32 v42, v12;
	v17 =	vadd.f32 v19, v17;
	v24 =	vadd.f32 v25, v52  }
0x1db: {  	v53 =	vld.idx.msk [tilespmem:v43+s30+$0x0], $0xffff;
	v18 =	vadd.f32 v30, v18;
	v10 =	vmul.f32 v63, v10;
	v5 =	vadd.f32 v5, v62  }
0x1dc: {  	v56 =	vld.idx.msk [tilespmem:v46+s30+$0x0], $0xffff;
	v22 =	vadd.f32 v33, v22;
	v52 =	vadd.s32 $0x7E7, v0;
	v24 =	vadd.f32 v45, v24  }
0x1dd: {  	v54 =	vadd.s32 $0x877, v0;
	v57 =	vmul.f32 v32, v8;
	v25 =	vld.idx.msk [tilespmem:v44+s30+$0x0], $0xffff;
	v5 =	vadd.f32 v10, v5  }
0x1de: {  	v19 =	vld.idx.msk [tilespmem:v47+s30+$0x0], $0xffff;
	v17 =	vadd.f32 v59, v17;
	v23 =	vmul.f32 v23, v11;
	v24 =	vadd.f32 v48, v24  }
0x1df: {  	v11 =	vmul.f32 v34, v11;
	v59 =	vld.idx.msk [tilespmem:v50+s30+$0x0], $0xffff;
	v0 =	vadd.s32 $0x878, v0;
	v5 =	vadd.f32 v51, v5  }
0x1e0: {  	v26 =	vld.idx.msk [tilespmem:v60+s30+$0x0], $0xffff;
	v17 =	vadd.f32 v28, v17;
	v58 =	vmul.f32 v49, v14;
	v23 =	vadd.f32 v23, v24  }
0x1e1: {  	v21 =	vadd.f32 v21, v22;
	v60 =	vmul.f32 v53, v14;
	v12 =	vld.idx.msk [tilespmem:v52+s30+$0x0], $0xffff;
	v5 =	vadd.f32 v11, v5  }
0x1e2: {  	v17 =	vadd.f32 v29, v17;
	v63 =	vmul.f32 v25, v7;
	v24 =	vld.idx.msk [tilespmem:v54+s30+$0x0], $0xffff;
	v62 =	vadd.f32 v58, v23  }
0x1e3: {  	v10 =	vld.idx.msk [tilespmem:v55+s30+$0x0], $0xffff;
	v19 =	vmul.f32 v19, v6;
	v7 =	vmul.f32 v56, v7;
	v5 =	vadd.f32 v60, v5  }
0x1e4: {  	v61 =	vadd.f32 v57, v17;
	v25 =	vmul.f32 v20, v9;
	v0 =	vld.idx.msk [tilespmem:v0+s30+$0x0], $0xffff;
	v17 =	vadd.f32 v63, v62  }
0x1e5: {  	v6 =	vmul.f32 v59, v6;
	v27 =	vmul.f32 v26, v9;
	v5 =	vadd.f32 v7, v5  }
0x1e6: {  	v11 =	vadd.f32 v25, v21;
	v12 =	vmul.f32 v12, v8;
	v29 =	vadd.f32 v19, v17  }
0x1e7: {  	v28 =	vadd.f32 v27, v61;
	v30 =	vmul.f32 v24, v8;
	v5 =	vadd.f32 v6, v5  }
0x1e8: {  	v10 =	vmul.f32 v10, v9;
	v8 =	vmax.f32 v31, v16;
	v12 =	vadd.f32 v12, v29  }
0x1e9: {  	v0 =	vmul.f32 v0, v9;
	v32 =	vmax.f32 v8, v18;
	v5 =	vadd.f32 v30, v5  }
0x1ea: {  	v6 =	vmax.f32 v32, v11;
	v33 =	vadd.f32 v10, v12  }
0x1eb: {  	v34 =	vmax.f32 v6, v28;
	v0 =	vadd.f32 v0, v5  }
0x1ec: {  	v5 =	vmax.f32 v34, v33  }
0x1ed: {  	v5 =	vmax.f32 v5, v0  }
0x1ee: {  	v35 =	vperm.xlane v5, v1;
	_ =	sdelay $0x1  }
0x1ef: {  	v5 =	vmax.f32 v5, v35  }
0x1f0: {  	v6 =	vperm.xlane v5, v2;
	_ =	sdelay $0x1  }
0x1f1: {  	v5 =	vmax.f32 v5, v6  }
0x1f2: {  	v6 =	vperm.xlane v5, v3;
	_ =	sdelay $0x1  }
0x1f3: {  	v5 =	vmax.f32 v5, v6  }
0x1f4: {  	v6 =	vperm.xlane v5, v4;
	_ =	sdelay $0x1  }
0x1f5: {  	v5 =	vmax.f32 v5, v6  }
0x1f6: {  	v6 =	vsub.f32 v13, v5;
	_ =	sdelay $0x1  }
0x1f7: {  	v36 =	vmul.f32 $1.442695020e+00, v6  }
0x1f8: {  	v37 =	vsub.f32 v15, v5  }
0x1f9: {  	(erf) = vpow2.f32 v36  }
0x1fa: {  	v39 =	vsub.f32 v16, v5;
	v38 =	vmul.f32 $1.442695020e+00, v37;
	_ =	sdelay $0x1  }
0x1fb: {  	v41 =	vsub.f32 v18, v5;
	v40 =	vmul.f32 $1.442695020e+00, v39;
	(erf) = vpow2.f32 v38;
	_ =	sdelay $0x1  }
0x1fc: {  	v11 =	vsub.f32 v11, v5;
	v42 =	vmul.f32 $1.442695020e+00, v41;
	(erf) = vpow2.f32 v40;
	_ =	sdelay $0x1  }
0x1fd: {  	v7 =	vsub.f32 v28, v5;
	v43 =	vmul.f32 $1.442695020e+00, v11;
	(erf) = vpow2.f32 v42;
	_ =	sdelay $0x1  }
0x1fe: {  	v8 =	vsub.f32 v33, v5;
	v45 =	vmul.f32 $1.442695020e+00, v7;
	v44 =	vpop (erf);
	(erf) = vpow2.f32 v43  }
0x1ff: {  	v0 =	vsub.f32 v0, v5  }
0x200: {  	v46 =	vmul.f32 $1.442695020e+00, v8;
	v14 =	vadd.f32 $0.0e+00, v44;
	(erf) = vpow2.f32 v45  }
0x201: {  	v47 =	vpop (erf)  }
0x202: {  	v48 =	vmul.f32 $1.442695020e+00, v0;
	(erf) = vpow2.f32 v46;
	v5 =	vadd.f32 v14, v47  }
0x203: {  	v49 =	vpop (erf)  }
0x204: {  	(erf) = vpow2.f32 v48;
	v5 =	vadd.f32 v5, v49  }
0x205: {  	v50 =	vpop (erf)  }
0x206: {  	v5 =	vadd.f32 v5, v50  }
0x207: {  	v51 =	vpop (erf)  }
0x208: {  	v5 =	vadd.f32 v5, v51  }
0x209: {  	v52 =	vpop (erf)  }
0x20a: {  	v5 =	vadd.f32 v5, v52  }
0x20b: {  	v53 =	vpop (erf)  }
0x20c: {  	v5 =	vadd.f32 v5, v53  }
0x20d: {  	v54 =	vpop (erf)  }
0x20e: {  	v5 =	vadd.f32 v5, v54;
	_ =	sdelay $0x1  }
0x20f: {  	v1 =	vperm.xlane v5, v1;
	_ =	sdelay $0x1  }
0x210: {  	v1 =	vadd.f32 v5, v1;
	_ =	sdelay $0x1  }
0x211: {  	v2 =	vperm.xlane v1, v2;
	_ =	sdelay $0x1  }
0x212: {  	v1 =	vadd.f32 v1, v2;
	_ =	sdelay $0x1  }
0x213: {  	v2 =	vperm.xlane v1, v3;
	_ =	sdelay $0x1  }
0x214: {  	v1 =	vadd.f32 v1, v2;
	_ =	sdelay $0x1  }
0x215: {  	v2 =	vperm.xlane v1, v4;
	_ =	sdelay $0x1  }
0x216: {  	v1 =	vadd.f32 v1, v2;
	_ =	sdelay $0x1  }
0x217: {  	v2 =	vand.u32 $0x7FFFFF, v1  }
0x218: {  	v2 =	vor.u32 $0x3F800000, v2  }
0x219: {  	v2 =	vadd.f32 $-1.000000000e+00, v2;
	_ =	sdelay $0x1  }
0x21a: {  	v55 =	vmul.f32 $-3.333333430e-01, v2;
	_ =	sdelay $0x1  }
0x21b: {  	v3 =	vadd.f32 $5.000000000e-01, v55  }
0x21c: {  	v56 =	vshrl.u32 v1, $0x17  }
0x21d: {  	v4 =	vand.u32 $0xFF, v56;
	v3 =	vmul.f32 v3, v2  }
0x21e: {  	v4 =	vadd.s32 $0xFFFFFF81, v4  }
0x21f: {  	v4 =	vcvt.s32.f32 v4;
	v3 =	vsub.f32 $1.000000000e+00, v3;
	_ =	sdelay $0x1  }
0x220: {  	v4 =	vmul.f32 $6.931471820e-01, v4;
	v2 =	vmul.f32 v3, v2;
	_ =	sdelay $0x1  }
0x221: {  	v2 =	vadd.f32 v2, v4;
	_ =	sdelay $0x1  }
0x222: {  	v57 =	vsub.f32 $0.0e+00, v2;
	_ =	sdelay $0x1  }
0x223: {  	v3 =	vmul.f32 $1.442695020e+00, v57;
	_ =	sdelay $0x1  }
0x224: {  	(erf) = vpow2.f32 v3;
	_ =	sdelay $0x8  }
0x225: {  	v3 =	vpop (erf)  }
0x226: {  	v2 =	vadd.f32 $-1.000000000e+00, v2;
	v3 =	vmul.f32 v3, v1;
	_ =	sdelay $0x1  }
0x227: {  	v2 =	vadd.f32 v3, v2;
	_ =	sdelay $0x1  }
0x228: {  	v3 =	vsub.f32 $0.0e+00, v2;
	_ =	sdelay $0x1  }
0x229: {  	v3 =	vmul.f32 $1.442695020e+00, v3;
	_ =	sdelay $0x1  }
0x22a: {  	(erf) = vpow2.f32 v3;
	_ =	sdelay $0x8  }
0x22b: {  	v3 =	vpop (erf)  }
0x22c: {  	v2 =	vadd.f32 $-1.000000000e+00, v2;
	v3 =	vmul.f32 v3, v1;
	_ =	sdelay $0x1  }
0x22d: {  	v2 =	vadd.f32 v3, v2;
	_ =	sdelay $0x1  }
0x22e: {  	v3 =	vsub.f32 $0.0e+00, v2;
	_ =	sdelay $0x1  }
0x22f: {  	v3 =	vmul.f32 $1.442695020e+00, v3;
	_ =	sdelay $0x1  }
0x230: {  	(erf) = vpow2.f32 v3;
	_ =	sdelay $0x8  }
0x231: {  	v3 =	vpop (erf)  }
0x232: {  	v2 =	vadd.f32 $-1.000000000e+00, v2;
	v1 =	vmul.f32 v3, v1;
	_ =	sdelay $0x1  }
0x233: {  	v1 =	vadd.f32 v1, v2;
	_ =	sdelay $0x1  }
0x234: {  	v2 =	vsub.f32 v6, v1  }
0x235: {  	v58 =	vsub.f32 v37, v1  }
0x236: {  	v59 =	vsub.f32 v39, v1;
	[tilespmem:$0x1600] =	vst v2  }
0x237: {  	v60 =	vsub.f32 v41, v1;
	[tilespmem:$0x1610] =	vst v58  }
0x238: {  	v61 =	vsub.f32 v11, v1;
	[tilespmem:$0x1620] =	vst v59  }
0x239: {  	v62 =	vsub.f32 v7, v1;
	[tilespmem:$0x1630] =	vst v60  }
0x23a: {  	v63 =	vsub.f32 v8, v1;
	[tilespmem:$0x1640] =	vst v61  }
0x23b: {  	v0 =	vsub.f32 v0, v1;
	[tilespmem:$0x1650] =	vst v62  }
0x23c: {  	[tilespmem:$0x1660] =	vst v63  }
0x23d: {  	s31 =	simm.s32 $0x1600;
	[tilespmem:$0x1670] =	vst v0  }
0x23e: {  	[hbm4b:s1+s2] =	stream.linear.scatter [tilespmem:s31], [sflag:$0x3], $0x80, $0x38;
	[tilespmem:$0x1700] =	vst v63  }
0x23f: {  	_ =	swait.ge [sflag:s3], $0x80  }
0x240: {  	[sflag:s3] =	ssyncset.done $0x0  }
0x241: {  	[sflag:s3] =	ssyncadd.s32 $0xFFFFFF80  }
0x242: {  	_ =	sfence.sel $0x180000  }
0x243: {  	[bflag:$0x0] =	sbarrier.arrive $0xFFFF  }
0x244: {  	_ =	strace $0x90000047  }
0x245: {  	s0 =	sadd.s32 $0x100000, s0;
	[bflag:$0x2] =	sbarrier.arrive $0xFFFF  }
0x246: {  	[sflag:s0] =	ssyncadd.tile.s32 $0x1;
	_ =	shalt  }
.Lfunc_end2:
_tile_overlayer_lowered:
.L_overlay_start_2:
0x247: {  	(tag) =	ssettag $0x2  }
0x248: {  	s0 =	rddreg [dreg:$0x0];
	s2 =	stileid.u32  }
0x249: {  	s1 =	rddreg [dreg:$0x1];
	p0 =	sne.s32 s2, $0x0  }
0x24a: {  	s3 =	rddreg [dreg:$0x2];
	[bflag:$0x3] =	sbarrier.arrive $0xFFFF;
	s2 =	simm.s32 @!p0 $0x1C03  }
0x24b: {  	[timem:s3], [sflag:s2] =	dma.local @!p0 [hbm:s0], s1  }
0x24c: {  	s0 =	simm.s32 @!p0 $0x3  }
0x24d: {  	_ =	swait.ge @!p0 [sflag:s0], s1  }
0x24e: {  	s1 =	ssub.s32 @!p0 $0x0, s1;
	[sflag:s0] =	ssyncset.done @!p0 $0x0  }
0x24f: {  	[sflag:s0] =	ssyncadd.s32 @!p0 s1  }
0x250: {  	[bflag:$0x3] =	sbarrier.arrive $0xFFFF  }
0x251: {  	_ =	shalt  }

</sc_bundles>
